<compile_context>
chip_gen: v7x
topology: tpu7x:2x2x1
jax: 0.10.2.dev20260603
libtpu: 0.0.44.dev20260713+nightly
codegen_flags: <defaults>
</compile_context>

<pallas_src>
import functools

import jax
import jax.numpy as jnp
from jax import lax
from jax.experimental import pallas as pl
from jax.experimental.pallas import tpu as pltpu
from jax.experimental.pallas import tpu_sc as plsc

N = 10000
E = 160000
D = 256
DH = 128

NC = 2
NT = 16
NPAD = 10240
RPT = NPAD // NT
EPAD = 163840
CHUNK = 128
NBUF = 2

RB = 1000
NRB = N // RB


@functools.cache
def _sc_kernels():
    mesh = plsc.VectorSubcoreMesh(
        core_axis_name="c", subcore_axis_name="s", num_cores=NC, num_subcores=NT
    )

    @functools.partial(
        pl.kernel,
        out_type=jax.ShapeDtypeStruct((NC * NPAD,), jnp.float32),
        mesh=mesh,
        scratch_types=[
            pltpu.VMEM((CHUNK,), jnp.int32),
            pltpu.VMEM((CHUNK,), jnp.float32),
            pltpu.VMEM_SHARED((NPAD,), jnp.float32),
        ],
    )
    def _sc_degree(dst_hbm, ones_hbm, zeros_hbm, out_hbm, didx, ones_v, accd):
        c = lax.axis_index("c")
        s = lax.axis_index("s")
        wid = c * NT + s

        pltpu.sync_copy(ones_hbm, ones_v)
        pltpu.sync_copy(zeros_hbm, accd.at[pl.ds(s * RPT, RPT)])
        plsc.subcore_barrier()

        ept = EPAD // (NC * NT)
        eb = wid * ept

        def body(i, carry):
            pltpu.sync_copy(dst_hbm.at[pl.ds(eb + i * CHUNK, CHUNK)], didx)
            pltpu.sync_copy(ones_v, accd.at[didx], add=True)
            return carry

        lax.fori_loop(0, ept // CHUNK, body, 0)
        plsc.subcore_barrier()
        pltpu.sync_copy(
            accd.at[pl.ds(s * RPT, RPT)], out_hbm.at[pl.ds(c * NPAD + s * RPT, RPT)]
        )

    @functools.partial(
        pl.kernel,
        out_type=jax.ShapeDtypeStruct((NC, NPAD, DH), jnp.float32),
        mesh=mesh,
        scratch_types=[
            pltpu.VMEM((2, 2 * NBUF, CHUNK), jnp.int32),
            pltpu.VMEM((NBUF * CHUNK, DH), jnp.float32),
            pltpu.VMEM_SHARED((NPAD, DH), jnp.float32),
            pltpu.SemaphoreType.DMA,
            pltpu.SemaphoreType.DMA,
            pltpu.SemaphoreType.DMA,
        ],
    )
    def _sc_aggregate(h_hbm, idx_hbm, zeros_hbm, out_hbm,
                      cidx, rows, acc, gsem, ssem, isem):
        c = lax.axis_index("c")
        s = lax.axis_index("s")
        hview = h_hbm.at[c]

        pltpu.sync_copy(zeros_hbm, acc.at[pl.ds(s * RPT, RPT)])
        plsc.subcore_barrier()

        bpt = (EPAD // (NBUF * CHUNK)) // NT
        bb = s * bpt

        pltpu.sync_copy(idx_hbm.at[bb], cidx.at[0])
        pltpu.async_copy(idx_hbm.at[bb + 1], cidx.at[1], isem)

        def do_group(idxv):
            gds = [
                pltpu.async_copy(
                    hview.at[idxv.at[b]], rows.at[pl.ds(b * CHUNK, CHUNK)],
                    gsem)
                for b in range(NBUF)
            ]
            sds = []
            for b in range(NBUF):
                gds[b].wait()
                sds.append(
                    pltpu.async_copy(
                        rows.at[pl.ds(b * CHUNK, CHUNK)],
                        acc.at[idxv.at[NBUF + b]], ssem, add=True)
                )
            for d in sds:
                d.wait()

        def pair(i, carry):
            blk = bb + 2 * i
            for par in (0, 1):
                do_group(cidx.at[par])
                nxt = blk + par + 2

                @pl.when(nxt < bb + bpt)
                def _():
                    pltpu.async_copy(idx_hbm.at[nxt], cidx.at[par], isem)

                @pl.when(nxt - 1 < bb + bpt)
                def _():
                    pltpu.make_async_copy(
                        idx_hbm.at[nxt - 1], cidx.at[1 - par], isem
                    ).wait()
            return carry

        lax.fori_loop(0, bpt // 2, pair, 0)
        plsc.subcore_barrier()
        pltpu.sync_copy(
            acc.at[pl.ds(s * RPT, RPT)], out_hbm.at[c, pl.ds(s * RPT, RPT)]
        )

    return _sc_degree, _sc_aggregate


def _tc_head_body(x_ref, w_ref, deg_ref, o_ref):
    dinv = lax.rsqrt(deg_ref[...])
    h = jnp.dot(x_ref[...], w_ref[...], preferred_element_type=jnp.float32) * dinv
    o_ref[0] = h[:, :DH]
    o_ref[1] = h[:, DH:]


def _build_tc_head(interpret=False):
    return pl.pallas_call(
        _tc_head_body,
        grid=(NRB,),
        in_specs=[
            pl.BlockSpec((RB, D), lambda r: (r, 0)),
            pl.BlockSpec((D, D), lambda r: (0, 0)),
            pl.BlockSpec((RB, 1), lambda r: (r, 0)),
        ],
        out_specs=pl.BlockSpec((NC, RB, DH), lambda r: (0, r, 0)),
        out_shape=jax.ShapeDtypeStruct((NC, N, DH), jnp.float32),
        interpret=interpret,
    )


_tc_head = _build_tc_head()


def _layer_tail_y(s_ref, h_ref, deg_ref, b_ref):
    dinv = lax.rsqrt(deg_ref[...])
    sconc = jnp.concatenate([s_ref[0], s_ref[1]], axis=1)
    hconc = jnp.concatenate([h_ref[0], h_ref[1]], axis=1)
    y = (sconc + hconc) * dinv + b_ref[...]
    return y, dinv


def _tc_mid_body(s_ref, h_ref, deg_ref, b_ref, g_ref, be_ref, a_ref, w_ref,
                 o_ref, acc_ref):
    p = pl.program_id(0)
    r = pl.program_id(1)
    y, dinv = _layer_tail_y(s_ref, h_ref, deg_ref, b_ref)

    @pl.when(jnp.logical_and(p == 0, r == 0))
    def _():
        acc_ref[...] = jnp.zeros_like(acc_ref)

    @pl.when(p == 0)
    def _():
        acc_ref[0:1, :] += jnp.sum(y, axis=0, keepdims=True)
        acc_ref[1:2, :] += jnp.sum(y * y, axis=0, keepdims=True)
        o_ref[0] = y[:, :DH]
        o_ref[1] = y[:, DH:]

    @pl.when(p == 1)
    def _():
        mean = acc_ref[0:1, :] / N
        var = acc_ref[1:2, :] / N - mean * mean
        inv = lax.rsqrt(jnp.maximum(var, 0.0) + 1e-5)
        z = (y - mean) * inv * g_ref[...] + be_ref[...]
        z = jnp.where(z >= 0, z, z * a_ref[...])
        h2 = jnp.dot(z, w_ref[...], preferred_element_type=jnp.float32) * dinv
        o_ref[0] = h2[:, :DH]
        o_ref[1] = h2[:, DH:]


def _build_tc_mid(interpret=False):
    return pl.pallas_call(
        _tc_mid_body,
        grid=(2, NRB),
        in_specs=[
            pl.BlockSpec((NC, RB, DH), lambda p, r: (0, r, 0)),
            pl.BlockSpec((NC, RB, DH), lambda p, r: (0, r, 0)),
            pl.BlockSpec((RB, 1), lambda p, r: (r, 0)),
            pl.BlockSpec((1, D), lambda p, r: (0, 0)),
            pl.BlockSpec((1, D), lambda p, r: (0, 0)),
            pl.BlockSpec((1, D), lambda p, r: (0, 0)),
            pl.BlockSpec((1, 1), lambda p, r: (0, 0)),
            pl.BlockSpec((D, D), lambda p, r: (0, 0)),
        ],
        out_specs=pl.BlockSpec((NC, RB, DH), lambda p, r: (0, r, 0)),
        out_shape=jax.ShapeDtypeStruct((NC, N, DH), jnp.float32),
        scratch_shapes=[pltpu.VMEM((2, D), jnp.float32)],
        interpret=interpret,
    )


_tc_mid = _build_tc_mid()


def _tc_tail_body(s_ref, h_ref, deg_ref, b_ref, g_ref, be_ref, a_ref,
                  o_ref, acc_ref):
    p = pl.program_id(0)
    r = pl.program_id(1)
    y, _ = _layer_tail_y(s_ref, h_ref, deg_ref, b_ref)

    @pl.when(jnp.logical_and(p == 0, r == 0))
    def _():
        acc_ref[...] = jnp.zeros_like(acc_ref)

    @pl.when(p == 0)
    def _():
        acc_ref[0:1, :] += jnp.sum(y, axis=0, keepdims=True)
        acc_ref[1:2, :] += jnp.sum(y * y, axis=0, keepdims=True)
        o_ref[...] = y

    @pl.when(p == 1)
    def _():
        mean = acc_ref[0:1, :] / N
        var = acc_ref[1:2, :] / N - mean * mean
        inv = lax.rsqrt(jnp.maximum(var, 0.0) + 1e-5)
        z = (y - mean) * inv * g_ref[...] + be_ref[...]
        o_ref[...] = jnp.where(z >= 0, z, z * a_ref[...])


def _build_tc_tail(interpret=False):
    return pl.pallas_call(
        _tc_tail_body,
        grid=(2, NRB),
        in_specs=[
            pl.BlockSpec((NC, RB, DH), lambda p, r: (0, r, 0)),
            pl.BlockSpec((NC, RB, DH), lambda p, r: (0, r, 0)),
            pl.BlockSpec((RB, 1), lambda p, r: (r, 0)),
            pl.BlockSpec((1, D), lambda p, r: (0, 0)),
            pl.BlockSpec((1, D), lambda p, r: (0, 0)),
            pl.BlockSpec((1, D), lambda p, r: (0, 0)),
            pl.BlockSpec((1, 1), lambda p, r: (0, 0)),
        ],
        out_specs=pl.BlockSpec((RB, D), lambda p, r: (r, 0)),
        out_shape=jax.ShapeDtypeStruct((N, D), jnp.float32),
        scratch_shapes=[pltpu.VMEM((2, D), jnp.float32)],
        interpret=interpret,
    )


_tc_tail = _build_tc_tail()


def kernel(x, edge_index, W1, b1, g1, be1, a1, W2, b2, g2, be2, a2):
    src = edge_index[0]
    dst = edge_index[1]
    pad = EPAD - E
    src_p = jnp.concatenate([src, jnp.zeros((pad,), jnp.int32)])
    dst_p = jnp.concatenate([dst, jnp.full((pad,), N, jnp.int32)])

    ones1 = jnp.ones((CHUNK,), jnp.float32)
    zeros1 = jnp.zeros((RPT,), jnp.float32)
    zeros_dh = jnp.zeros((RPT, DH), jnp.float32)

    b1r = b1.reshape(1, D)
    g1r = g1.reshape(1, D)
    be1r = be1.reshape(1, D)
    a1r = a1.reshape(1, 1)
    b2r = b2.reshape(1, D)
    g2r = g2.reshape(1, D)
    be2r = be2.reshape(1, D)
    a2r = a2.reshape(1, 1)

    sc_degree, sc_aggregate = _sc_kernels()
    degpair = sc_degree(dst_p, ones1, zeros1)
    deg = (1.0 + degpair[:NPAD] + degpair[NPAD:]).reshape(NPAD, 1)

    nblk = EPAD // (NBUF * CHUNK)
    comb = jnp.concatenate(
        [src_p.reshape(nblk, NBUF, CHUNK), dst_p.reshape(nblk, NBUF, CHUNK)],
        axis=1,
    )
    h1 = _tc_head(x, W1, deg)
    s1 = sc_aggregate(h1, comb, zeros_dh)
    h2 = _tc_mid(s1, h1, deg, b1r, g1r, be1r, a1r, W2)
    s2 = sc_aggregate(h2, comb, zeros_dh)
    return _tc_tail(s2, h2, deg, b2r, g2r, be2r, a2r)

# --- scband reference (transcript-rebuilt; emitter-appended) ---
"""Pipeline reference for scband-gcnencoder-28123445854407 (READ-ONLY COPY).

The authoritative reference and input builder live on the scoring server;
editing this copy changes nothing except your own understanding.
"""

import jax, jax.numpy as jnp
import numpy as np

N = 10000
E = 160000
D_IN = 256
D_HID = 256
D_OUT = 256


def setup_inputs(seed: int = 0) -> dict:
    key = jax.random.key(seed)
    ks = jax.random.split(key, 4)
    x = jax.random.normal(ks[0], (N, D_IN), dtype=jnp.float32)
    edge_index = jax.random.randint(ks[1], (2, E), 0, N, dtype=jnp.int32)
    W1 = jax.random.normal(ks[2], (D_IN, D_HID), dtype=jnp.float32) * (1.0 / np.sqrt(D_IN))
    b1 = jnp.zeros((D_HID,), dtype=jnp.float32)
    g1 = jnp.ones((D_HID,), dtype=jnp.float32)
    be1 = jnp.zeros((D_HID,), dtype=jnp.float32)
    a1 = jnp.full((1,), 0.25, dtype=jnp.float32)
    W2 = jax.random.normal(ks[3], (D_HID, D_OUT), dtype=jnp.float32) * (1.0 / np.sqrt(D_HID))
    b2 = jnp.zeros((D_OUT,), dtype=jnp.float32)
    g2 = jnp.ones((D_OUT,), dtype=jnp.float32)
    be2 = jnp.zeros((D_OUT,), dtype=jnp.float32)
    a2 = jnp.full((1,), 0.25, dtype=jnp.float32)
    return {"x": x, "edge_index": edge_index, "W1": W1, "b1": b1, "g1": g1, "be1": be1, "a1": a1, "W2": W2, "b2": b2, "g2": g2, "be2": be2, "a2": a2}


def gcn_conv(x, edge_index, W, b):
    # PyG GCNConv: add self-loops, symmetric normalization D^-1/2 (A+I) D^-1/2 X W + b
    h = x @ W
    src = edge_index[0]
    dst = edge_index[1]
    loop = jnp.arange(N, dtype=src.dtype)
    src = jnp.concatenate([src, loop])
    dst = jnp.concatenate([dst, loop])
    deg = jnp.zeros((N,), dtype=h.dtype).at[dst].add(1.0)
    dinv = jax.lax.rsqrt(deg)  # deg >= 1 due to self loops
    norm = dinv[src] * dinv[dst]
    msg = h[src] * norm[:, None]
    out = jnp.zeros((N, h.shape[1]), dtype=h.dtype).at[dst].add(msg)
    return out + b


def batchnorm(x, g, b, eps=1e-5):
    m = jnp.mean(x, axis=0)
    v = jnp.var(x, axis=0)
    return (x - m) / jnp.sqrt(v + eps) * g + b


def prelu(x, a):
    return jnp.where(x >= 0, x, a * x)


def reference(x, edge_index, W1, b1, g1, be1, a1, W2, b2, g2, be2, a2):
    h = gcn_conv(x, edge_index, W1, b1)
    h = batchnorm(h, g1, be1)
    h = prelu(h, a1)
    h = gcn_conv(h, edge_index, W2, b2)
    h = batchnorm(h, g2, be2)
    h = prelu(h, a2)
    return h

if __name__ == "__main__":
    import jax
    _d = setup_inputs()
    print(jax.jit(kernel)(*tuple(_d.values())))

</pallas_src>

<mosaic_0001>
#map = affine_map<(d0, d1) -> (0)>
module attributes {stable_mosaic.version = 14 : i64} {
  func.func @_sc_degree(%arg0: i32, %arg1: i32, %arg2: memref<163840xi32, #tpu.memory_space<hbm>>, %arg3: memref<128xf32, #tpu.memory_space<hbm>>, %arg4: memref<640xf32, #tpu.memory_space<hbm>>, %arg5: memref<20480xf32, #tpu.memory_space<hbm>>, %arg6: memref<128xi32, #tpu.memory_space<vmem>>, %arg7: memref<128xf32, #tpu.memory_space<vmem>>, %arg8: memref<10240xf32, #tpu.memory_space<vmem_shared>>) attributes {dimension_semantics = [#tpu.dimension_semantics<core_parallel>, #tpu.dimension_semantics<subcore_parallel>], iteration_bounds = array<i64: 2, 16>, scalar_prefetch = 0 : i64, scratch_operands = 3 : i64, tpu.core_type = #tpu.core_type<sc_vector_subcore>, window_params = [{transform_indices = #map}, {transform_indices = #map}, {transform_indices = #map}, {transform_indices = #map}]} {
    %mul3A = arith.constant 16 : i32
    %mul3A_0 = arith.muli %arg0, %mul3A : i32
    %add3A = arith.addi %mul3A_0, %arg1 : i32
    "tpu.region"() ({
      %run_scoped3A = tpu.sem_alloc : memref<!tpu.dma_semaphore, #tpu.memory_space<semaphore_mem>>
      tpu.enqueue_dma source(%arg3 : memref<128xf32, #tpu.memory_space<hbm>>) target(%arg7 : memref<128xf32, #tpu.memory_space<vmem>>) target_semaphore(%run_scoped3A : memref<!tpu.dma_semaphore, #tpu.memory_space<semaphore_mem>>)
      tpu.wait_dma2 semaphore(%run_scoped3A : memref<!tpu.dma_semaphore, #tpu.memory_space<semaphore_mem>>) src(%arg3 : memref<128xf32, #tpu.memory_space<hbm>>) dst(%arg7 : memref<128xf32, #tpu.memory_space<vmem>>)
      tpu.yield
    }) : () -> ()
    %mul3A_1 = arith.constant 640 : i32
    %mul3A_2 = arith.muli %arg1, %mul3A_1 : i32
    "tpu.region"() ({
      %run_scoped3A = tpu.sem_alloc : memref<!tpu.dma_semaphore, #tpu.memory_space<semaphore_mem>>
      %dma_start3A = tpu.memref_slice %arg8[%mul3A_2] : memref<10240xf32, #tpu.memory_space<vmem_shared>> -> memref<640xf32, #tpu.memory_space<vmem_shared>>
      tpu.enqueue_dma source(%arg4 : memref<640xf32, #tpu.memory_space<hbm>>) target(%dma_start3A : memref<640xf32, #tpu.memory_space<vmem_shared>>) target_semaphore(%run_scoped3A : memref<!tpu.dma_semaphore, #tpu.memory_space<semaphore_mem>>)
      %dma_wait3A = tpu.memref_slice %arg8[%mul3A_2] : memref<10240xf32, #tpu.memory_space<vmem_shared>> -> memref<640xf32, #tpu.memory_space<vmem_shared>>
      tpu.wait_dma2 semaphore(%run_scoped3A : memref<!tpu.dma_semaphore, #tpu.memory_space<semaphore_mem>>) src(%arg4 : memref<640xf32, #tpu.memory_space<hbm>>) dst(%dma_wait3A : memref<640xf32, #tpu.memory_space<vmem_shared>>)
      tpu.yield
    }) : () -> ()
    %barrier3A = arith.constant 0 : index
    tpu.barrier barrier_id(%barrier3A)
    %mul3A_3 = arith.constant 5120 : i32
    %mul3A_4 = arith.muli %add3A, %mul3A_3 : i32
    %scan3A = arith.constant 0 : i32
    %scan3A_5 = arith.constant 0 : i32
    %scan3A_6 = arith.constant 40 : i32
    %scan3A_7 = arith.addi %scan3A_5, %scan3A_6 : i32
    %scan3A_8 = arith.constant 1 : i32
    scf.for %scan3A_18 = %scan3A_5 to %scan3A_7 step %scan3A_8  : i32 {
      %mul3A_19 = arith.constant 128 : i32
      %mul3A_20 = arith.muli %scan3A_18, %mul3A_19 : i32
      %add3A_21 = arith.addi %mul3A_4, %mul3A_20 : i32
      "tpu.region"() ({
        %run_scoped3A = tpu.sem_alloc : memref<!tpu.dma_semaphore, #tpu.memory_space<semaphore_mem>>
        %dma_start3A = tpu.memref_slice %arg2[%add3A_21] : memref<163840xi32, #tpu.memory_space<hbm>> -> memref<128xi32, #tpu.memory_space<hbm>>
        %dma_start3A_22 = tpu.memref_slice %arg2[%add3A_21] : memref<163840xi32, #tpu.memory_space<hbm>> -> memref<128xi32, #tpu.memory_space<hbm>>
        tpu.enqueue_dma source(%dma_start3A_22 : memref<128xi32, #tpu.memory_space<hbm>>) target(%arg6 : memref<128xi32, #tpu.memory_space<vmem>>) target_semaphore(%run_scoped3A : memref<!tpu.dma_semaphore, #tpu.memory_space<semaphore_mem>>)
        %dma_wait3A = tpu.memref_slice %arg2[%add3A_21] : memref<163840xi32, #tpu.memory_space<hbm>> -> memref<128xi32, #tpu.memory_space<hbm>>
        %dma_wait3A_23 = tpu.memref_slice %arg2[%add3A_21] : memref<163840xi32, #tpu.memory_space<hbm>> -> memref<128xi32, #tpu.memory_space<hbm>>
        tpu.wait_dma2 semaphore(%run_scoped3A : memref<!tpu.dma_semaphore, #tpu.memory_space<semaphore_mem>>) src(%dma_wait3A_23 : memref<128xi32, #tpu.memory_space<hbm>>) dst(%arg6 : memref<128xi32, #tpu.memory_space<vmem>>)
        tpu.yield
      }) : () -> ()
      "tpu.region"() ({
        %run_scoped3A = tpu.sem_alloc : memref<!tpu.dma_semaphore, #tpu.memory_space<semaphore_mem>>
        %dma_start3A = arith.constant 0 : i32
        %dma_start3A_22 = tpu.memref_slice %arg8[%dma_start3A] : memref<10240xf32, #tpu.memory_space<vmem_shared>> -> memref<10240xf32, #tpu.memory_space<vmem_shared>>
        tpu.enqueue_indirect_dma source(%arg7 : memref<128xf32, #tpu.memory_space<vmem>>) target(%dma_start3A_22 : memref<10240xf32, #tpu.memory_space<vmem_shared>>) offsets(%arg6 : memref<128xi32, #tpu.memory_space<vmem>>) semaphore(%run_scoped3A : memref<!tpu.dma_semaphore, #tpu.memory_space<semaphore_mem>>) {add = true}
        %dma_wait3A = arith.constant 0 : i32
        %dma_wait3A_23 = tpu.memref_slice %arg8[%dma_wait3A] : memref<10240xf32, #tpu.memory_space<vmem_shared>> -> memref<10240xf32, #tpu.memory_space<vmem_shared>>
        tpu.wait_indirect_dma semaphore(%run_scoped3A : memref<!tpu.dma_semaphore, #tpu.memory_space<semaphore_mem>>) src(%arg7 : memref<128xf32, #tpu.memory_space<vmem>>) dst(%dma_wait3A_23 : memref<10240xf32, #tpu.memory_space<vmem_shared>>)
        tpu.yield
      }) : () -> ()
    }
    %scan3A_9 = arith.constant 40 : i32
    %barrier3A_10 = arith.constant 0 : index
    tpu.barrier barrier_id(%barrier3A_10)
    %mul3A_11 = arith.constant 640 : i32
    %mul3A_12 = arith.muli %arg1, %mul3A_11 : i32
    %mul3A_13 = arith.constant 10240 : i32
    %mul3A_14 = arith.muli %arg0, %mul3A_13 : i32
    %mul3A_15 = arith.constant 640 : i32
    %mul3A_16 = arith.muli %arg1, %mul3A_15 : i32
    %add3A_17 = arith.addi %mul3A_14, %mul3A_16 : i32
    "tpu.region"() ({
      %run_scoped3A = tpu.sem_alloc : memref<!tpu.dma_semaphore, #tpu.memory_space<semaphore_mem>>
      %dma_start3A = tpu.memref_slice %arg5[%add3A_17] : memref<20480xf32, #tpu.memory_space<hbm>> -> memref<640xf32, #tpu.memory_space<hbm>>
      %dma_start3A_18 = tpu.memref_slice %arg8[%mul3A_12] : memref<10240xf32, #tpu.memory_space<vmem_shared>> -> memref<640xf32, #tpu.memory_space<vmem_shared>>
      tpu.enqueue_dma source(%dma_start3A_18 : memref<640xf32, #tpu.memory_space<vmem_shared>>) target(%dma_start3A : memref<640xf32, #tpu.memory_space<hbm>>) target_semaphore(%run_scoped3A : memref<!tpu.dma_semaphore, #tpu.memory_space<semaphore_mem>>)
      %dma_wait3A = tpu.memref_slice %arg5[%add3A_17] : memref<20480xf32, #tpu.memory_space<hbm>> -> memref<640xf32, #tpu.memory_space<hbm>>
      %dma_wait3A_19 = tpu.memref_slice %arg8[%mul3A_12] : memref<10240xf32, #tpu.memory_space<vmem_shared>> -> memref<640xf32, #tpu.memory_space<vmem_shared>>
      tpu.wait_dma2 semaphore(%run_scoped3A : memref<!tpu.dma_semaphore, #tpu.memory_space<semaphore_mem>>) src(%dma_wait3A_19 : memref<640xf32, #tpu.memory_space<vmem_shared>>) dst(%dma_wait3A : memref<640xf32, #tpu.memory_space<hbm>>)
      tpu.yield
    }) : () -> ()
    return
  }
}

#map = affine_map<(d0, d1) -> (0, 0, 0)>
#map1 = affine_map<(d0, d1) -> (0, 0)>
module attributes {stable_mosaic.version = 14 : i64} {
  func.func @_sc_aggregate(%arg0: i32, %arg1: i32, %arg2: memref<2x10000x128xf32, #tpu.memory_space<hbm>>, %arg3: memref<640x4x128xi32, #tpu.memory_space<hbm>>, %arg4: memref<640x128xf32, #tpu.memory_space<hbm>>, %arg5: memref<2x10240x128xf32, #tpu.memory_space<hbm>>, %arg6: memref<2x4x128xi32, #tpu.memory_space<vmem>>, %arg7: memref<256x128xf32, #tpu.memory_space<vmem>>, %arg8: memref<10240x128xf32, #tpu.memory_space<vmem_shared>>, %arg9: memref<!tpu.dma_semaphore, #tpu.memory_space<semaphore_mem>>, %arg10: memref<!tpu.dma_semaphore, #tpu.memory_space<semaphore_mem>>, %arg11: memref<!tpu.dma_semaphore, #tpu.memory_space<semaphore_mem>>) attributes {dimension_semantics = [#tpu.dimension_semantics<core_parallel>, #tpu.dimension_semantics<subcore_parallel>], iteration_bounds = array<i64: 2, 16>, scalar_prefetch = 0 : i64, scratch_operands = 6 : i64, tpu.core_type = #tpu.core_type<sc_vector_subcore>, window_params = [{transform_indices = #map}, {transform_indices = #map}, {transform_indices = #map1}, {transform_indices = #map}]} {
    %mul3A = arith.constant 640 : i32
    %mul3A_0 = arith.muli %arg1, %mul3A : i32
    "tpu.region"() ({
      %run_scoped3A_30 = tpu.sem_alloc : memref<!tpu.dma_semaphore, #tpu.memory_space<semaphore_mem>>
      %dma_start3A_31 = arith.constant 0 : i32
      %dma_start3A_32 = tpu.memref_slice %arg8[%mul3A_0, %dma_start3A_31] : memref<10240x128xf32, #tpu.memory_space<vmem_shared>> -> memref<640x128xf32, #tpu.memory_space<vmem_shared>>
      tpu.enqueue_dma source(%arg4 : memref<640x128xf32, #tpu.memory_space<hbm>>) target(%dma_start3A_32 : memref<640x128xf32, #tpu.memory_space<vmem_shared>>) target_semaphore(%run_scoped3A_30 : memref<!tpu.dma_semaphore, #tpu.memory_space<semaphore_mem>>)
      %dma_wait3A = arith.constant 0 : i32
      %dma_wait3A_33 = tpu.memref_slice %arg8[%mul3A_0, %dma_wait3A] : memref<10240x128xf32, #tpu.memory_space<vmem_shared>> -> memref<640x128xf32, #tpu.memory_space<vmem_shared>>
      tpu.wait_dma2 semaphore(%run_scoped3A_30 : memref<!tpu.dma_semaphore, #tpu.memory_space<semaphore_mem>>) src(%arg4 : memref<640x128xf32, #tpu.memory_space<hbm>>) dst(%dma_wait3A_33 : memref<640x128xf32, #tpu.memory_space<vmem_shared>>)
      tpu.yield
    }) : () -> ()
    %barrier3A = arith.constant 0 : index
    tpu.barrier barrier_id(%barrier3A)
    %mul3A_1 = arith.constant 40 : i32
    %mul3A_2 = arith.muli %arg1, %mul3A_1 : i32
    %run_scoped3A = arith.constant 0 : i32
    "tpu.region"() ({
      %run_scoped3A_30 = tpu.sem_alloc : memref<!tpu.dma_semaphore, #tpu.memory_space<semaphore_mem>>
      %dma_start3A_31 = arith.constant 0 : i32
      %dma_start3A_32 = arith.constant 0 : i32
      %dma_start3A_33 = tpu.memref_slice %arg6[%run_scoped3A, %dma_start3A_31, %dma_start3A_32] : memref<2x4x128xi32, #tpu.memory_space<vmem>> -> memref<1x4x128xi32, #tpu.memory_space<vmem>>
      %dma_start3A_34 = tpu.memref_squeeze %dma_start3A_33 : memref<1x4x128xi32, #tpu.memory_space<vmem>> -> memref<4x128xi32, #tpu.memory_space<vmem>>
      %dma_start3A_35 = arith.constant 0 : i32
      %dma_start3A_36 = arith.constant 0 : i32
      %dma_start3A_37 = tpu.memref_slice %arg3[%mul3A_2, %dma_start3A_35, %dma_start3A_36] : memref<640x4x128xi32, #tpu.memory_space<hbm>> -> memref<1x4x128xi32, #tpu.memory_space<hbm>>
      %dma_start3A_38 = tpu.memref_squeeze %dma_start3A_37 : memref<1x4x128xi32, #tpu.memory_space<hbm>> -> memref<4x128xi32, #tpu.memory_space<hbm>>
      %dma_start3A_39 = arith.constant 0 : i32
      %dma_start3A_40 = arith.constant 0 : i32
      %dma_start3A_41 = tpu.memref_slice %arg6[%run_scoped3A, %dma_start3A_39, %dma_start3A_40] : memref<2x4x128xi32, #tpu.memory_space<vmem>> -> memref<1x4x128xi32, #tpu.memory_space<vmem>>
      %dma_start3A_42 = tpu.memref_squeeze %dma_start3A_41 : memref<1x4x128xi32, #tpu.memory_space<vmem>> -> memref<4x128xi32, #tpu.memory_space<vmem>>
      %dma_start3A_43 = arith.constant 0 : i32
      %dma_start3A_44 = arith.constant 0 : i32
      %dma_start3A_45 = tpu.memref_slice %arg3[%mul3A_2, %dma_start3A_43, %dma_start3A_44] : memref<640x4x128xi32, #tpu.memory_space<hbm>> -> memref<1x4x128xi32, #tpu.memory_space<hbm>>
      %dma_start3A_46 = tpu.memref_squeeze %dma_start3A_45 : memref<1x4x128xi32, #tpu.memory_space<hbm>> -> memref<4x128xi32, #tpu.memory_space<hbm>>
      tpu.enqueue_dma source(%dma_start3A_46 : memref<4x128xi32, #tpu.memory_space<hbm>>) target(%dma_start3A_42 : memref<4x128xi32, #tpu.memory_space<vmem>>) target_semaphore(%run_scoped3A_30 : memref<!tpu.dma_semaphore, #tpu.memory_space<semaphore_mem>>)
      %dma_wait3A = arith.constant 0 : i32
      %dma_wait3A_47 = arith.constant 0 : i32
      %dma_wait3A_48 = tpu.memref_slice %arg6[%run_scoped3A, %dma_wait3A, %dma_wait3A_47] : memref<2x4x128xi32, #tpu.memory_space<vmem>> -> memref<1x4x128xi32, #tpu.memory_space<vmem>>
      %dma_wait3A_49 = tpu.memref_squeeze %dma_wait3A_48 : memref<1x4x128xi32, #tpu.memory_space<vmem>> -> memref<4x128xi32, #tpu.memory_space<vmem>>
      %dma_wait3A_50 = arith.constant 0 : i32
      %dma_wait3A_51 = arith.constant 0 : i32
      %dma_wait3A_52 = tpu.memref_slice %arg3[%mul3A_2, %dma_wait3A_50, %dma_wait3A_51] : memref<640x4x128xi32, #tpu.memory_space<hbm>> -> memref<1x4x128xi32, #tpu.memory_space<hbm>>
      %dma_wait3A_53 = tpu.memref_squeeze %dma_wait3A_52 : memref<1x4x128xi32, #tpu.memory_space<hbm>> -> memref<4x128xi32, #tpu.memory_space<hbm>>
      %dma_wait3A_54 = arith.constant 0 : i32
      %dma_wait3A_55 = arith.constant 0 : i32
      %dma_wait3A_56 = tpu.memref_slice %arg6[%run_scoped3A, %dma_wait3A_54, %dma_wait3A_55] : memref<2x4x128xi32, #tpu.memory_space<vmem>> -> memref<1x4x128xi32, #tpu.memory_space<vmem>>
      %dma_wait3A_57 = tpu.memref_squeeze %dma_wait3A_56 : memref<1x4x128xi32, #tpu.memory_space<vmem>> -> memref<4x128xi32, #tpu.memory_space<vmem>>
      %dma_wait3A_58 = arith.constant 0 : i32
      %dma_wait3A_59 = arith.constant 0 : i32
      %dma_wait3A_60 = tpu.memref_slice %arg3[%mul3A_2, %dma_wait3A_58, %dma_wait3A_59] : memref<640x4x128xi32, #tpu.memory_space<hbm>> -> memref<1x4x128xi32, #tpu.memory_space<hbm>>
      %dma_wait3A_61 = tpu.memref_squeeze %dma_wait3A_60 : memref<1x4x128xi32, #tpu.memory_space<hbm>> -> memref<4x128xi32, #tpu.memory_space<hbm>>
      tpu.wait_dma2 semaphore(%run_scoped3A_30 : memref<!tpu.dma_semaphore, #tpu.memory_space<semaphore_mem>>) src(%dma_wait3A_61 : memref<4x128xi32, #tpu.memory_space<hbm>>) dst(%dma_wait3A_57 : memref<4x128xi32, #tpu.memory_space<vmem>>)
      tpu.yield
    }) : () -> ()
    %add3A = arith.constant 1 : i32
    %add3A_3 = arith.addi %mul3A_2, %add3A : i32
    %dma_start3A = arith.constant 1 : i32
    %dma_start3A_4 = arith.constant 0 : i32
    %dma_start3A_5 = arith.constant 0 : i32
    %dma_start3A_6 = tpu.memref_slice %arg6[%dma_start3A, %dma_start3A_4, %dma_start3A_5] : memref<2x4x128xi32, #tpu.memory_space<vmem>> -> memref<1x4x128xi32, #tpu.memory_space<vmem>>
    %dma_start3A_7 = tpu.memref_squeeze %dma_start3A_6 : memref<1x4x128xi32, #tpu.memory_space<vmem>> -> memref<4x128xi32, #tpu.memory_space<vmem>>
    %dma_start3A_8 = arith.constant 0 : i32
    %dma_start3A_9 = arith.constant 0 : i32
    %dma_start3A_10 = tpu.memref_slice %arg3[%add3A_3, %dma_start3A_8, %dma_start3A_9] : memref<640x4x128xi32, #tpu.memory_space<hbm>> -> memref<1x4x128xi32, #tpu.memory_space<hbm>>
    %dma_start3A_11 = tpu.memref_squeeze %dma_start3A_10 : memref<1x4x128xi32, #tpu.memory_space<hbm>> -> memref<4x128xi32, #tpu.memory_space<hbm>>
    %dma_start3A_12 = arith.constant 0 : i32
    %dma_start3A_13 = arith.constant 0 : i32
    %dma_start3A_14 = tpu.memref_slice %arg6[%dma_start3A, %dma_start3A_12, %dma_start3A_13] : memref<2x4x128xi32, #tpu.memory_space<vmem>> -> memref<1x4x128xi32, #tpu.memory_space<vmem>>
    %dma_start3A_15 = tpu.memref_squeeze %dma_start3A_14 : memref<1x4x128xi32, #tpu.memory_space<vmem>> -> memref<4x128xi32, #tpu.memory_space<vmem>>
    %dma_start3A_16 = arith.constant 0 : i32
    %dma_start3A_17 = arith.constant 0 : i32
    %dma_start3A_18 = tpu.memref_slice %arg3[%add3A_3, %dma_start3A_16, %dma_start3A_17] : memref<640x4x128xi32, #tpu.memory_space<hbm>> -> memref<1x4x128xi32, #tpu.memory_space<hbm>>
    %dma_start3A_19 = tpu.memref_squeeze %dma_start3A_18 : memref<1x4x128xi32, #tpu.memory_space<hbm>> -> memref<4x128xi32, #tpu.memory_space<hbm>>
    tpu.enqueue_dma source(%dma_start3A_19 : memref<4x128xi32, #tpu.memory_space<hbm>>) target(%dma_start3A_15 : memref<4x128xi32, #tpu.memory_space<vmem>>) target_semaphore(%arg11 : memref<!tpu.dma_semaphore, #tpu.memory_space<semaphore_mem>>)
    %scan3A = arith.constant 0 : i32
    %scan3A_20 = arith.constant 0 : i32
    %scan3A_21 = arith.constant 20 : i32
    %scan3A_22 = arith.addi %scan3A_20, %scan3A_21 : i32
    %scan3A_23 = arith.constant 1 : i32
    scf.for %scan3A_30 = %scan3A_20 to %scan3A_22 step %scan3A_23  : i32 {
      %mul3A_31 = arith.constant 2 : i32
      %mul3A_32 = arith.muli %mul3A_31, %scan3A_30 : i32
      %add3A_33 = arith.addi %mul3A_2, %mul3A_32 : i32
      %dma_start3A_34 = arith.constant 0 : i32
      %dma_start3A_35 = arith.constant 0 : i32
      %dma_start3A_36 = arith.constant 0 : i32
      %dma_start3A_37 = arith.constant 0 : i32
      %dma_start3A_38 = tpu.memref_slice %arg7[%dma_start3A_36, %dma_start3A_37] : memref<256x128xf32, #tpu.memory_space<vmem>> -> memref<128x128xf32, #tpu.memory_space<vmem>>
      %dma_start3A_39 = arith.constant 0 : i32
      %dma_start3A_40 = arith.constant 0 : i32
      %dma_start3A_41 = tpu.memref_slice %arg6[%dma_start3A_34, %dma_start3A_39, %dma_start3A_40] : memref<2x4x128xi32, #tpu.memory_space<vmem>> -> memref<1x4x128xi32, #tpu.memory_space<vmem>>
      %dma_start3A_42 = tpu.memref_squeeze %dma_start3A_41 : memref<1x4x128xi32, #tpu.memory_space<vmem>> -> memref<4x128xi32, #tpu.memory_space<vmem>>
      %dma_start3A_43 = arith.constant 0 : i32
      %dma_start3A_44 = tpu.memref_slice %dma_start3A_42[%dma_start3A_35, %dma_start3A_43] : memref<4x128xi32, #tpu.memory_space<vmem>> -> memref<1x128xi32, #tpu.memory_space<vmem>>
      %dma_start3A_45 = tpu.memref_squeeze %dma_start3A_44 : memref<1x128xi32, #tpu.memory_space<vmem>> -> memref<128xi32, #tpu.memory_space<vmem>>
      %dma_start3A_46 = arith.constant 0 : i32
      %dma_start3A_47 = arith.constant 0 : i32
      %dma_start3A_48 = tpu.memref_slice %arg2[%arg0, %dma_start3A_46, %dma_start3A_47] : memref<2x10000x128xf32, #tpu.memory_space<hbm>> -> memref<1x10000x128xf32, #tpu.memory_space<hbm>>
      %dma_start3A_49 = tpu.memref_squeeze %dma_start3A_48 : memref<1x10000x128xf32, #tpu.memory_space<hbm>> -> memref<10000x128xf32, #tpu.memory_space<hbm>>
      %dma_start3A_50 = arith.constant 0 : i32
      %dma_start3A_51 = arith.constant 0 : i32
      %dma_start3A_52 = tpu.memref_slice %dma_start3A_49[%dma_start3A_50, %dma_start3A_51] : memref<10000x128xf32, #tpu.memory_space<hbm>> -> memref<10000x128xf32, #tpu.memory_space<hbm>>
      tpu.enqueue_indirect_dma source(%dma_start3A_52 : memref<10000x128xf32, #tpu.memory_space<hbm>>) target(%dma_start3A_38 : memref<128x128xf32, #tpu.memory_space<vmem>>) offsets(%dma_start3A_45 : memref<128xi32, #tpu.memory_space<vmem>>) semaphore(%arg9 : memref<!tpu.dma_semaphore, #tpu.memory_space<semaphore_mem>>)
      %dma_start3A_53 = arith.constant 0 : i32
      %dma_start3A_54 = arith.constant 1 : i32
      %dma_start3A_55 = arith.constant 128 : i32
      %dma_start3A_56 = arith.constant 0 : i32
      %dma_start3A_57 = tpu.memref_slice %arg7[%dma_start3A_55, %dma_start3A_56] : memref<256x128xf32, #tpu.memory_space<vmem>> -> memref<128x128xf32, #tpu.memory_space<vmem>>
      %dma_start3A_58 = arith.constant 0 : i32
      %dma_start3A_59 = arith.constant 0 : i32
      %dma_start3A_60 = tpu.memref_slice %arg6[%dma_start3A_53, %dma_start3A_58, %dma_start3A_59] : memref<2x4x128xi32, #tpu.memory_space<vmem>> -> memref<1x4x128xi32, #tpu.memory_space<vmem>>
      %dma_start3A_61 = tpu.memref_squeeze %dma_start3A_60 : memref<1x4x128xi32, #tpu.memory_space<vmem>> -> memref<4x128xi32, #tpu.memory_space<vmem>>
      %dma_start3A_62 = arith.constant 0 : i32
      %dma_start3A_63 = tpu.memref_slice %dma_start3A_61[%dma_start3A_54, %dma_start3A_62] : memref<4x128xi32, #tpu.memory_space<vmem>> -> memref<1x128xi32, #tpu.memory_space<vmem>>
      %dma_start3A_64 = tpu.memref_squeeze %dma_start3A_63 : memref<1x128xi32, #tpu.memory_space<vmem>> -> memref<128xi32, #tpu.memory_space<vmem>>
      %dma_start3A_65 = arith.constant 0 : i32
      %dma_start3A_66 = arith.constant 0 : i32
      %dma_start3A_67 = tpu.memref_slice %arg2[%arg0, %dma_start3A_65, %dma_start3A_66] : memref<2x10000x128xf32, #tpu.memory_space<hbm>> -> memref<1x10000x128xf32, #tpu.memory_space<hbm>>
      %dma_start3A_68 = tpu.memref_squeeze %dma_start3A_67 : memref<1x10000x128xf32, #tpu.memory_space<hbm>> -> memref<10000x128xf32, #tpu.memory_space<hbm>>
      %dma_start3A_69 = arith.constant 0 : i32
      %dma_start3A_70 = arith.constant 0 : i32
      %dma_start3A_71 = tpu.memref_slice %dma_start3A_68[%dma_start3A_69, %dma_start3A_70] : memref<10000x128xf32, #tpu.memory_space<hbm>> -> memref<10000x128xf32, #tpu.memory_space<hbm>>
      tpu.enqueue_indirect_dma source(%dma_start3A_71 : memref<10000x128xf32, #tpu.memory_space<hbm>>) target(%dma_start3A_57 : memref<128x128xf32, #tpu.memory_space<vmem>>) offsets(%dma_start3A_64 : memref<128xi32, #tpu.memory_space<vmem>>) semaphore(%arg9 : memref<!tpu.dma_semaphore, #tpu.memory_space<semaphore_mem>>)
      %dma_wait3A = arith.constant 0 : i32
      %dma_wait3A_72 = arith.constant 0 : i32
      %dma_wait3A_73 = arith.constant 0 : i32
      %dma_wait3A_74 = arith.constant 0 : i32
      %dma_wait3A_75 = tpu.memref_slice %arg7[%dma_wait3A_73, %dma_wait3A_74] : memref<256x128xf32, #tpu.memory_space<vmem>> -> memref<128x128xf32, #tpu.memory_space<vmem>>
      %dma_wait3A_76 = arith.constant 0 : i32
      %dma_wait3A_77 = arith.constant 0 : i32
      %dma_wait3A_78 = tpu.memref_slice %arg6[%dma_wait3A, %dma_wait3A_76, %dma_wait3A_77] : memref<2x4x128xi32, #tpu.memory_space<vmem>> -> memref<1x4x128xi32, #tpu.memory_space<vmem>>
      %dma_wait3A_79 = tpu.memref_squeeze %dma_wait3A_78 : memref<1x4x128xi32, #tpu.memory_space<vmem>> -> memref<4x128xi32, #tpu.memory_space<vmem>>
      %dma_wait3A_80 = arith.constant 0 : i32
      %dma_wait3A_81 = tpu.memref_slice %dma_wait3A_79[%dma_wait3A_72, %dma_wait3A_80] : memref<4x128xi32, #tpu.memory_space<vmem>> -> memref<1x128xi32, #tpu.memory_space<vmem>>
      %dma_wait3A_82 = tpu.memref_squeeze %dma_wait3A_81 : memref<1x128xi32, #tpu.memory_space<vmem>> -> memref<128xi32, #tpu.memory_space<vmem>>
      %dma_wait3A_83 = arith.constant 0 : i32
      %dma_wait3A_84 = arith.constant 0 : i32
      %dma_wait3A_85 = tpu.memref_slice %arg2[%arg0, %dma_wait3A_83, %dma_wait3A_84] : memref<2x10000x128xf32, #tpu.memory_space<hbm>> -> memref<1x10000x128xf32, #tpu.memory_space<hbm>>
      %dma_wait3A_86 = tpu.memref_squeeze %dma_wait3A_85 : memref<1x10000x128xf32, #tpu.memory_space<hbm>> -> memref<10000x128xf32, #tpu.memory_space<hbm>>
      %dma_wait3A_87 = arith.constant 0 : i32
      %dma_wait3A_88 = arith.constant 0 : i32
      %dma_wait3A_89 = tpu.memref_slice %dma_wait3A_86[%dma_wait3A_87, %dma_wait3A_88] : memref<10000x128xf32, #tpu.memory_space<hbm>> -> memref<10000x128xf32, #tpu.memory_space<hbm>>
      tpu.wait_indirect_dma semaphore(%arg9 : memref<!tpu.dma_semaphore, #tpu.memory_space<semaphore_mem>>) src(%dma_wait3A_89 : memref<10000x128xf32, #tpu.memory_space<hbm>>) dst(%dma_wait3A_75 : memref<128x128xf32, #tpu.memory_space<vmem>>)
      %dma_start3A_90 = arith.constant 0 : i32
      %dma_start3A_91 = arith.constant 2 : i32
      %dma_start3A_92 = arith.constant 0 : i32
      %dma_start3A_93 = arith.constant 0 : i32
      %dma_start3A_94 = tpu.memref_slice %arg7[%dma_start3A_92, %dma_start3A_93] : memref<256x128xf32, #tpu.memory_space<vmem>> -> memref<128x128xf32, #tpu.memory_space<vmem>>
      %dma_start3A_95 = arith.constant 0 : i32
      %dma_start3A_96 = arith.constant 0 : i32
      %dma_start3A_97 = tpu.memref_slice %arg6[%dma_start3A_90, %dma_start3A_95, %dma_start3A_96] : memref<2x4x128xi32, #tpu.memory_space<vmem>> -> memref<1x4x128xi32, #tpu.memory_space<vmem>>
      %dma_start3A_98 = tpu.memref_squeeze %dma_start3A_97 : memref<1x4x128xi32, #tpu.memory_space<vmem>> -> memref<4x128xi32, #tpu.memory_space<vmem>>
      %dma_start3A_99 = arith.constant 0 : i32
      %dma_start3A_100 = tpu.memref_slice %dma_start3A_98[%dma_start3A_91, %dma_start3A_99] : memref<4x128xi32, #tpu.memory_space<vmem>> -> memref<1x128xi32, #tpu.memory_space<vmem>>
      %dma_start3A_101 = tpu.memref_squeeze %dma_start3A_100 : memref<1x128xi32, #tpu.memory_space<vmem>> -> memref<128xi32, #tpu.memory_space<vmem>>
      %dma_start3A_102 = arith.constant 0 : i32
      %dma_start3A_103 = arith.constant 0 : i32
      %dma_start3A_104 = tpu.memref_slice %arg8[%dma_start3A_102, %dma_start3A_103] : memref<10240x128xf32, #tpu.memory_space<vmem_shared>> -> memref<10240x128xf32, #tpu.memory_space<vmem_shared>>
      tpu.enqueue_indirect_dma source(%dma_start3A_94 : memref<128x128xf32, #tpu.memory_space<vmem>>) target(%dma_start3A_104 : memref<10240x128xf32, #tpu.memory_space<vmem_shared>>) offsets(%dma_start3A_101 : memref<128xi32, #tpu.memory_space<vmem>>) semaphore(%arg10 : memref<!tpu.dma_semaphore, #tpu.memory_space<semaphore_mem>>) {add = true}
      %dma_wait3A_105 = arith.constant 0 : i32
      %dma_wait3A_106 = arith.constant 1 : i32
      %dma_wait3A_107 = arith.constant 128 : i32
      %dma_wait3A_108 = arith.constant 0 : i32
      %dma_wait3A_109 = tpu.memref_slice %arg7[%dma_wait3A_107, %dma_wait3A_108] : memref<256x128xf32, #tpu.memory_space<vmem>> -> memref<128x128xf32, #tpu.memory_space<vmem>>
      %dma_wait3A_110 = arith.constant 0 : i32
      %dma_wait3A_111 = arith.constant 0 : i32
      %dma_wait3A_112 = tpu.memref_slice %arg6[%dma_wait3A_105, %dma_wait3A_110, %dma_wait3A_111] : memref<2x4x128xi32, #tpu.memory_space<vmem>> -> memref<1x4x128xi32, #tpu.memory_space<vmem>>
      %dma_wait3A_113 = tpu.memref_squeeze %dma_wait3A_112 : memref<1x4x128xi32, #tpu.memory_space<vmem>> -> memref<4x128xi32, #tpu.memory_space<vmem>>
      %dma_wait3A_114 = arith.constant 0 : i32
      %dma_wait3A_115 = tpu.memref_slice %dma_wait3A_113[%dma_wait3A_106, %dma_wait3A_114] : memref<4x128xi32, #tpu.memory_space<vmem>> -> memref<1x128xi32, #tpu.memory_space<vmem>>
      %dma_wait3A_116 = tpu.memref_squeeze %dma_wait3A_115 : memref<1x128xi32, #tpu.memory_space<vmem>> -> memref<128xi32, #tpu.memory_space<vmem>>
      %dma_wait3A_117 = arith.constant 0 : i32
      %dma_wait3A_118 = arith.constant 0 : i32
      %dma_wait3A_119 = tpu.memref_slice %arg2[%arg0, %dma_wait3A_117, %dma_wait3A_118] : memref<2x10000x128xf32, #tpu.memory_space<hbm>> -> memref<1x10000x128xf32, #tpu.memory_space<hbm>>
      %dma_wait3A_120 = tpu.memref_squeeze %dma_wait3A_119 : memref<1x10000x128xf32, #tpu.memory_space<hbm>> -> memref<10000x128xf32, #tpu.memory_space<hbm>>
      %dma_wait3A_121 = arith.constant 0 : i32
      %dma_wait3A_122 = arith.constant 0 : i32
      %dma_wait3A_123 = tpu.memref_slice %dma_wait3A_120[%dma_wait3A_121, %dma_wait3A_122] : memref<10000x128xf32, #tpu.memory_space<hbm>> -> memref<10000x128xf32, #tpu.memory_space<hbm>>
      tpu.wait_indirect_dma semaphore(%arg9 : memref<!tpu.dma_semaphore, #tpu.memory_space<semaphore_mem>>) src(%dma_wait3A_123 : memref<10000x128xf32, #tpu.memory_space<hbm>>) dst(%dma_wait3A_109 : memref<128x128xf32, #tpu.memory_space<vmem>>)
      %dma_start3A_124 = arith.constant 0 : i32
      %dma_start3A_125 = arith.constant 3 : i32
      %dma_start3A_126 = arith.constant 128 : i32
      %dma_start3A_127 = arith.constant 0 : i32
      %dma_start3A_128 = tpu.memref_slice %arg7[%dma_start3A_126, %dma_start3A_127] : memref<256x128xf32, #tpu.memory_space<vmem>> -> memref<128x128xf32, #tpu.memory_space<vmem>>
      %dma_start3A_129 = arith.constant 0 : i32
      %dma_start3A_130 = arith.constant 0 : i32
      %dma_start3A_131 = tpu.memref_slice %arg6[%dma_start3A_124, %dma_start3A_129, %dma_start3A_130] : memref<2x4x128xi32, #tpu.memory_space<vmem>> -> memref<1x4x128xi32, #tpu.memory_space<vmem>>
      %dma_start3A_132 = tpu.memref_squeeze %dma_start3A_131 : memref<1x4x128xi32, #tpu.memory_space<vmem>> -> memref<4x128xi32, #tpu.memory_space<vmem>>
      %dma_start3A_133 = arith.constant 0 : i32
      %dma_start3A_134 = tpu.memref_slice %dma_start3A_132[%dma_start3A_125, %dma_start3A_133] : memref<4x128xi32, #tpu.memory_space<vmem>> -> memref<1x128xi32, #tpu.memory_space<vmem>>
      %dma_start3A_135 = tpu.memref_squeeze %dma_start3A_134 : memref<1x128xi32, #tpu.memory_space<vmem>> -> memref<128xi32, #tpu.memory_space<vmem>>
      %dma_start3A_136 = arith.constant 0 : i32
      %dma_start3A_137 = arith.constant 0 : i32
      %dma_start3A_138 = tpu.memref_slice %arg8[%dma_start3A_136, %dma_start3A_137] : memref<10240x128xf32, #tpu.memory_space<vmem_shared>> -> memref<10240x128xf32, #tpu.memory_space<vmem_shared>>
      tpu.enqueue_indirect_dma source(%dma_start3A_128 : memref<128x128xf32, #tpu.memory_space<vmem>>) target(%dma_start3A_138 : memref<10240x128xf32, #tpu.memory_space<vmem_shared>>) offsets(%dma_start3A_135 : memref<128xi32, #tpu.memory_space<vmem>>) semaphore(%arg10 : memref<!tpu.dma_semaphore, #tpu.memory_space<semaphore_mem>>) {add = true}
      %dma_wait3A_139 = arith.constant 0 : i32
      %dma_wait3A_140 = arith.constant 2 : i32
      %dma_wait3A_141 = arith.constant 0 : i32
      %dma_wait3A_142 = arith.constant 0 : i32
      %dma_wait3A_143 = tpu.memref_slice %arg7[%dma_wait3A_141, %dma_wait3A_142] : memref<256x128xf32, #tpu.memory_space<vmem>> -> memref<128x128xf32, #tpu.memory_space<vmem>>
      %dma_wait3A_144 = arith.constant 0 : i32
      %dma_wait3A_145 = arith.constant 0 : i32
      %dma_wait3A_146 = tpu.memref_slice %arg6[%dma_wait3A_139, %dma_wait3A_144, %dma_wait3A_145] : memref<2x4x128xi32, #tpu.memory_space<vmem>> -> memref<1x4x128xi32, #tpu.memory_space<vmem>>
      %dma_wait3A_147 = tpu.memref_squeeze %dma_wait3A_146 : memref<1x4x128xi32, #tpu.memory_space<vmem>> -> memref<4x128xi32, #tpu.memory_space<vmem>>
      %dma_wait3A_148 = arith.constant 0 : i32
      %dma_wait3A_149 = tpu.memref_slice %dma_wait3A_147[%dma_wait3A_140, %dma_wait3A_148] : memref<4x128xi32, #tpu.memory_space<vmem>> -> memref<1x128xi32, #tpu.memory_space<vmem>>
      %dma_wait3A_150 = tpu.memref_squeeze %dma_wait3A_149 : memref<1x128xi32, #tpu.memory_space<vmem>> -> memref<128xi32, #tpu.memory_space<vmem>>
      %dma_wait3A_151 = arith.constant 0 : i32
      %dma_wait3A_152 = arith.constant 0 : i32
      %dma_wait3A_153 = tpu.memref_slice %arg8[%dma_wait3A_151, %dma_wait3A_152] : memref<10240x128xf32, #tpu.memory_space<vmem_shared>> -> memref<10240x128xf32, #tpu.memory_space<vmem_shared>>
      tpu.wait_indirect_dma semaphore(%arg10 : memref<!tpu.dma_semaphore, #tpu.memory_space<semaphore_mem>>) src(%dma_wait3A_143 : memref<128x128xf32, #tpu.memory_space<vmem>>) dst(%dma_wait3A_153 : memref<10240x128xf32, #tpu.memory_space<vmem_shared>>)
      %dma_wait3A_154 = arith.constant 0 : i32
      %dma_wait3A_155 = arith.constant 3 : i32
      %dma_wait3A_156 = arith.constant 128 : i32
      %dma_wait3A_157 = arith.constant 0 : i32
      %dma_wait3A_158 = tpu.memref_slice %arg7[%dma_wait3A_156, %dma_wait3A_157] : memref<256x128xf32, #tpu.memory_space<vmem>> -> memref<128x128xf32, #tpu.memory_space<vmem>>
      %dma_wait3A_159 = arith.constant 0 : i32
      %dma_wait3A_160 = arith.constant 0 : i32
      %dma_wait3A_161 = tpu.memref_slice %arg6[%dma_wait3A_154, %dma_wait3A_159, %dma_wait3A_160] : memref<2x4x128xi32, #tpu.memory_space<vmem>> -> memref<1x4x128xi32, #tpu.memory_space<vmem>>
      %dma_wait3A_162 = tpu.memref_squeeze %dma_wait3A_161 : memref<1x4x128xi32, #tpu.memory_space<vmem>> -> memref<4x128xi32, #tpu.memory_space<vmem>>
      %dma_wait3A_163 = arith.constant 0 : i32
      %dma_wait3A_164 = tpu.memref_slice %dma_wait3A_162[%dma_wait3A_155, %dma_wait3A_163] : memref<4x128xi32, #tpu.memory_space<vmem>> -> memref<1x128xi32, #tpu.memory_space<vmem>>
      %dma_wait3A_165 = tpu.memref_squeeze %dma_wait3A_164 : memref<1x128xi32, #tpu.memory_space<vmem>> -> memref<128xi32, #tpu.memory_space<vmem>>
      %dma_wait3A_166 = arith.constant 0 : i32
      %dma_wait3A_167 = arith.constant 0 : i32
      %dma_wait3A_168 = tpu.memref_slice %arg8[%dma_wait3A_166, %dma_wait3A_167] : memref<10240x128xf32, #tpu.memory_space<vmem_shared>> -> memref<10240x128xf32, #tpu.memory_space<vmem_shared>>
      tpu.wait_indirect_dma semaphore(%arg10 : memref<!tpu.dma_semaphore, #tpu.memory_space<semaphore_mem>>) src(%dma_wait3A_158 : memref<128x128xf32, #tpu.memory_space<vmem>>) dst(%dma_wait3A_168 : memref<10240x128xf32, #tpu.memory_space<vmem_shared>>)
      %add3A_169 = arith.constant 0 : i32
      %add3A_170 = arith.addi %add3A_33, %add3A_169 : i32
      %add3A_171 = arith.constant 2 : i32
      %add3A_172 = arith.addi %add3A_170, %add3A_171 : i32
      %add3A_173 = arith.constant 40 : i32
      %add3A_174 = arith.addi %mul3A_2, %add3A_173 : i32
      %lt3A = arith.cmpi slt, %add3A_172, %add3A_174 : i32
      %convert_element_type3A = arith.extui %lt3A : i1 to i32
      %cond3A = arith.constant 0 : i32
      %cond3A_175 = arith.cmpi ne, %convert_element_type3A, %cond3A : i32
      scf.if %cond3A_175 {
        %dma_start3A_337 = arith.constant 0 : i32
        %dma_start3A_338 = arith.constant 0 : i32
        %dma_start3A_339 = arith.constant 0 : i32
        %dma_start3A_340 = tpu.memref_slice %arg6[%dma_start3A_337, %dma_start3A_338, %dma_start3A_339] : memref<2x4x128xi32, #tpu.memory_space<vmem>> -> memref<1x4x128xi32, #tpu.memory_space<vmem>>
        %dma_start3A_341 = tpu.memref_squeeze %dma_start3A_340 : memref<1x4x128xi32, #tpu.memory_space<vmem>> -> memref<4x128xi32, #tpu.memory_space<vmem>>
        %dma_start3A_342 = arith.constant 0 : i32
        %dma_start3A_343 = arith.constant 0 : i32
        %dma_start3A_344 = tpu.memref_slice %arg3[%add3A_172, %dma_start3A_342, %dma_start3A_343] : memref<640x4x128xi32, #tpu.memory_space<hbm>> -> memref<1x4x128xi32, #tpu.memory_space<hbm>>
        %dma_start3A_345 = tpu.memref_squeeze %dma_start3A_344 : memref<1x4x128xi32, #tpu.memory_space<hbm>> -> memref<4x128xi32, #tpu.memory_space<hbm>>
        %dma_start3A_346 = arith.constant 0 : i32
        %dma_start3A_347 = arith.constant 0 : i32
        %dma_start3A_348 = tpu.memref_slice %arg6[%dma_start3A_337, %dma_start3A_346, %dma_start3A_347] : memref<2x4x128xi32, #tpu.memory_space<vmem>> -> memref<1x4x128xi32, #tpu.memory_space<vmem>>
        %dma_start3A_349 = tpu.memref_squeeze %dma_start3A_348 : memref<1x4x128xi32, #tpu.memory_space<vmem>> -> memref<4x128xi32, #tpu.memory_space<vmem>>
        %dma_start3A_350 = arith.constant 0 : i32
        %dma_start3A_351 = arith.constant 0 : i32
        %dma_start3A_352 = tpu.memref_slice %arg3[%add3A_172, %dma_start3A_350, %dma_start3A_351] : memref<640x4x128xi32, #tpu.memory_space<hbm>> -> memref<1x4x128xi32, #tpu.memory_space<hbm>>
        %dma_start3A_353 = tpu.memref_squeeze %dma_start3A_352 : memref<1x4x128xi32, #tpu.memory_space<hbm>> -> memref<4x128xi32, #tpu.memory_space<hbm>>
        tpu.enqueue_dma source(%dma_start3A_353 : memref<4x128xi32, #tpu.memory_space<hbm>>) target(%dma_start3A_349 : memref<4x128xi32, #tpu.memory_space<vmem>>) target_semaphore(%arg11 : memref<!tpu.dma_semaphore, #tpu.memory_space<semaphore_mem>>)
      } else {
      }
      %sub3A = arith.constant 1 : i32
      %sub3A_176 = arith.subi %add3A_172, %sub3A : i32
      %add3A_177 = arith.constant 40 : i32
      %add3A_178 = arith.addi %mul3A_2, %add3A_177 : i32
      %lt3A_179 = arith.cmpi slt, %sub3A_176, %add3A_178 : i32
      %convert_element_type3A_180 = arith.extui %lt3A_179 : i1 to i32
      %cond3A_181 = arith.constant 0 : i32
      %cond3A_182 = arith.cmpi ne, %convert_element_type3A_180, %cond3A_181 : i32
      scf.if %cond3A_182 {
        %sub3A_337 = arith.constant 1 : i32
        %sub3A_338 = arith.subi %add3A_172, %sub3A_337 : i32
        %dma_wait3A_339 = arith.constant 1 : i32
        %dma_wait3A_340 = arith.constant 0 : i32
        %dma_wait3A_341 = arith.constant 0 : i32
        %dma_wait3A_342 = tpu.memref_slice %arg6[%dma_wait3A_339, %dma_wait3A_340, %dma_wait3A_341] : memref<2x4x128xi32, #tpu.memory_space<vmem>> -> memref<1x4x128xi32, #tpu.memory_space<vmem>>
        %dma_wait3A_343 = tpu.memref_squeeze %dma_wait3A_342 : memref<1x4x128xi32, #tpu.memory_space<vmem>> -> memref<4x128xi32, #tpu.memory_space<vmem>>
        %dma_wait3A_344 = arith.constant 0 : i32
        %dma_wait3A_345 = arith.constant 0 : i32
        %dma_wait3A_346 = tpu.memref_slice %arg3[%sub3A_338, %dma_wait3A_344, %dma_wait3A_345] : memref<640x4x128xi32, #tpu.memory_space<hbm>> -> memref<1x4x128xi32, #tpu.memory_space<hbm>>
        %dma_wait3A_347 = tpu.memref_squeeze %dma_wait3A_346 : memref<1x4x128xi32, #tpu.memory_space<hbm>> -> memref<4x128xi32, #tpu.memory_space<hbm>>
        %dma_wait3A_348 = arith.constant 0 : i32
        %dma_wait3A_349 = arith.constant 0 : i32
        %dma_wait3A_350 = tpu.memref_slice %arg6[%dma_wait3A_339, %dma_wait3A_348, %dma_wait3A_349] : memref<2x4x128xi32, #tpu.memory_space<vmem>> -> memref<1x4x128xi32, #tpu.memory_space<vmem>>
        %dma_wait3A_351 = tpu.memref_squeeze %dma_wait3A_350 : memref<1x4x128xi32, #tpu.memory_space<vmem>> -> memref<4x128xi32, #tpu.memory_space<vmem>>
        %dma_wait3A_352 = arith.constant 0 : i32
        %dma_wait3A_353 = arith.constant 0 : i32
        %dma_wait3A_354 = tpu.memref_slice %arg3[%sub3A_338, %dma_wait3A_352, %dma_wait3A_353] : memref<640x4x128xi32, #tpu.memory_space<hbm>> -> memref<1x4x128xi32, #tpu.memory_space<hbm>>
        %dma_wait3A_355 = tpu.memref_squeeze %dma_wait3A_354 : memref<1x4x128xi32, #tpu.memory_space<hbm>> -> memref<4x128xi32, #tpu.memory_space<hbm>>
        tpu.wait_dma2 semaphore(%arg11 : memref<!tpu.dma_semaphore, #tpu.memory_space<semaphore_mem>>) src(%dma_wait3A_355 : memref<4x128xi32, #tpu.memory_space<hbm>>) dst(%dma_wait3A_351 : memref<4x128xi32, #tpu.memory_space<vmem>>)
      } else {
      }
      %dma_start3A_183 = arith.constant 1 : i32
      %dma_start3A_184 = arith.constant 0 : i32
      %dma_start3A_185 = arith.constant 0 : i32
      %dma_start3A_186 = arith.constant 0 : i32
      %dma_start3A_187 = tpu.memref_slice %arg7[%dma_start3A_185, %dma_start3A_186] : memref<256x128xf32, #tpu.memory_space<vmem>> -> memref<128x128xf32, #tpu.memory_space<vmem>>
      %dma_start3A_188 = arith.constant 0 : i32
      %dma_start3A_189 = arith.constant 0 : i32
      %dma_start3A_190 = tpu.memref_slice %arg6[%dma_start3A_183, %dma_start3A_188, %dma_start3A_189] : memref<2x4x128xi32, #tpu.memory_space<vmem>> -> memref<1x4x128xi32, #tpu.memory_space<vmem>>
      %dma_start3A_191 = tpu.memref_squeeze %dma_start3A_190 : memref<1x4x128xi32, #tpu.memory_space<vmem>> -> memref<4x128xi32, #tpu.memory_space<vmem>>
      %dma_start3A_192 = arith.constant 0 : i32
      %dma_start3A_193 = tpu.memref_slice %dma_start3A_191[%dma_start3A_184, %dma_start3A_192] : memref<4x128xi32, #tpu.memory_space<vmem>> -> memref<1x128xi32, #tpu.memory_space<vmem>>
      %dma_start3A_194 = tpu.memref_squeeze %dma_start3A_193 : memref<1x128xi32, #tpu.memory_space<vmem>> -> memref<128xi32, #tpu.memory_space<vmem>>
      %dma_start3A_195 = arith.constant 0 : i32
      %dma_start3A_196 = arith.constant 0 : i32
      %dma_start3A_197 = tpu.memref_slice %arg2[%arg0, %dma_start3A_195, %dma_start3A_196] : memref<2x10000x128xf32, #tpu.memory_space<hbm>> -> memref<1x10000x128xf32, #tpu.memory_space<hbm>>
      %dma_start3A_198 = tpu.memref_squeeze %dma_start3A_197 : memref<1x10000x128xf32, #tpu.memory_space<hbm>> -> memref<10000x128xf32, #tpu.memory_space<hbm>>
      %dma_start3A_199 = arith.constant 0 : i32
      %dma_start3A_200 = arith.constant 0 : i32
      %dma_start3A_201 = tpu.memref_slice %dma_start3A_198[%dma_start3A_199, %dma_start3A_200] : memref<10000x128xf32, #tpu.memory_space<hbm>> -> memref<10000x128xf32, #tpu.memory_space<hbm>>
      tpu.enqueue_indirect_dma source(%dma_start3A_201 : memref<10000x128xf32, #tpu.memory_space<hbm>>) target(%dma_start3A_187 : memref<128x128xf32, #tpu.memory_space<vmem>>) offsets(%dma_start3A_194 : memref<128xi32, #tpu.memory_space<vmem>>) semaphore(%arg9 : memref<!tpu.dma_semaphore, #tpu.memory_space<semaphore_mem>>)
      %dma_start3A_202 = arith.constant 1 : i32
      %dma_start3A_203 = arith.constant 1 : i32
      %dma_start3A_204 = arith.constant 128 : i32
      %dma_start3A_205 = arith.constant 0 : i32
      %dma_start3A_206 = tpu.memref_slice %arg7[%dma_start3A_204, %dma_start3A_205] : memref<256x128xf32, #tpu.memory_space<vmem>> -> memref<128x128xf32, #tpu.memory_space<vmem>>
      %dma_start3A_207 = arith.constant 0 : i32
      %dma_start3A_208 = arith.constant 0 : i32
      %dma_start3A_209 = tpu.memref_slice %arg6[%dma_start3A_202, %dma_start3A_207, %dma_start3A_208] : memref<2x4x128xi32, #tpu.memory_space<vmem>> -> memref<1x4x128xi32, #tpu.memory_space<vmem>>
      %dma_start3A_210 = tpu.memref_squeeze %dma_start3A_209 : memref<1x4x128xi32, #tpu.memory_space<vmem>> -> memref<4x128xi32, #tpu.memory_space<vmem>>
      %dma_start3A_211 = arith.constant 0 : i32
      %dma_start3A_212 = tpu.memref_slice %dma_start3A_210[%dma_start3A_203, %dma_start3A_211] : memref<4x128xi32, #tpu.memory_space<vmem>> -> memref<1x128xi32, #tpu.memory_space<vmem>>
      %dma_start3A_213 = tpu.memref_squeeze %dma_start3A_212 : memref<1x128xi32, #tpu.memory_space<vmem>> -> memref<128xi32, #tpu.memory_space<vmem>>
      %dma_start3A_214 = arith.constant 0 : i32
      %dma_start3A_215 = arith.constant 0 : i32
      %dma_start3A_216 = tpu.memref_slice %arg2[%arg0, %dma_start3A_214, %dma_start3A_215] : memref<2x10000x128xf32, #tpu.memory_space<hbm>> -> memref<1x10000x128xf32, #tpu.memory_space<hbm>>
      %dma_start3A_217 = tpu.memref_squeeze %dma_start3A_216 : memref<1x10000x128xf32, #tpu.memory_space<hbm>> -> memref<10000x128xf32, #tpu.memory_space<hbm>>
      %dma_start3A_218 = arith.constant 0 : i32
      %dma_start3A_219 = arith.constant 0 : i32
      %dma_start3A_220 = tpu.memref_slice %dma_start3A_217[%dma_start3A_218, %dma_start3A_219] : memref<10000x128xf32, #tpu.memory_space<hbm>> -> memref<10000x128xf32, #tpu.memory_space<hbm>>
      tpu.enqueue_indirect_dma source(%dma_start3A_220 : memref<10000x128xf32, #tpu.memory_space<hbm>>) target(%dma_start3A_206 : memref<128x128xf32, #tpu.memory_space<vmem>>) offsets(%dma_start3A_213 : memref<128xi32, #tpu.memory_space<vmem>>) semaphore(%arg9 : memref<!tpu.dma_semaphore, #tpu.memory_space<semaphore_mem>>)
      %dma_wait3A_221 = arith.constant 1 : i32
      %dma_wait3A_222 = arith.constant 0 : i32
      %dma_wait3A_223 = arith.constant 0 : i32
      %dma_wait3A_224 = arith.constant 0 : i32
      %dma_wait3A_225 = tpu.memref_slice %arg7[%dma_wait3A_223, %dma_wait3A_224] : memref<256x128xf32, #tpu.memory_space<vmem>> -> memref<128x128xf32, #tpu.memory_space<vmem>>
      %dma_wait3A_226 = arith.constant 0 : i32
      %dma_wait3A_227 = arith.constant 0 : i32
      %dma_wait3A_228 = tpu.memref_slice %arg6[%dma_wait3A_221, %dma_wait3A_226, %dma_wait3A_227] : memref<2x4x128xi32, #tpu.memory_space<vmem>> -> memref<1x4x128xi32, #tpu.memory_space<vmem>>
      %dma_wait3A_229 = tpu.memref_squeeze %dma_wait3A_228 : memref<1x4x128xi32, #tpu.memory_space<vmem>> -> memref<4x128xi32, #tpu.memory_space<vmem>>
      %dma_wait3A_230 = arith.constant 0 : i32
      %dma_wait3A_231 = tpu.memref_slice %dma_wait3A_229[%dma_wait3A_222, %dma_wait3A_230] : memref<4x128xi32, #tpu.memory_space<vmem>> -> memref<1x128xi32, #tpu.memory_space<vmem>>
      %dma_wait3A_232 = tpu.memref_squeeze %dma_wait3A_231 : memref<1x128xi32, #tpu.memory_space<vmem>> -> memref<128xi32, #tpu.memory_space<vmem>>
      %dma_wait3A_233 = arith.constant 0 : i32
      %dma_wait3A_234 = arith.constant 0 : i32
      %dma_wait3A_235 = tpu.memref_slice %arg2[%arg0, %dma_wait3A_233, %dma_wait3A_234] : memref<2x10000x128xf32, #tpu.memory_space<hbm>> -> memref<1x10000x128xf32, #tpu.memory_space<hbm>>
      %dma_wait3A_236 = tpu.memref_squeeze %dma_wait3A_235 : memref<1x10000x128xf32, #tpu.memory_space<hbm>> -> memref<10000x128xf32, #tpu.memory_space<hbm>>
      %dma_wait3A_237 = arith.constant 0 : i32
      %dma_wait3A_238 = arith.constant 0 : i32
      %dma_wait3A_239 = tpu.memref_slice %dma_wait3A_236[%dma_wait3A_237, %dma_wait3A_238] : memref<10000x128xf32, #tpu.memory_space<hbm>> -> memref<10000x128xf32, #tpu.memory_space<hbm>>
      tpu.wait_indirect_dma semaphore(%arg9 : memref<!tpu.dma_semaphore, #tpu.memory_space<semaphore_mem>>) src(%dma_wait3A_239 : memref<10000x128xf32, #tpu.memory_space<hbm>>) dst(%dma_wait3A_225 : memref<128x128xf32, #tpu.memory_space<vmem>>)
      %dma_start3A_240 = arith.constant 1 : i32
      %dma_start3A_241 = arith.constant 2 : i32
      %dma_start3A_242 = arith.constant 0 : i32
      %dma_start3A_243 = arith.constant 0 : i32
      %dma_start3A_244 = tpu.memref_slice %arg7[%dma_start3A_242, %dma_start3A_243] : memref<256x128xf32, #tpu.memory_space<vmem>> -> memref<128x128xf32, #tpu.memory_space<vmem>>
      %dma_start3A_245 = arith.constant 0 : i32
      %dma_start3A_246 = arith.constant 0 : i32
      %dma_start3A_247 = tpu.memref_slice %arg6[%dma_start3A_240, %dma_start3A_245, %dma_start3A_246] : memref<2x4x128xi32, #tpu.memory_space<vmem>> -> memref<1x4x128xi32, #tpu.memory_space<vmem>>
      %dma_start3A_248 = tpu.memref_squeeze %dma_start3A_247 : memref<1x4x128xi32, #tpu.memory_space<vmem>> -> memref<4x128xi32, #tpu.memory_space<vmem>>
      %dma_start3A_249 = arith.constant 0 : i32
      %dma_start3A_250 = tpu.memref_slice %dma_start3A_248[%dma_start3A_241, %dma_start3A_249] : memref<4x128xi32, #tpu.memory_space<vmem>> -> memref<1x128xi32, #tpu.memory_space<vmem>>
      %dma_start3A_251 = tpu.memref_squeeze %dma_start3A_250 : memref<1x128xi32, #tpu.memory_space<vmem>> -> memref<128xi32, #tpu.memory_space<vmem>>
      %dma_start3A_252 = arith.constant 0 : i32
      %dma_start3A_253 = arith.constant 0 : i32
      %dma_start3A_254 = tpu.memref_slice %arg8[%dma_start3A_252, %dma_start3A_253] : memref<10240x128xf32, #tpu.memory_space<vmem_shared>> -> memref<10240x128xf32, #tpu.memory_space<vmem_shared>>
      tpu.enqueue_indirect_dma source(%dma_start3A_244 : memref<128x128xf32, #tpu.memory_space<vmem>>) target(%dma_start3A_254 : memref<10240x128xf32, #tpu.memory_space<vmem_shared>>) offsets(%dma_start3A_251 : memref<128xi32, #tpu.memory_space<vmem>>) semaphore(%arg10 : memref<!tpu.dma_semaphore, #tpu.memory_space<semaphore_mem>>) {add = true}
      %dma_wait3A_255 = arith.constant 1 : i32
      %dma_wait3A_256 = arith.constant 1 : i32
      %dma_wait3A_257 = arith.constant 128 : i32
      %dma_wait3A_258 = arith.constant 0 : i32
      %dma_wait3A_259 = tpu.memref_slice %arg7[%dma_wait3A_257, %dma_wait3A_258] : memref<256x128xf32, #tpu.memory_space<vmem>> -> memref<128x128xf32, #tpu.memory_space<vmem>>
      %dma_wait3A_260 = arith.constant 0 : i32
      %dma_wait3A_261 = arith.constant 0 : i32
      %dma_wait3A_262 = tpu.memref_slice %arg6[%dma_wait3A_255, %dma_wait3A_260, %dma_wait3A_261] : memref<2x4x128xi32, #tpu.memory_space<vmem>> -> memref<1x4x128xi32, #tpu.memory_space<vmem>>
      %dma_wait3A_263 = tpu.memref_squeeze %dma_wait3A_262 : memref<1x4x128xi32, #tpu.memory_space<vmem>> -> memref<4x128xi32, #tpu.memory_space<vmem>>
      %dma_wait3A_264 = arith.constant 0 : i32
      %dma_wait3A_265 = tpu.memref_slice %dma_wait3A_263[%dma_wait3A_256, %dma_wait3A_264] : memref<4x128xi32, #tpu.memory_space<vmem>> -> memref<1x128xi32, #tpu.memory_space<vmem>>
      %dma_wait3A_266 = tpu.memref_squeeze %dma_wait3A_265 : memref<1x128xi32, #tpu.memory_space<vmem>> -> memref<128xi32, #tpu.memory_space<vmem>>
      %dma_wait3A_267 = arith.constant 0 : i32
      %dma_wait3A_268 = arith.constant 0 : i32
      %dma_wait3A_269 = tpu.memref_slice %arg2[%arg0, %dma_wait3A_267, %dma_wait3A_268] : memref<2x10000x128xf32, #tpu.memory_space<hbm>> -> memref<1x10000x128xf32, #tpu.memory_space<hbm>>
      %dma_wait3A_270 = tpu.memref_squeeze %dma_wait3A_269 : memref<1x10000x128xf32, #tpu.memory_space<hbm>> -> memref<10000x128xf32, #tpu.memory_space<hbm>>
      %dma_wait3A_271 = arith.constant 0 : i32
      %dma_wait3A_272 = arith.constant 0 : i32
      %dma_wait3A_273 = tpu.memref_slice %dma_wait3A_270[%dma_wait3A_271, %dma_wait3A_272] : memref<10000x128xf32, #tpu.memory_space<hbm>> -> memref<10000x128xf32, #tpu.memory_space<hbm>>
      tpu.wait_indirect_dma semaphore(%arg9 : memref<!tpu.dma_semaphore, #tpu.memory_space<semaphore_mem>>) src(%dma_wait3A_273 : memref<10000x128xf32, #tpu.memory_space<hbm>>) dst(%dma_wait3A_259 : memref<128x128xf32, #tpu.memory_space<vmem>>)
      %dma_start3A_274 = arith.constant 1 : i32
      %dma_start3A_275 = arith.constant 3 : i32
      %dma_start3A_276 = arith.constant 128 : i32
      %dma_start3A_277 = arith.constant 0 : i32
      %dma_start3A_278 = tpu.memref_slice %arg7[%dma_start3A_276, %dma_start3A_277] : memref<256x128xf32, #tpu.memory_space<vmem>> -> memref<128x128xf32, #tpu.memory_space<vmem>>
      %dma_start3A_279 = arith.constant 0 : i32
      %dma_start3A_280 = arith.constant 0 : i32
      %dma_start3A_281 = tpu.memref_slice %arg6[%dma_start3A_274, %dma_start3A_279, %dma_start3A_280] : memref<2x4x128xi32, #tpu.memory_space<vmem>> -> memref<1x4x128xi32, #tpu.memory_space<vmem>>
      %dma_start3A_282 = tpu.memref_squeeze %dma_start3A_281 : memref<1x4x128xi32, #tpu.memory_space<vmem>> -> memref<4x128xi32, #tpu.memory_space<vmem>>
      %dma_start3A_283 = arith.constant 0 : i32
      %dma_start3A_284 = tpu.memref_slice %dma_start3A_282[%dma_start3A_275, %dma_start3A_283] : memref<4x128xi32, #tpu.memory_space<vmem>> -> memref<1x128xi32, #tpu.memory_space<vmem>>
      %dma_start3A_285 = tpu.memref_squeeze %dma_start3A_284 : memref<1x128xi32, #tpu.memory_space<vmem>> -> memref<128xi32, #tpu.memory_space<vmem>>
      %dma_start3A_286 = arith.constant 0 : i32
      %dma_start3A_287 = arith.constant 0 : i32
      %dma_start3A_288 = tpu.memref_slice %arg8[%dma_start3A_286, %dma_start3A_287] : memref<10240x128xf32, #tpu.memory_space<vmem_shared>> -> memref<10240x128xf32, #tpu.memory_space<vmem_shared>>
      tpu.enqueue_indirect_dma source(%dma_start3A_278 : memref<128x128xf32, #tpu.memory_space<vmem>>) target(%dma_start3A_288 : memref<10240x128xf32, #tpu.memory_space<vmem_shared>>) offsets(%dma_start3A_285 : memref<128xi32, #tpu.memory_space<vmem>>) semaphore(%arg10 : memref<!tpu.dma_semaphore, #tpu.memory_space<semaphore_mem>>) {add = true}
      %dma_wait3A_289 = arith.constant 1 : i32
      %dma_wait3A_290 = arith.constant 2 : i32
      %dma_wait3A_291 = arith.constant 0 : i32
      %dma_wait3A_292 = arith.constant 0 : i32
      %dma_wait3A_293 = tpu.memref_slice %arg7[%dma_wait3A_291, %dma_wait3A_292] : memref<256x128xf32, #tpu.memory_space<vmem>> -> memref<128x128xf32, #tpu.memory_space<vmem>>
      %dma_wait3A_294 = arith.constant 0 : i32
      %dma_wait3A_295 = arith.constant 0 : i32
      %dma_wait3A_296 = tpu.memref_slice %arg6[%dma_wait3A_289, %dma_wait3A_294, %dma_wait3A_295] : memref<2x4x128xi32, #tpu.memory_space<vmem>> -> memref<1x4x128xi32, #tpu.memory_space<vmem>>
      %dma_wait3A_297 = tpu.memref_squeeze %dma_wait3A_296 : memref<1x4x128xi32, #tpu.memory_space<vmem>> -> memref<4x128xi32, #tpu.memory_space<vmem>>
      %dma_wait3A_298 = arith.constant 0 : i32
      %dma_wait3A_299 = tpu.memref_slice %dma_wait3A_297[%dma_wait3A_290, %dma_wait3A_298] : memref<4x128xi32, #tpu.memory_space<vmem>> -> memref<1x128xi32, #tpu.memory_space<vmem>>
      %dma_wait3A_300 = tpu.memref_squeeze %dma_wait3A_299 : memref<1x128xi32, #tpu.memory_space<vmem>> -> memref<128xi32, #tpu.memory_space<vmem>>
      %dma_wait3A_301 = arith.constant 0 : i32
      %dma_wait3A_302 = arith.constant 0 : i32
      %dma_wait3A_303 = tpu.memref_slice %arg8[%dma_wait3A_301, %dma_wait3A_302] : memref<10240x128xf32, #tpu.memory_space<vmem_shared>> -> memref<10240x128xf32, #tpu.memory_space<vmem_shared>>
      tpu.wait_indirect_dma semaphore(%arg10 : memref<!tpu.dma_semaphore, #tpu.memory_space<semaphore_mem>>) src(%dma_wait3A_293 : memref<128x128xf32, #tpu.memory_space<vmem>>) dst(%dma_wait3A_303 : memref<10240x128xf32, #tpu.memory_space<vmem_shared>>)
      %dma_wait3A_304 = arith.constant 1 : i32
      %dma_wait3A_305 = arith.constant 3 : i32
      %dma_wait3A_306 = arith.constant 128 : i32
      %dma_wait3A_307 = arith.constant 0 : i32
      %dma_wait3A_308 = tpu.memref_slice %arg7[%dma_wait3A_306, %dma_wait3A_307] : memref<256x128xf32, #tpu.memory_space<vmem>> -> memref<128x128xf32, #tpu.memory_space<vmem>>
      %dma_wait3A_309 = arith.constant 0 : i32
      %dma_wait3A_310 = arith.constant 0 : i32
      %dma_wait3A_311 = tpu.memref_slice %arg6[%dma_wait3A_304, %dma_wait3A_309, %dma_wait3A_310] : memref<2x4x128xi32, #tpu.memory_space<vmem>> -> memref<1x4x128xi32, #tpu.memory_space<vmem>>
      %dma_wait3A_312 = tpu.memref_squeeze %dma_wait3A_311 : memref<1x4x128xi32, #tpu.memory_space<vmem>> -> memref<4x128xi32, #tpu.memory_space<vmem>>
      %dma_wait3A_313 = arith.constant 0 : i32
      %dma_wait3A_314 = tpu.memref_slice %dma_wait3A_312[%dma_wait3A_305, %dma_wait3A_313] : memref<4x128xi32, #tpu.memory_space<vmem>> -> memref<1x128xi32, #tpu.memory_space<vmem>>
      %dma_wait3A_315 = tpu.memref_squeeze %dma_wait3A_314 : memref<1x128xi32, #tpu.memory_space<vmem>> -> memref<128xi32, #tpu.memory_space<vmem>>
      %dma_wait3A_316 = arith.constant 0 : i32
      %dma_wait3A_317 = arith.constant 0 : i32
      %dma_wait3A_318 = tpu.memref_slice %arg8[%dma_wait3A_316, %dma_wait3A_317] : memref<10240x128xf32, #tpu.memory_space<vmem_shared>> -> memref<10240x128xf32, #tpu.memory_space<vmem_shared>>
      tpu.wait_indirect_dma semaphore(%arg10 : memref<!tpu.dma_semaphore, #tpu.memory_space<semaphore_mem>>) src(%dma_wait3A_308 : memref<128x128xf32, #tpu.memory_space<vmem>>) dst(%dma_wait3A_318 : memref<10240x128xf32, #tpu.memory_space<vmem_shared>>)
      %add3A_319 = arith.constant 1 : i32
      %add3A_320 = arith.addi %add3A_33, %add3A_319 : i32
      %add3A_321 = arith.constant 2 : i32
      %add3A_322 = arith.addi %add3A_320, %add3A_321 : i32
      %add3A_323 = arith.constant 40 : i32
      %add3A_324 = arith.addi %mul3A_2, %add3A_323 : i32
      %lt3A_325 = arith.cmpi slt, %add3A_322, %add3A_324 : i32
      %convert_element_type3A_326 = arith.extui %lt3A_325 : i1 to i32
      %cond3A_327 = arith.constant 0 : i32
      %cond3A_328 = arith.cmpi ne, %convert_element_type3A_326, %cond3A_327 : i32
      scf.if %cond3A_328 {
        %dma_start3A_337 = arith.constant 1 : i32
        %dma_start3A_338 = arith.constant 0 : i32
        %dma_start3A_339 = arith.constant 0 : i32
        %dma_start3A_340 = tpu.memref_slice %arg6[%dma_start3A_337, %dma_start3A_338, %dma_start3A_339] : memref<2x4x128xi32, #tpu.memory_space<vmem>> -> memref<1x4x128xi32, #tpu.memory_space<vmem>>
        %dma_start3A_341 = tpu.memref_squeeze %dma_start3A_340 : memref<1x4x128xi32, #tpu.memory_space<vmem>> -> memref<4x128xi32, #tpu.memory_space<vmem>>
        %dma_start3A_342 = arith.constant 0 : i32
        %dma_start3A_343 = arith.constant 0 : i32
        %dma_start3A_344 = tpu.memref_slice %arg3[%add3A_322, %dma_start3A_342, %dma_start3A_343] : memref<640x4x128xi32, #tpu.memory_space<hbm>> -> memref<1x4x128xi32, #tpu.memory_space<hbm>>
        %dma_start3A_345 = tpu.memref_squeeze %dma_start3A_344 : memref<1x4x128xi32, #tpu.memory_space<hbm>> -> memref<4x128xi32, #tpu.memory_space<hbm>>
        %dma_start3A_346 = arith.constant 0 : i32
        %dma_start3A_347 = arith.constant 0 : i32
        %dma_start3A_348 = tpu.memref_slice %arg6[%dma_start3A_337, %dma_start3A_346, %dma_start3A_347] : memref<2x4x128xi32, #tpu.memory_space<vmem>> -> memref<1x4x128xi32, #tpu.memory_space<vmem>>
        %dma_start3A_349 = tpu.memref_squeeze %dma_start3A_348 : memref<1x4x128xi32, #tpu.memory_space<vmem>> -> memref<4x128xi32, #tpu.memory_space<vmem>>
        %dma_start3A_350 = arith.constant 0 : i32
        %dma_start3A_351 = arith.constant 0 : i32
        %dma_start3A_352 = tpu.memref_slice %arg3[%add3A_322, %dma_start3A_350, %dma_start3A_351] : memref<640x4x128xi32, #tpu.memory_space<hbm>> -> memref<1x4x128xi32, #tpu.memory_space<hbm>>
        %dma_start3A_353 = tpu.memref_squeeze %dma_start3A_352 : memref<1x4x128xi32, #tpu.memory_space<hbm>> -> memref<4x128xi32, #tpu.memory_space<hbm>>
        tpu.enqueue_dma source(%dma_start3A_353 : memref<4x128xi32, #tpu.memory_space<hbm>>) target(%dma_start3A_349 : memref<4x128xi32, #tpu.memory_space<vmem>>) target_semaphore(%arg11 : memref<!tpu.dma_semaphore, #tpu.memory_space<semaphore_mem>>)
      } else {
      }
      %sub3A_329 = arith.constant 1 : i32
      %sub3A_330 = arith.subi %add3A_322, %sub3A_329 : i32
      %add3A_331 = arith.constant 40 : i32
      %add3A_332 = arith.addi %mul3A_2, %add3A_331 : i32
      %lt3A_333 = arith.cmpi slt, %sub3A_330, %add3A_332 : i32
      %convert_element_type3A_334 = arith.extui %lt3A_333 : i1 to i32
      %cond3A_335 = arith.constant 0 : i32
      %cond3A_336 = arith.cmpi ne, %convert_element_type3A_334, %cond3A_335 : i32
      scf.if %cond3A_336 {
        %sub3A_337 = arith.constant 1 : i32
        %sub3A_338 = arith.subi %add3A_322, %sub3A_337 : i32
        %dma_wait3A_339 = arith.constant 0 : i32
        %dma_wait3A_340 = arith.constant 0 : i32
        %dma_wait3A_341 = arith.constant 0 : i32
        %dma_wait3A_342 = tpu.memref_slice %arg6[%dma_wait3A_339, %dma_wait3A_340, %dma_wait3A_341] : memref<2x4x128xi32, #tpu.memory_space<vmem>> -> memref<1x4x128xi32, #tpu.memory_space<vmem>>
        %dma_wait3A_343 = tpu.memref_squeeze %dma_wait3A_342 : memref<1x4x128xi32, #tpu.memory_space<vmem>> -> memref<4x128xi32, #tpu.memory_space<vmem>>
        %dma_wait3A_344 = arith.constant 0 : i32
        %dma_wait3A_345 = arith.constant 0 : i32
        %dma_wait3A_346 = tpu.memref_slice %arg3[%sub3A_338, %dma_wait3A_344, %dma_wait3A_345] : memref<640x4x128xi32, #tpu.memory_space<hbm>> -> memref<1x4x128xi32, #tpu.memory_space<hbm>>
        %dma_wait3A_347 = tpu.memref_squeeze %dma_wait3A_346 : memref<1x4x128xi32, #tpu.memory_space<hbm>> -> memref<4x128xi32, #tpu.memory_space<hbm>>
        %dma_wait3A_348 = arith.constant 0 : i32
        %dma_wait3A_349 = arith.constant 0 : i32
        %dma_wait3A_350 = tpu.memref_slice %arg6[%dma_wait3A_339, %dma_wait3A_348, %dma_wait3A_349] : memref<2x4x128xi32, #tpu.memory_space<vmem>> -> memref<1x4x128xi32, #tpu.memory_space<vmem>>
        %dma_wait3A_351 = tpu.memref_squeeze %dma_wait3A_350 : memref<1x4x128xi32, #tpu.memory_space<vmem>> -> memref<4x128xi32, #tpu.memory_space<vmem>>
        %dma_wait3A_352 = arith.constant 0 : i32
        %dma_wait3A_353 = arith.constant 0 : i32
        %dma_wait3A_354 = tpu.memref_slice %arg3[%sub3A_338, %dma_wait3A_352, %dma_wait3A_353] : memref<640x4x128xi32, #tpu.memory_space<hbm>> -> memref<1x4x128xi32, #tpu.memory_space<hbm>>
        %dma_wait3A_355 = tpu.memref_squeeze %dma_wait3A_354 : memref<1x4x128xi32, #tpu.memory_space<hbm>> -> memref<4x128xi32, #tpu.memory_space<hbm>>
        tpu.wait_dma2 semaphore(%arg11 : memref<!tpu.dma_semaphore, #tpu.memory_space<semaphore_mem>>) src(%dma_wait3A_355 : memref<4x128xi32, #tpu.memory_space<hbm>>) dst(%dma_wait3A_351 : memref<4x128xi32, #tpu.memory_space<vmem>>)
      } else {
      }
    }
    %scan3A_24 = arith.constant 20 : i32
    %barrier3A_25 = arith.constant 0 : index
    tpu.barrier barrier_id(%barrier3A_25)
    %mul3A_26 = arith.constant 640 : i32
    %mul3A_27 = arith.muli %arg1, %mul3A_26 : i32
    %mul3A_28 = arith.constant 640 : i32
    %mul3A_29 = arith.muli %arg1, %mul3A_28 : i32
    "tpu.region"() ({
      %run_scoped3A_30 = tpu.sem_alloc : memref<!tpu.dma_semaphore, #tpu.memory_space<semaphore_mem>>
      %dma_start3A_31 = arith.constant 0 : i32
      %dma_start3A_32 = tpu.memref_slice %arg5[%arg0, %mul3A_29, %dma_start3A_31] : memref<2x10240x128xf32, #tpu.memory_space<hbm>> -> memref<1x640x128xf32, #tpu.memory_space<hbm>>
      %dma_start3A_33 = tpu.memref_squeeze %dma_start3A_32 : memref<1x640x128xf32, #tpu.memory_space<hbm>> -> memref<640x128xf32, #tpu.memory_space<hbm>>
      %dma_start3A_34 = arith.constant 0 : i32
      %dma_start3A_35 = tpu.memref_slice %arg8[%mul3A_27, %dma_start3A_34] : memref<10240x128xf32, #tpu.memory_space<vmem_shared>> -> memref<640x128xf32, #tpu.memory_space<vmem_shared>>
      tpu.enqueue_dma source(%dma_start3A_35 : memref<640x128xf32, #tpu.memory_space<vmem_shared>>) target(%dma_start3A_33 : memref<640x128xf32, #tpu.memory_space<hbm>>) target_semaphore(%run_scoped3A_30 : memref<!tpu.dma_semaphore, #tpu.memory_space<semaphore_mem>>)
      %dma_wait3A = arith.constant 0 : i32
      %dma_wait3A_36 = tpu.memref_slice %arg5[%arg0, %mul3A_29, %dma_wait3A] : memref<2x10240x128xf32, #tpu.memory_space<hbm>> -> memref<1x640x128xf32, #tpu.memory_space<hbm>>
      %dma_wait3A_37 = tpu.memref_squeeze %dma_wait3A_36 : memref<1x640x128xf32, #tpu.memory_space<hbm>> -> memref<640x128xf32, #tpu.memory_space<hbm>>
      %dma_wait3A_38 = arith.constant 0 : i32
      %dma_wait3A_39 = tpu.memref_slice %arg8[%mul3A_27, %dma_wait3A_38] : memref<10240x128xf32, #tpu.memory_space<vmem_shared>> -> memref<640x128xf32, #tpu.memory_space<vmem_shared>>
      tpu.wait_dma2 semaphore(%run_scoped3A_30 : memref<!tpu.dma_semaphore, #tpu.memory_space<semaphore_mem>>) src(%dma_wait3A_39 : memref<640x128xf32, #tpu.memory_space<vmem_shared>>) dst(%dma_wait3A_37 : memref<640x128xf32, #tpu.memory_space<hbm>>)
      tpu.yield
    }) : () -> ()
    return
  }
}

#map = affine_map<(d0, d1) -> (0, 0, 0)>
#map1 = affine_map<(d0, d1) -> (0, 0)>
module attributes {stable_mosaic.version = 14 : i64} {
  func.func @_sc_aggregate(%arg0: i32, %arg1: i32, %arg2: memref<2x10000x128xf32, #tpu.memory_space<hbm>>, %arg3: memref<640x4x128xi32, #tpu.memory_space<hbm>>, %arg4: memref<640x128xf32, #tpu.memory_space<hbm>>, %arg5: memref<2x10240x128xf32, #tpu.memory_space<hbm>>, %arg6: memref<2x4x128xi32, #tpu.memory_space<vmem>>, %arg7: memref<256x128xf32, #tpu.memory_space<vmem>>, %arg8: memref<10240x128xf32, #tpu.memory_space<vmem_shared>>, %arg9: memref<!tpu.dma_semaphore, #tpu.memory_space<semaphore_mem>>, %arg10: memref<!tpu.dma_semaphore, #tpu.memory_space<semaphore_mem>>, %arg11: memref<!tpu.dma_semaphore, #tpu.memory_space<semaphore_mem>>) attributes {dimension_semantics = [#tpu.dimension_semantics<core_parallel>, #tpu.dimension_semantics<subcore_parallel>], iteration_bounds = array<i64: 2, 16>, scalar_prefetch = 0 : i64, scratch_operands = 6 : i64, tpu.core_type = #tpu.core_type<sc_vector_subcore>, window_params = [{transform_indices = #map}, {transform_indices = #map}, {transform_indices = #map1}, {transform_indices = #map}]} {
    %mul3A = arith.constant 640 : i32
    %mul3A_0 = arith.muli %arg1, %mul3A : i32
    "tpu.region"() ({
      %run_scoped3A_30 = tpu.sem_alloc : memref<!tpu.dma_semaphore, #tpu.memory_space<semaphore_mem>>
      %dma_start3A_31 = arith.constant 0 : i32
      %dma_start3A_32 = tpu.memref_slice %arg8[%mul3A_0, %dma_start3A_31] : memref<10240x128xf32, #tpu.memory_space<vmem_shared>> -> memref<640x128xf32, #tpu.memory_space<vmem_shared>>
      tpu.enqueue_dma source(%arg4 : memref<640x128xf32, #tpu.memory_space<hbm>>) target(%dma_start3A_32 : memref<640x128xf32, #tpu.memory_space<vmem_shared>>) target_semaphore(%run_scoped3A_30 : memref<!tpu.dma_semaphore, #tpu.memory_space<semaphore_mem>>)
      %dma_wait3A = arith.constant 0 : i32
      %dma_wait3A_33 = tpu.memref_slice %arg8[%mul3A_0, %dma_wait3A] : memref<10240x128xf32, #tpu.memory_space<vmem_shared>> -> memref<640x128xf32, #tpu.memory_space<vmem_shared>>
      tpu.wait_dma2 semaphore(%run_scoped3A_30 : memref<!tpu.dma_semaphore, #tpu.memory_space<semaphore_mem>>) src(%arg4 : memref<640x128xf32, #tpu.memory_space<hbm>>) dst(%dma_wait3A_33 : memref<640x128xf32, #tpu.memory_space<vmem_shared>>)
      tpu.yield
    }) : () -> ()
    %barrier3A = arith.constant 0 : index
    tpu.barrier barrier_id(%barrier3A)
    %mul3A_1 = arith.constant 40 : i32
    %mul3A_2 = arith.muli %arg1, %mul3A_1 : i32
    %run_scoped3A = arith.constant 0 : i32
    "tpu.region"() ({
      %run_scoped3A_30 = tpu.sem_alloc : memref<!tpu.dma_semaphore, #tpu.memory_space<semaphore_mem>>
      %dma_start3A_31 = arith.constant 0 : i32
      %dma_start3A_32 = arith.constant 0 : i32
      %dma_start3A_33 = tpu.memref_slice %arg6[%run_scoped3A, %dma_start3A_31, %dma_start3A_32] : memref<2x4x128xi32, #tpu.memory_space<vmem>> -> memref<1x4x128xi32, #tpu.memory_space<vmem>>
      %dma_start3A_34 = tpu.memref_squeeze %dma_start3A_33 : memref<1x4x128xi32, #tpu.memory_space<vmem>> -> memref<4x128xi32, #tpu.memory_space<vmem>>
      %dma_start3A_35 = arith.constant 0 : i32
      %dma_start3A_36 = arith.constant 0 : i32
      %dma_start3A_37 = tpu.memref_slice %arg3[%mul3A_2, %dma_start3A_35, %dma_start3A_36] : memref<640x4x128xi32, #tpu.memory_space<hbm>> -> memref<1x4x128xi32, #tpu.memory_space<hbm>>
      %dma_start3A_38 = tpu.memref_squeeze %dma_start3A_37 : memref<1x4x128xi32, #tpu.memory_space<hbm>> -> memref<4x128xi32, #tpu.memory_space<hbm>>
      %dma_start3A_39 = arith.constant 0 : i32
      %dma_start3A_40 = arith.constant 0 : i32
      %dma_start3A_41 = tpu.memref_slice %arg6[%run_scoped3A, %dma_start3A_39, %dma_start3A_40] : memref<2x4x128xi32, #tpu.memory_space<vmem>> -> memref<1x4x128xi32, #tpu.memory_space<vmem>>
      %dma_start3A_42 = tpu.memref_squeeze %dma_start3A_41 : memref<1x4x128xi32, #tpu.memory_space<vmem>> -> memref<4x128xi32, #tpu.memory_space<vmem>>
      %dma_start3A_43 = arith.constant 0 : i32
      %dma_start3A_44 = arith.constant 0 : i32
      %dma_start3A_45 = tpu.memref_slice %arg3[%mul3A_2, %dma_start3A_43, %dma_start3A_44] : memref<640x4x128xi32, #tpu.memory_space<hbm>> -> memref<1x4x128xi32, #tpu.memory_space<hbm>>
      %dma_start3A_46 = tpu.memref_squeeze %dma_start3A_45 : memref<1x4x128xi32, #tpu.memory_space<hbm>> -> memref<4x128xi32, #tpu.memory_space<hbm>>
      tpu.enqueue_dma source(%dma_start3A_46 : memref<4x128xi32, #tpu.memory_space<hbm>>) target(%dma_start3A_42 : memref<4x128xi32, #tpu.memory_space<vmem>>) target_semaphore(%run_scoped3A_30 : memref<!tpu.dma_semaphore, #tpu.memory_space<semaphore_mem>>)
      %dma_wait3A = arith.constant 0 : i32
      %dma_wait3A_47 = arith.constant 0 : i32
      %dma_wait3A_48 = tpu.memref_slice %arg6[%run_scoped3A, %dma_wait3A, %dma_wait3A_47] : memref<2x4x128xi32, #tpu.memory_space<vmem>> -> memref<1x4x128xi32, #tpu.memory_space<vmem>>
      %dma_wait3A_49 = tpu.memref_squeeze %dma_wait3A_48 : memref<1x4x128xi32, #tpu.memory_space<vmem>> -> memref<4x128xi32, #tpu.memory_space<vmem>>
      %dma_wait3A_50 = arith.constant 0 : i32
      %dma_wait3A_51 = arith.constant 0 : i32
      %dma_wait3A_52 = tpu.memref_slice %arg3[%mul3A_2, %dma_wait3A_50, %dma_wait3A_51] : memref<640x4x128xi32, #tpu.memory_space<hbm>> -> memref<1x4x128xi32, #tpu.memory_space<hbm>>
      %dma_wait3A_53 = tpu.memref_squeeze %dma_wait3A_52 : memref<1x4x128xi32, #tpu.memory_space<hbm>> -> memref<4x128xi32, #tpu.memory_space<hbm>>
      %dma_wait3A_54 = arith.constant 0 : i32
      %dma_wait3A_55 = arith.constant 0 : i32
      %dma_wait3A_56 = tpu.memref_slice %arg6[%run_scoped3A, %dma_wait3A_54, %dma_wait3A_55] : memref<2x4x128xi32, #tpu.memory_space<vmem>> -> memref<1x4x128xi32, #tpu.memory_space<vmem>>
      %dma_wait3A_57 = tpu.memref_squeeze %dma_wait3A_56 : memref<1x4x128xi32, #tpu.memory_space<vmem>> -> memref<4x128xi32, #tpu.memory_space<vmem>>
      %dma_wait3A_58 = arith.constant 0 : i32
      %dma_wait3A_59 = arith.constant 0 : i32
      %dma_wait3A_60 = tpu.memref_slice %arg3[%mul3A_2, %dma_wait3A_58, %dma_wait3A_59] : memref<640x4x128xi32, #tpu.memory_space<hbm>> -> memref<1x4x128xi32, #tpu.memory_space<hbm>>
      %dma_wait3A_61 = tpu.memref_squeeze %dma_wait3A_60 : memref<1x4x128xi32, #tpu.memory_space<hbm>> -> memref<4x128xi32, #tpu.memory_space<hbm>>
      tpu.wait_dma2 semaphore(%run_scoped3A_30 : memref<!tpu.dma_semaphore, #tpu.memory_space<semaphore_mem>>) src(%dma_wait3A_61 : memref<4x128xi32, #tpu.memory_space<hbm>>) dst(%dma_wait3A_57 : memref<4x128xi32, #tpu.memory_space<vmem>>)
      tpu.yield
    }) : () -> ()
    %add3A = arith.constant 1 : i32
    %add3A_3 = arith.addi %mul3A_2, %add3A : i32
    %dma_start3A = arith.constant 1 : i32
    %dma_start3A_4 = arith.constant 0 : i32
    %dma_start3A_5 = arith.constant 0 : i32
    %dma_start3A_6 = tpu.memref_slice %arg6[%dma_start3A, %dma_start3A_4, %dma_start3A_5] : memref<2x4x128xi32, #tpu.memory_space<vmem>> -> memref<1x4x128xi32, #tpu.memory_space<vmem>>
    %dma_start3A_7 = tpu.memref_squeeze %dma_start3A_6 : memref<1x4x128xi32, #tpu.memory_space<vmem>> -> memref<4x128xi32, #tpu.memory_space<vmem>>
    %dma_start3A_8 = arith.constant 0 : i32
    %dma_start3A_9 = arith.constant 0 : i32
    %dma_start3A_10 = tpu.memref_slice %arg3[%add3A_3, %dma_start3A_8, %dma_start3A_9] : memref<640x4x128xi32, #tpu.memory_space<hbm>> -> memref<1x4x128xi32, #tpu.memory_space<hbm>>
    %dma_start3A_11 = tpu.memref_squeeze %dma_start3A_10 : memref<1x4x128xi32, #tpu.memory_space<hbm>> -> memref<4x128xi32, #tpu.memory_space<hbm>>
    %dma_start3A_12 = arith.constant 0 : i32
    %dma_start3A_13 = arith.constant 0 : i32
    %dma_start3A_14 = tpu.memref_slice %arg6[%dma_start3A, %dma_start3A_12, %dma_start3A_13] : memref<2x4x128xi32, #tpu.memory_space<vmem>> -> memref<1x4x128xi32, #tpu.memory_space<vmem>>
    %dma_start3A_15 = tpu.memref_squeeze %dma_start3A_14 : memref<1x4x128xi32, #tpu.memory_space<vmem>> -> memref<4x128xi32, #tpu.memory_space<vmem>>
    %dma_start3A_16 = arith.constant 0 : i32
    %dma_start3A_17 = arith.constant 0 : i32
    %dma_start3A_18 = tpu.memref_slice %arg3[%add3A_3, %dma_start3A_16, %dma_start3A_17] : memref<640x4x128xi32, #tpu.memory_space<hbm>> -> memref<1x4x128xi32, #tpu.memory_space<hbm>>
    %dma_start3A_19 = tpu.memref_squeeze %dma_start3A_18 : memref<1x4x128xi32, #tpu.memory_space<hbm>> -> memref<4x128xi32, #tpu.memory_space<hbm>>
    tpu.enqueue_dma source(%dma_start3A_19 : memref<4x128xi32, #tpu.memory_space<hbm>>) target(%dma_start3A_15 : memref<4x128xi32, #tpu.memory_space<vmem>>) target_semaphore(%arg11 : memref<!tpu.dma_semaphore, #tpu.memory_space<semaphore_mem>>)
    %scan3A = arith.constant 0 : i32
    %scan3A_20 = arith.constant 0 : i32
    %scan3A_21 = arith.constant 20 : i32
    %scan3A_22 = arith.addi %scan3A_20, %scan3A_21 : i32
    %scan3A_23 = arith.constant 1 : i32
    scf.for %scan3A_30 = %scan3A_20 to %scan3A_22 step %scan3A_23  : i32 {
      %mul3A_31 = arith.constant 2 : i32
      %mul3A_32 = arith.muli %mul3A_31, %scan3A_30 : i32
      %add3A_33 = arith.addi %mul3A_2, %mul3A_32 : i32
      %dma_start3A_34 = arith.constant 0 : i32
      %dma_start3A_35 = arith.constant 0 : i32
      %dma_start3A_36 = arith.constant 0 : i32
      %dma_start3A_37 = arith.constant 0 : i32
      %dma_start3A_38 = tpu.memref_slice %arg7[%dma_start3A_36, %dma_start3A_37] : memref<256x128xf32, #tpu.memory_space<vmem>> -> memref<128x128xf32, #tpu.memory_space<vmem>>
      %dma_start3A_39 = arith.constant 0 : i32
      %dma_start3A_40 = arith.constant 0 : i32
      %dma_start3A_41 = tpu.memref_slice %arg6[%dma_start3A_34, %dma_start3A_39, %dma_start3A_40] : memref<2x4x128xi32, #tpu.memory_space<vmem>> -> memref<1x4x128xi32, #tpu.memory_space<vmem>>
      %dma_start3A_42 = tpu.memref_squeeze %dma_start3A_41 : memref<1x4x128xi32, #tpu.memory_space<vmem>> -> memref<4x128xi32, #tpu.memory_space<vmem>>
      %dma_start3A_43 = arith.constant 0 : i32
      %dma_start3A_44 = tpu.memref_slice %dma_start3A_42[%dma_start3A_35, %dma_start3A_43] : memref<4x128xi32, #tpu.memory_space<vmem>> -> memref<1x128xi32, #tpu.memory_space<vmem>>
      %dma_start3A_45 = tpu.memref_squeeze %dma_start3A_44 : memref<1x128xi32, #tpu.memory_space<vmem>> -> memref<128xi32, #tpu.memory_space<vmem>>
      %dma_start3A_46 = arith.constant 0 : i32
      %dma_start3A_47 = arith.constant 0 : i32
      %dma_start3A_48 = tpu.memref_slice %arg2[%arg0, %dma_start3A_46, %dma_start3A_47] : memref<2x10000x128xf32, #tpu.memory_space<hbm>> -> memref<1x10000x128xf32, #tpu.memory_space<hbm>>
      %dma_start3A_49 = tpu.memref_squeeze %dma_start3A_48 : memref<1x10000x128xf32, #tpu.memory_space<hbm>> -> memref<10000x128xf32, #tpu.memory_space<hbm>>
      %dma_start3A_50 = arith.constant 0 : i32
      %dma_start3A_51 = arith.constant 0 : i32
      %dma_start3A_52 = tpu.memref_slice %dma_start3A_49[%dma_start3A_50, %dma_start3A_51] : memref<10000x128xf32, #tpu.memory_space<hbm>> -> memref<10000x128xf32, #tpu.memory_space<hbm>>
      tpu.enqueue_indirect_dma source(%dma_start3A_52 : memref<10000x128xf32, #tpu.memory_space<hbm>>) target(%dma_start3A_38 : memref<128x128xf32, #tpu.memory_space<vmem>>) offsets(%dma_start3A_45 : memref<128xi32, #tpu.memory_space<vmem>>) semaphore(%arg9 : memref<!tpu.dma_semaphore, #tpu.memory_space<semaphore_mem>>)
      %dma_start3A_53 = arith.constant 0 : i32
      %dma_start3A_54 = arith.constant 1 : i32
      %dma_start3A_55 = arith.constant 128 : i32
      %dma_start3A_56 = arith.constant 0 : i32
      %dma_start3A_57 = tpu.memref_slice %arg7[%dma_start3A_55, %dma_start3A_56] : memref<256x128xf32, #tpu.memory_space<vmem>> -> memref<128x128xf32, #tpu.memory_space<vmem>>
      %dma_start3A_58 = arith.constant 0 : i32
      %dma_start3A_59 = arith.constant 0 : i32
      %dma_start3A_60 = tpu.memref_slice %arg6[%dma_start3A_53, %dma_start3A_58, %dma_start3A_59] : memref<2x4x128xi32, #tpu.memory_space<vmem>> -> memref<1x4x128xi32, #tpu.memory_space<vmem>>
      %dma_start3A_61 = tpu.memref_squeeze %dma_start3A_60 : memref<1x4x128xi32, #tpu.memory_space<vmem>> -> memref<4x128xi32, #tpu.memory_space<vmem>>
      %dma_start3A_62 = arith.constant 0 : i32
      %dma_start3A_63 = tpu.memref_slice %dma_start3A_61[%dma_start3A_54, %dma_start3A_62] : memref<4x128xi32, #tpu.memory_space<vmem>> -> memref<1x128xi32, #tpu.memory_space<vmem>>
      %dma_start3A_64 = tpu.memref_squeeze %dma_start3A_63 : memref<1x128xi32, #tpu.memory_space<vmem>> -> memref<128xi32, #tpu.memory_space<vmem>>
      %dma_start3A_65 = arith.constant 0 : i32
      %dma_start3A_66 = arith.constant 0 : i32
      %dma_start3A_67 = tpu.memref_slice %arg2[%arg0, %dma_start3A_65, %dma_start3A_66] : memref<2x10000x128xf32, #tpu.memory_space<hbm>> -> memref<1x10000x128xf32, #tpu.memory_space<hbm>>
      %dma_start3A_68 = tpu.memref_squeeze %dma_start3A_67 : memref<1x10000x128xf32, #tpu.memory_space<hbm>> -> memref<10000x128xf32, #tpu.memory_space<hbm>>
      %dma_start3A_69 = arith.constant 0 : i32
      %dma_start3A_70 = arith.constant 0 : i32
      %dma_start3A_71 = tpu.memref_slice %dma_start3A_68[%dma_start3A_69, %dma_start3A_70] : memref<10000x128xf32, #tpu.memory_space<hbm>> -> memref<10000x128xf32, #tpu.memory_space<hbm>>
      tpu.enqueue_indirect_dma source(%dma_start3A_71 : memref<10000x128xf32, #tpu.memory_space<hbm>>) target(%dma_start3A_57 : memref<128x128xf32, #tpu.memory_space<vmem>>) offsets(%dma_start3A_64 : memref<128xi32, #tpu.memory_space<vmem>>) semaphore(%arg9 : memref<!tpu.dma_semaphore, #tpu.memory_space<semaphore_mem>>)
      %dma_wait3A = arith.constant 0 : i32
      %dma_wait3A_72 = arith.constant 0 : i32
      %dma_wait3A_73 = arith.constant 0 : i32
      %dma_wait3A_74 = arith.constant 0 : i32
      %dma_wait3A_75 = tpu.memref_slice %arg7[%dma_wait3A_73, %dma_wait3A_74] : memref<256x128xf32, #tpu.memory_space<vmem>> -> memref<128x128xf32, #tpu.memory_space<vmem>>
      %dma_wait3A_76 = arith.constant 0 : i32
      %dma_wait3A_77 = arith.constant 0 : i32
      %dma_wait3A_78 = tpu.memref_slice %arg6[%dma_wait3A, %dma_wait3A_76, %dma_wait3A_77] : memref<2x4x128xi32, #tpu.memory_space<vmem>> -> memref<1x4x128xi32, #tpu.memory_space<vmem>>
      %dma_wait3A_79 = tpu.memref_squeeze %dma_wait3A_78 : memref<1x4x128xi32, #tpu.memory_space<vmem>> -> memref<4x128xi32, #tpu.memory_space<vmem>>
      %dma_wait3A_80 = arith.constant 0 : i32
      %dma_wait3A_81 = tpu.memref_slice %dma_wait3A_79[%dma_wait3A_72, %dma_wait3A_80] : memref<4x128xi32, #tpu.memory_space<vmem>> -> memref<1x128xi32, #tpu.memory_space<vmem>>
      %dma_wait3A_82 = tpu.memref_squeeze %dma_wait3A_81 : memref<1x128xi32, #tpu.memory_space<vmem>> -> memref<128xi32, #tpu.memory_space<vmem>>
      %dma_wait3A_83 = arith.constant 0 : i32
      %dma_wait3A_84 = arith.constant 0 : i32
      %dma_wait3A_85 = tpu.memref_slice %arg2[%arg0, %dma_wait3A_83, %dma_wait3A_84] : memref<2x10000x128xf32, #tpu.memory_space<hbm>> -> memref<1x10000x128xf32, #tpu.memory_space<hbm>>
      %dma_wait3A_86 = tpu.memref_squeeze %dma_wait3A_85 : memref<1x10000x128xf32, #tpu.memory_space<hbm>> -> memref<10000x128xf32, #tpu.memory_space<hbm>>
      %dma_wait3A_87 = arith.constant 0 : i32
      %dma_wait3A_88 = arith.constant 0 : i32
      %dma_wait3A_89 = tpu.memref_slice %dma_wait3A_86[%dma_wait3A_87, %dma_wait3A_88] : memref<10000x128xf32, #tpu.memory_space<hbm>> -> memref<10000x128xf32, #tpu.memory_space<hbm>>
      tpu.wait_indirect_dma semaphore(%arg9 : memref<!tpu.dma_semaphore, #tpu.memory_space<semaphore_mem>>) src(%dma_wait3A_89 : memref<10000x128xf32, #tpu.memory_space<hbm>>) dst(%dma_wait3A_75 : memref<128x128xf32, #tpu.memory_space<vmem>>)
      %dma_start3A_90 = arith.constant 0 : i32
      %dma_start3A_91 = arith.constant 2 : i32
      %dma_start3A_92 = arith.constant 0 : i32
      %dma_start3A_93 = arith.constant 0 : i32
      %dma_start3A_94 = tpu.memref_slice %arg7[%dma_start3A_92, %dma_start3A_93] : memref<256x128xf32, #tpu.memory_space<vmem>> -> memref<128x128xf32, #tpu.memory_space<vmem>>
      %dma_start3A_95 = arith.constant 0 : i32
      %dma_start3A_96 = arith.constant 0 : i32
      %dma_start3A_97 = tpu.memref_slice %arg6[%dma_start3A_90, %dma_start3A_95, %dma_start3A_96] : memref<2x4x128xi32, #tpu.memory_space<vmem>> -> memref<1x4x128xi32, #tpu.memory_space<vmem>>
      %dma_start3A_98 = tpu.memref_squeeze %dma_start3A_97 : memref<1x4x128xi32, #tpu.memory_space<vmem>> -> memref<4x128xi32, #tpu.memory_space<vmem>>
      %dma_start3A_99 = arith.constant 0 : i32
      %dma_start3A_100 = tpu.memref_slice %dma_start3A_98[%dma_start3A_91, %dma_start3A_99] : memref<4x128xi32, #tpu.memory_space<vmem>> -> memref<1x128xi32, #tpu.memory_space<vmem>>
      %dma_start3A_101 = tpu.memref_squeeze %dma_start3A_100 : memref<1x128xi32, #tpu.memory_space<vmem>> -> memref<128xi32, #tpu.memory_space<vmem>>
      %dma_start3A_102 = arith.constant 0 : i32
      %dma_start3A_103 = arith.constant 0 : i32
      %dma_start3A_104 = tpu.memref_slice %arg8[%dma_start3A_102, %dma_start3A_103] : memref<10240x128xf32, #tpu.memory_space<vmem_shared>> -> memref<10240x128xf32, #tpu.memory_space<vmem_shared>>
      tpu.enqueue_indirect_dma source(%dma_start3A_94 : memref<128x128xf32, #tpu.memory_space<vmem>>) target(%dma_start3A_104 : memref<10240x128xf32, #tpu.memory_space<vmem_shared>>) offsets(%dma_start3A_101 : memref<128xi32, #tpu.memory_space<vmem>>) semaphore(%arg10 : memref<!tpu.dma_semaphore, #tpu.memory_space<semaphore_mem>>) {add = true}
      %dma_wait3A_105 = arith.constant 0 : i32
      %dma_wait3A_106 = arith.constant 1 : i32
      %dma_wait3A_107 = arith.constant 128 : i32
      %dma_wait3A_108 = arith.constant 0 : i32
      %dma_wait3A_109 = tpu.memref_slice %arg7[%dma_wait3A_107, %dma_wait3A_108] : memref<256x128xf32, #tpu.memory_space<vmem>> -> memref<128x128xf32, #tpu.memory_space<vmem>>
      %dma_wait3A_110 = arith.constant 0 : i32
      %dma_wait3A_111 = arith.constant 0 : i32
      %dma_wait3A_112 = tpu.memref_slice %arg6[%dma_wait3A_105, %dma_wait3A_110, %dma_wait3A_111] : memref<2x4x128xi32, #tpu.memory_space<vmem>> -> memref<1x4x128xi32, #tpu.memory_space<vmem>>
      %dma_wait3A_113 = tpu.memref_squeeze %dma_wait3A_112 : memref<1x4x128xi32, #tpu.memory_space<vmem>> -> memref<4x128xi32, #tpu.memory_space<vmem>>
      %dma_wait3A_114 = arith.constant 0 : i32
      %dma_wait3A_115 = tpu.memref_slice %dma_wait3A_113[%dma_wait3A_106, %dma_wait3A_114] : memref<4x128xi32, #tpu.memory_space<vmem>> -> memref<1x128xi32, #tpu.memory_space<vmem>>
      %dma_wait3A_116 = tpu.memref_squeeze %dma_wait3A_115 : memref<1x128xi32, #tpu.memory_space<vmem>> -> memref<128xi32, #tpu.memory_space<vmem>>
      %dma_wait3A_117 = arith.constant 0 : i32
      %dma_wait3A_118 = arith.constant 0 : i32
      %dma_wait3A_119 = tpu.memref_slice %arg2[%arg0, %dma_wait3A_117, %dma_wait3A_118] : memref<2x10000x128xf32, #tpu.memory_space<hbm>> -> memref<1x10000x128xf32, #tpu.memory_space<hbm>>
      %dma_wait3A_120 = tpu.memref_squeeze %dma_wait3A_119 : memref<1x10000x128xf32, #tpu.memory_space<hbm>> -> memref<10000x128xf32, #tpu.memory_space<hbm>>
      %dma_wait3A_121 = arith.constant 0 : i32
      %dma_wait3A_122 = arith.constant 0 : i32
      %dma_wait3A_123 = tpu.memref_slice %dma_wait3A_120[%dma_wait3A_121, %dma_wait3A_122] : memref<10000x128xf32, #tpu.memory_space<hbm>> -> memref<10000x128xf32, #tpu.memory_space<hbm>>
      tpu.wait_indirect_dma semaphore(%arg9 : memref<!tpu.dma_semaphore, #tpu.memory_space<semaphore_mem>>) src(%dma_wait3A_123 : memref<10000x128xf32, #tpu.memory_space<hbm>>) dst(%dma_wait3A_109 : memref<128x128xf32, #tpu.memory_space<vmem>>)
      %dma_start3A_124 = arith.constant 0 : i32
      %dma_start3A_125 = arith.constant 3 : i32
      %dma_start3A_126 = arith.constant 128 : i32
      %dma_start3A_127 = arith.constant 0 : i32
      %dma_start3A_128 = tpu.memref_slice %arg7[%dma_start3A_126, %dma_start3A_127] : memref<256x128xf32, #tpu.memory_space<vmem>> -> memref<128x128xf32, #tpu.memory_space<vmem>>
      %dma_start3A_129 = arith.constant 0 : i32
      %dma_start3A_130 = arith.constant 0 : i32
      %dma_start3A_131 = tpu.memref_slice %arg6[%dma_start3A_124, %dma_start3A_129, %dma_start3A_130] : memref<2x4x128xi32, #tpu.memory_space<vmem>> -> memref<1x4x128xi32, #tpu.memory_space<vmem>>
      %dma_start3A_132 = tpu.memref_squeeze %dma_start3A_131 : memref<1x4x128xi32, #tpu.memory_space<vmem>> -> memref<4x128xi32, #tpu.memory_space<vmem>>
      %dma_start3A_133 = arith.constant 0 : i32
      %dma_start3A_134 = tpu.memref_slice %dma_start3A_132[%dma_start3A_125, %dma_start3A_133] : memref<4x128xi32, #tpu.memory_space<vmem>> -> memref<1x128xi32, #tpu.memory_space<vmem>>
      %dma_start3A_135 = tpu.memref_squeeze %dma_start3A_134 : memref<1x128xi32, #tpu.memory_space<vmem>> -> memref<128xi32, #tpu.memory_space<vmem>>
      %dma_start3A_136 = arith.constant 0 : i32
      %dma_start3A_137 = arith.constant 0 : i32
      %dma_start3A_138 = tpu.memref_slice %arg8[%dma_start3A_136, %dma_start3A_137] : memref<10240x128xf32, #tpu.memory_space<vmem_shared>> -> memref<10240x128xf32, #tpu.memory_space<vmem_shared>>
      tpu.enqueue_indirect_dma source(%dma_start3A_128 : memref<128x128xf32, #tpu.memory_space<vmem>>) target(%dma_start3A_138 : memref<10240x128xf32, #tpu.memory_space<vmem_shared>>) offsets(%dma_start3A_135 : memref<128xi32, #tpu.memory_space<vmem>>) semaphore(%arg10 : memref<!tpu.dma_semaphore, #tpu.memory_space<semaphore_mem>>) {add = true}
      %dma_wait3A_139 = arith.constant 0 : i32
      %dma_wait3A_140 = arith.constant 2 : i32
      %dma_wait3A_141 = arith.constant 0 : i32
      %dma_wait3A_142 = arith.constant 0 : i32
      %dma_wait3A_143 = tpu.memref_slice %arg7[%dma_wait3A_141, %dma_wait3A_142] : memref<256x128xf32, #tpu.memory_space<vmem>> -> memref<128x128xf32, #tpu.memory_space<vmem>>
      %dma_wait3A_144 = arith.constant 0 : i32
      %dma_wait3A_145 = arith.constant 0 : i32
      %dma_wait3A_146 = tpu.memref_slice %arg6[%dma_wait3A_139, %dma_wait3A_144, %dma_wait3A_145] : memref<2x4x128xi32, #tpu.memory_space<vmem>> -> memref<1x4x128xi32, #tpu.memory_space<vmem>>
      %dma_wait3A_147 = tpu.memref_squeeze %dma_wait3A_146 : memref<1x4x128xi32, #tpu.memory_space<vmem>> -> memref<4x128xi32, #tpu.memory_space<vmem>>
      %dma_wait3A_148 = arith.constant 0 : i32
      %dma_wait3A_149 = tpu.memref_slice %dma_wait3A_147[%dma_wait3A_140, %dma_wait3A_148] : memref<4x128xi32, #tpu.memory_space<vmem>> -> memref<1x128xi32, #tpu.memory_space<vmem>>
      %dma_wait3A_150 = tpu.memref_squeeze %dma_wait3A_149 : memref<1x128xi32, #tpu.memory_space<vmem>> -> memref<128xi32, #tpu.memory_space<vmem>>
      %dma_wait3A_151 = arith.constant 0 : i32
      %dma_wait3A_152 = arith.constant 0 : i32
      %dma_wait3A_153 = tpu.memref_slice %arg8[%dma_wait3A_151, %dma_wait3A_152] : memref<10240x128xf32, #tpu.memory_space<vmem_shared>> -> memref<10240x128xf32, #tpu.memory_space<vmem_shared>>
      tpu.wait_indirect_dma semaphore(%arg10 : memref<!tpu.dma_semaphore, #tpu.memory_space<semaphore_mem>>) src(%dma_wait3A_143 : memref<128x128xf32, #tpu.memory_space<vmem>>) dst(%dma_wait3A_153 : memref<10240x128xf32, #tpu.memory_space<vmem_shared>>)
      %dma_wait3A_154 = arith.constant 0 : i32
      %dma_wait3A_155 = arith.constant 3 : i32
      %dma_wait3A_156 = arith.constant 128 : i32
      %dma_wait3A_157 = arith.constant 0 : i32
      %dma_wait3A_158 = tpu.memref_slice %arg7[%dma_wait3A_156, %dma_wait3A_157] : memref<256x128xf32, #tpu.memory_space<vmem>> -> memref<128x128xf32, #tpu.memory_space<vmem>>
      %dma_wait3A_159 = arith.constant 0 : i32
      %dma_wait3A_160 = arith.constant 0 : i32
      %dma_wait3A_161 = tpu.memref_slice %arg6[%dma_wait3A_154, %dma_wait3A_159, %dma_wait3A_160] : memref<2x4x128xi32, #tpu.memory_space<vmem>> -> memref<1x4x128xi32, #tpu.memory_space<vmem>>
      %dma_wait3A_162 = tpu.memref_squeeze %dma_wait3A_161 : memref<1x4x128xi32, #tpu.memory_space<vmem>> -> memref<4x128xi32, #tpu.memory_space<vmem>>
      %dma_wait3A_163 = arith.constant 0 : i32
      %dma_wait3A_164 = tpu.memref_slice %dma_wait3A_162[%dma_wait3A_155, %dma_wait3A_163] : memref<4x128xi32, #tpu.memory_space<vmem>> -> memref<1x128xi32, #tpu.memory_space<vmem>>
      %dma_wait3A_165 = tpu.memref_squeeze %dma_wait3A_164 : memref<1x128xi32, #tpu.memory_space<vmem>> -> memref<128xi32, #tpu.memory_space<vmem>>
      %dma_wait3A_166 = arith.constant 0 : i32
      %dma_wait3A_167 = arith.constant 0 : i32
      %dma_wait3A_168 = tpu.memref_slice %arg8[%dma_wait3A_166, %dma_wait3A_167] : memref<10240x128xf32, #tpu.memory_space<vmem_shared>> -> memref<10240x128xf32, #tpu.memory_space<vmem_shared>>
      tpu.wait_indirect_dma semaphore(%arg10 : memref<!tpu.dma_semaphore, #tpu.memory_space<semaphore_mem>>) src(%dma_wait3A_158 : memref<128x128xf32, #tpu.memory_space<vmem>>) dst(%dma_wait3A_168 : memref<10240x128xf32, #tpu.memory_space<vmem_shared>>)
      %add3A_169 = arith.constant 0 : i32
      %add3A_170 = arith.addi %add3A_33, %add3A_169 : i32
      %add3A_171 = arith.constant 2 : i32
      %add3A_172 = arith.addi %add3A_170, %add3A_171 : i32
      %add3A_173 = arith.constant 40 : i32
      %add3A_174 = arith.addi %mul3A_2, %add3A_173 : i32
      %lt3A = arith.cmpi slt, %add3A_172, %add3A_174 : i32
      %convert_element_type3A = arith.extui %lt3A : i1 to i32
      %cond3A = arith.constant 0 : i32
      %cond3A_175 = arith.cmpi ne, %convert_element_type3A, %cond3A : i32
      scf.if %cond3A_175 {
        %dma_start3A_337 = arith.constant 0 : i32
        %dma_start3A_338 = arith.constant 0 : i32
        %dma_start3A_339 = arith.constant 0 : i32
        %dma_start3A_340 = tpu.memref_slice %arg6[%dma_start3A_337, %dma_start3A_338, %dma_start3A_339] : memref<2x4x128xi32, #tpu.memory_space<vmem>> -> memref<1x4x128xi32, #tpu.memory_space<vmem>>
        %dma_start3A_341 = tpu.memref_squeeze %dma_start3A_340 : memref<1x4x128xi32, #tpu.memory_space<vmem>> -> memref<4x128xi32, #tpu.memory_space<vmem>>
        %dma_start3A_342 = arith.constant 0 : i32
        %dma_start3A_343 = arith.constant 0 : i32
        %dma_start3A_344 = tpu.memref_slice %arg3[%add3A_172, %dma_start3A_342, %dma_start3A_343] : memref<640x4x128xi32, #tpu.memory_space<hbm>> -> memref<1x4x128xi32, #tpu.memory_space<hbm>>
        %dma_start3A_345 = tpu.memref_squeeze %dma_start3A_344 : memref<1x4x128xi32, #tpu.memory_space<hbm>> -> memref<4x128xi32, #tpu.memory_space<hbm>>
        %dma_start3A_346 = arith.constant 0 : i32
        %dma_start3A_347 = arith.constant 0 : i32
        %dma_start3A_348 = tpu.memref_slice %arg6[%dma_start3A_337, %dma_start3A_346, %dma_start3A_347] : memref<2x4x128xi32, #tpu.memory_space<vmem>> -> memref<1x4x128xi32, #tpu.memory_space<vmem>>
        %dma_start3A_349 = tpu.memref_squeeze %dma_start3A_348 : memref<1x4x128xi32, #tpu.memory_space<vmem>> -> memref<4x128xi32, #tpu.memory_space<vmem>>
        %dma_start3A_350 = arith.constant 0 : i32
        %dma_start3A_351 = arith.constant 0 : i32
        %dma_start3A_352 = tpu.memref_slice %arg3[%add3A_172, %dma_start3A_350, %dma_start3A_351] : memref<640x4x128xi32, #tpu.memory_space<hbm>> -> memref<1x4x128xi32, #tpu.memory_space<hbm>>
        %dma_start3A_353 = tpu.memref_squeeze %dma_start3A_352 : memref<1x4x128xi32, #tpu.memory_space<hbm>> -> memref<4x128xi32, #tpu.memory_space<hbm>>
        tpu.enqueue_dma source(%dma_start3A_353 : memref<4x128xi32, #tpu.memory_space<hbm>>) target(%dma_start3A_349 : memref<4x128xi32, #tpu.memory_space<vmem>>) target_semaphore(%arg11 : memref<!tpu.dma_semaphore, #tpu.memory_space<semaphore_mem>>)
      } else {
      }
      %sub3A = arith.constant 1 : i32
      %sub3A_176 = arith.subi %add3A_172, %sub3A : i32
      %add3A_177 = arith.constant 40 : i32
      %add3A_178 = arith.addi %mul3A_2, %add3A_177 : i32
      %lt3A_179 = arith.cmpi slt, %sub3A_176, %add3A_178 : i32
      %convert_element_type3A_180 = arith.extui %lt3A_179 : i1 to i32
      %cond3A_181 = arith.constant 0 : i32
      %cond3A_182 = arith.cmpi ne, %convert_element_type3A_180, %cond3A_181 : i32
      scf.if %cond3A_182 {
        %sub3A_337 = arith.constant 1 : i32
        %sub3A_338 = arith.subi %add3A_172, %sub3A_337 : i32
        %dma_wait3A_339 = arith.constant 1 : i32
        %dma_wait3A_340 = arith.constant 0 : i32
        %dma_wait3A_341 = arith.constant 0 : i32
        %dma_wait3A_342 = tpu.memref_slice %arg6[%dma_wait3A_339, %dma_wait3A_340, %dma_wait3A_341] : memref<2x4x128xi32, #tpu.memory_space<vmem>> -> memref<1x4x128xi32, #tpu.memory_space<vmem>>
        %dma_wait3A_343 = tpu.memref_squeeze %dma_wait3A_342 : memref<1x4x128xi32, #tpu.memory_space<vmem>> -> memref<4x128xi32, #tpu.memory_space<vmem>>
        %dma_wait3A_344 = arith.constant 0 : i32
        %dma_wait3A_345 = arith.constant 0 : i32
        %dma_wait3A_346 = tpu.memref_slice %arg3[%sub3A_338, %dma_wait3A_344, %dma_wait3A_345] : memref<640x4x128xi32, #tpu.memory_space<hbm>> -> memref<1x4x128xi32, #tpu.memory_space<hbm>>
        %dma_wait3A_347 = tpu.memref_squeeze %dma_wait3A_346 : memref<1x4x128xi32, #tpu.memory_space<hbm>> -> memref<4x128xi32, #tpu.memory_space<hbm>>
        %dma_wait3A_348 = arith.constant 0 : i32
        %dma_wait3A_349 = arith.constant 0 : i32
        %dma_wait3A_350 = tpu.memref_slice %arg6[%dma_wait3A_339, %dma_wait3A_348, %dma_wait3A_349] : memref<2x4x128xi32, #tpu.memory_space<vmem>> -> memref<1x4x128xi32, #tpu.memory_space<vmem>>
        %dma_wait3A_351 = tpu.memref_squeeze %dma_wait3A_350 : memref<1x4x128xi32, #tpu.memory_space<vmem>> -> memref<4x128xi32, #tpu.memory_space<vmem>>
        %dma_wait3A_352 = arith.constant 0 : i32
        %dma_wait3A_353 = arith.constant 0 : i32
        %dma_wait3A_354 = tpu.memref_slice %arg3[%sub3A_338, %dma_wait3A_352, %dma_wait3A_353] : memref<640x4x128xi32, #tpu.memory_space<hbm>> -> memref<1x4x128xi32, #tpu.memory_space<hbm>>
        %dma_wait3A_355 = tpu.memref_squeeze %dma_wait3A_354 : memref<1x4x128xi32, #tpu.memory_space<hbm>> -> memref<4x128xi32, #tpu.memory_space<hbm>>
        tpu.wait_dma2 semaphore(%arg11 : memref<!tpu.dma_semaphore, #tpu.memory_space<semaphore_mem>>) src(%dma_wait3A_355 : memref<4x128xi32, #tpu.memory_space<hbm>>) dst(%dma_wait3A_351 : memref<4x128xi32, #tpu.memory_space<vmem>>)
      } else {
      }
      %dma_start3A_183 = arith.constant 1 : i32
      %dma_start3A_184 = arith.constant 0 : i32
      %dma_start3A_185 = arith.constant 0 : i32
      %dma_start3A_186 = arith.constant 0 : i32
      %dma_start3A_187 = tpu.memref_slice %arg7[%dma_start3A_185, %dma_start3A_186] : memref<256x128xf32, #tpu.memory_space<vmem>> -> memref<128x128xf32, #tpu.memory_space<vmem>>
      %dma_start3A_188 = arith.constant 0 : i32
      %dma_start3A_189 = arith.constant 0 : i32
      %dma_start3A_190 = tpu.memref_slice %arg6[%dma_start3A_183, %dma_start3A_188, %dma_start3A_189] : memref<2x4x128xi32, #tpu.memory_space<vmem>> -> memref<1x4x128xi32, #tpu.memory_space<vmem>>
      %dma_start3A_191 = tpu.memref_squeeze %dma_start3A_190 : memref<1x4x128xi32, #tpu.memory_space<vmem>> -> memref<4x128xi32, #tpu.memory_space<vmem>>
      %dma_start3A_192 = arith.constant 0 : i32
      %dma_start3A_193 = tpu.memref_slice %dma_start3A_191[%dma_start3A_184, %dma_start3A_192] : memref<4x128xi32, #tpu.memory_space<vmem>> -> memref<1x128xi32, #tpu.memory_space<vmem>>
      %dma_start3A_194 = tpu.memref_squeeze %dma_start3A_193 : memref<1x128xi32, #tpu.memory_space<vmem>> -> memref<128xi32, #tpu.memory_space<vmem>>
      %dma_start3A_195 = arith.constant 0 : i32
      %dma_start3A_196 = arith.constant 0 : i32
      %dma_start3A_197 = tpu.memref_slice %arg2[%arg0, %dma_start3A_195, %dma_start3A_196] : memref<2x10000x128xf32, #tpu.memory_space<hbm>> -> memref<1x10000x128xf32, #tpu.memory_space<hbm>>
      %dma_start3A_198 = tpu.memref_squeeze %dma_start3A_197 : memref<1x10000x128xf32, #tpu.memory_space<hbm>> -> memref<10000x128xf32, #tpu.memory_space<hbm>>
      %dma_start3A_199 = arith.constant 0 : i32
      %dma_start3A_200 = arith.constant 0 : i32
      %dma_start3A_201 = tpu.memref_slice %dma_start3A_198[%dma_start3A_199, %dma_start3A_200] : memref<10000x128xf32, #tpu.memory_space<hbm>> -> memref<10000x128xf32, #tpu.memory_space<hbm>>
      tpu.enqueue_indirect_dma source(%dma_start3A_201 : memref<10000x128xf32, #tpu.memory_space<hbm>>) target(%dma_start3A_187 : memref<128x128xf32, #tpu.memory_space<vmem>>) offsets(%dma_start3A_194 : memref<128xi32, #tpu.memory_space<vmem>>) semaphore(%arg9 : memref<!tpu.dma_semaphore, #tpu.memory_space<semaphore_mem>>)
      %dma_start3A_202 = arith.constant 1 : i32
      %dma_start3A_203 = arith.constant 1 : i32
      %dma_start3A_204 = arith.constant 128 : i32
      %dma_start3A_205 = arith.constant 0 : i32
      %dma_start3A_206 = tpu.memref_slice %arg7[%dma_start3A_204, %dma_start3A_205] : memref<256x128xf32, #tpu.memory_space<vmem>> -> memref<128x128xf32, #tpu.memory_space<vmem>>
      %dma_start3A_207 = arith.constant 0 : i32
      %dma_start3A_208 = arith.constant 0 : i32
      %dma_start3A_209 = tpu.memref_slice %arg6[%dma_start3A_202, %dma_start3A_207, %dma_start3A_208] : memref<2x4x128xi32, #tpu.memory_space<vmem>> -> memref<1x4x128xi32, #tpu.memory_space<vmem>>
      %dma_start3A_210 = tpu.memref_squeeze %dma_start3A_209 : memref<1x4x128xi32, #tpu.memory_space<vmem>> -> memref<4x128xi32, #tpu.memory_space<vmem>>
      %dma_start3A_211 = arith.constant 0 : i32
      %dma_start3A_212 = tpu.memref_slice %dma_start3A_210[%dma_start3A_203, %dma_start3A_211] : memref<4x128xi32, #tpu.memory_space<vmem>> -> memref<1x128xi32, #tpu.memory_space<vmem>>
      %dma_start3A_213 = tpu.memref_squeeze %dma_start3A_212 : memref<1x128xi32, #tpu.memory_space<vmem>> -> memref<128xi32, #tpu.memory_space<vmem>>
      %dma_start3A_214 = arith.constant 0 : i32
      %dma_start3A_215 = arith.constant 0 : i32
      %dma_start3A_216 = tpu.memref_slice %arg2[%arg0, %dma_start3A_214, %dma_start3A_215] : memref<2x10000x128xf32, #tpu.memory_space<hbm>> -> memref<1x10000x128xf32, #tpu.memory_space<hbm>>
      %dma_start3A_217 = tpu.memref_squeeze %dma_start3A_216 : memref<1x10000x128xf32, #tpu.memory_space<hbm>> -> memref<10000x128xf32, #tpu.memory_space<hbm>>
      %dma_start3A_218 = arith.constant 0 : i32
      %dma_start3A_219 = arith.constant 0 : i32
      %dma_start3A_220 = tpu.memref_slice %dma_start3A_217[%dma_start3A_218, %dma_start3A_219] : memref<10000x128xf32, #tpu.memory_space<hbm>> -> memref<10000x128xf32, #tpu.memory_space<hbm>>
      tpu.enqueue_indirect_dma source(%dma_start3A_220 : memref<10000x128xf32, #tpu.memory_space<hbm>>) target(%dma_start3A_206 : memref<128x128xf32, #tpu.memory_space<vmem>>) offsets(%dma_start3A_213 : memref<128xi32, #tpu.memory_space<vmem>>) semaphore(%arg9 : memref<!tpu.dma_semaphore, #tpu.memory_space<semaphore_mem>>)
      %dma_wait3A_221 = arith.constant 1 : i32
      %dma_wait3A_222 = arith.constant 0 : i32
      %dma_wait3A_223 = arith.constant 0 : i32
      %dma_wait3A_224 = arith.constant 0 : i32
      %dma_wait3A_225 = tpu.memref_slice %arg7[%dma_wait3A_223, %dma_wait3A_224] : memref<256x128xf32, #tpu.memory_space<vmem>> -> memref<128x128xf32, #tpu.memory_space<vmem>>
      %dma_wait3A_226 = arith.constant 0 : i32
      %dma_wait3A_227 = arith.constant 0 : i32
      %dma_wait3A_228 = tpu.memref_slice %arg6[%dma_wait3A_221, %dma_wait3A_226, %dma_wait3A_227] : memref<2x4x128xi32, #tpu.memory_space<vmem>> -> memref<1x4x128xi32, #tpu.memory_space<vmem>>
      %dma_wait3A_229 = tpu.memref_squeeze %dma_wait3A_228 : memref<1x4x128xi32, #tpu.memory_space<vmem>> -> memref<4x128xi32, #tpu.memory_space<vmem>>
      %dma_wait3A_230 = arith.constant 0 : i32
      %dma_wait3A_231 = tpu.memref_slice %dma_wait3A_229[%dma_wait3A_222, %dma_wait3A_230] : memref<4x128xi32, #tpu.memory_space<vmem>> -> memref<1x128xi32, #tpu.memory_space<vmem>>
      %dma_wait3A_232 = tpu.memref_squeeze %dma_wait3A_231 : memref<1x128xi32, #tpu.memory_space<vmem>> -> memref<128xi32, #tpu.memory_space<vmem>>
      %dma_wait3A_233 = arith.constant 0 : i32
      %dma_wait3A_234 = arith.constant 0 : i32
      %dma_wait3A_235 = tpu.memref_slice %arg2[%arg0, %dma_wait3A_233, %dma_wait3A_234] : memref<2x10000x128xf32, #tpu.memory_space<hbm>> -> memref<1x10000x128xf32, #tpu.memory_space<hbm>>
      %dma_wait3A_236 = tpu.memref_squeeze %dma_wait3A_235 : memref<1x10000x128xf32, #tpu.memory_space<hbm>> -> memref<10000x128xf32, #tpu.memory_space<hbm>>
      %dma_wait3A_237 = arith.constant 0 : i32
      %dma_wait3A_238 = arith.constant 0 : i32
      %dma_wait3A_239 = tpu.memref_slice %dma_wait3A_236[%dma_wait3A_237, %dma_wait3A_238] : memref<10000x128xf32, #tpu.memory_space<hbm>> -> memref<10000x128xf32, #tpu.memory_space<hbm>>
      tpu.wait_indirect_dma semaphore(%arg9 : memref<!tpu.dma_semaphore, #tpu.memory_space<semaphore_mem>>) src(%dma_wait3A_239 : memref<10000x128xf32, #tpu.memory_space<hbm>>) dst(%dma_wait3A_225 : memref<128x128xf32, #tpu.memory_space<vmem>>)
      %dma_start3A_240 = arith.constant 1 : i32
      %dma_start3A_241 = arith.constant 2 : i32
      %dma_start3A_242 = arith.constant 0 : i32
      %dma_start3A_243 = arith.constant 0 : i32
      %dma_start3A_244 = tpu.memref_slice %arg7[%dma_start3A_242, %dma_start3A_243] : memref<256x128xf32, #tpu.memory_space<vmem>> -> memref<128x128xf32, #tpu.memory_space<vmem>>
      %dma_start3A_245 = arith.constant 0 : i32
      %dma_start3A_246 = arith.constant 0 : i32
      %dma_start3A_247 = tpu.memref_slice %arg6[%dma_start3A_240, %dma_start3A_245, %dma_start3A_246] : memref<2x4x128xi32, #tpu.memory_space<vmem>> -> memref<1x4x128xi32, #tpu.memory_space<vmem>>
      %dma_start3A_248 = tpu.memref_squeeze %dma_start3A_247 : memref<1x4x128xi32, #tpu.memory_space<vmem>> -> memref<4x128xi32, #tpu.memory_space<vmem>>
      %dma_start3A_249 = arith.constant 0 : i32
      %dma_start3A_250 = tpu.memref_slice %dma_start3A_248[%dma_start3A_241, %dma_start3A_249] : memref<4x128xi32, #tpu.memory_space<vmem>> -> memref<1x128xi32, #tpu.memory_space<vmem>>
      %dma_start3A_251 = tpu.memref_squeeze %dma_start3A_250 : memref<1x128xi32, #tpu.memory_space<vmem>> -> memref<128xi32, #tpu.memory_space<vmem>>
      %dma_start3A_252 = arith.constant 0 : i32
      %dma_start3A_253 = arith.constant 0 : i32
      %dma_start3A_254 = tpu.memref_slice %arg8[%dma_start3A_252, %dma_start3A_253] : memref<10240x128xf32, #tpu.memory_space<vmem_shared>> -> memref<10240x128xf32, #tpu.memory_space<vmem_shared>>
      tpu.enqueue_indirect_dma source(%dma_start3A_244 : memref<128x128xf32, #tpu.memory_space<vmem>>) target(%dma_start3A_254 : memref<10240x128xf32, #tpu.memory_space<vmem_shared>>) offsets(%dma_start3A_251 : memref<128xi32, #tpu.memory_space<vmem>>) semaphore(%arg10 : memref<!tpu.dma_semaphore, #tpu.memory_space<semaphore_mem>>) {add = true}
      %dma_wait3A_255 = arith.constant 1 : i32
      %dma_wait3A_256 = arith.constant 1 : i32
      %dma_wait3A_257 = arith.constant 128 : i32
      %dma_wait3A_258 = arith.constant 0 : i32
      %dma_wait3A_259 = tpu.memref_slice %arg7[%dma_wait3A_257, %dma_wait3A_258] : memref<256x128xf32, #tpu.memory_space<vmem>> -> memref<128x128xf32, #tpu.memory_space<vmem>>
      %dma_wait3A_260 = arith.constant 0 : i32
      %dma_wait3A_261 = arith.constant 0 : i32
      %dma_wait3A_262 = tpu.memref_slice %arg6[%dma_wait3A_255, %dma_wait3A_260, %dma_wait3A_261] : memref<2x4x128xi32, #tpu.memory_space<vmem>> -> memref<1x4x128xi32, #tpu.memory_space<vmem>>
      %dma_wait3A_263 = tpu.memref_squeeze %dma_wait3A_262 : memref<1x4x128xi32, #tpu.memory_space<vmem>> -> memref<4x128xi32, #tpu.memory_space<vmem>>
      %dma_wait3A_264 = arith.constant 0 : i32
      %dma_wait3A_265 = tpu.memref_slice %dma_wait3A_263[%dma_wait3A_256, %dma_wait3A_264] : memref<4x128xi32, #tpu.memory_space<vmem>> -> memref<1x128xi32, #tpu.memory_space<vmem>>
      %dma_wait3A_266 = tpu.memref_squeeze %dma_wait3A_265 : memref<1x128xi32, #tpu.memory_space<vmem>> -> memref<128xi32, #tpu.memory_space<vmem>>
      %dma_wait3A_267 = arith.constant 0 : i32
      %dma_wait3A_268 = arith.constant 0 : i32
      %dma_wait3A_269 = tpu.memref_slice %arg2[%arg0, %dma_wait3A_267, %dma_wait3A_268] : memref<2x10000x128xf32, #tpu.memory_space<hbm>> -> memref<1x10000x128xf32, #tpu.memory_space<hbm>>
      %dma_wait3A_270 = tpu.memref_squeeze %dma_wait3A_269 : memref<1x10000x128xf32, #tpu.memory_space<hbm>> -> memref<10000x128xf32, #tpu.memory_space<hbm>>
      %dma_wait3A_271 = arith.constant 0 : i32
      %dma_wait3A_272 = arith.constant 0 : i32
      %dma_wait3A_273 = tpu.memref_slice %dma_wait3A_270[%dma_wait3A_271, %dma_wait3A_272] : memref<10000x128xf32, #tpu.memory_space<hbm>> -> memref<10000x128xf32, #tpu.memory_space<hbm>>
      tpu.wait_indirect_dma semaphore(%arg9 : memref<!tpu.dma_semaphore, #tpu.memory_space<semaphore_mem>>) src(%dma_wait3A_273 : memref<10000x128xf32, #tpu.memory_space<hbm>>) dst(%dma_wait3A_259 : memref<128x128xf32, #tpu.memory_space<vmem>>)
      %dma_start3A_274 = arith.constant 1 : i32
      %dma_start3A_275 = arith.constant 3 : i32
      %dma_start3A_276 = arith.constant 128 : i32
      %dma_start3A_277 = arith.constant 0 : i32
      %dma_start3A_278 = tpu.memref_slice %arg7[%dma_start3A_276, %dma_start3A_277] : memref<256x128xf32, #tpu.memory_space<vmem>> -> memref<128x128xf32, #tpu.memory_space<vmem>>
      %dma_start3A_279 = arith.constant 0 : i32
      %dma_start3A_280 = arith.constant 0 : i32
      %dma_start3A_281 = tpu.memref_slice %arg6[%dma_start3A_274, %dma_start3A_279, %dma_start3A_280] : memref<2x4x128xi32, #tpu.memory_space<vmem>> -> memref<1x4x128xi32, #tpu.memory_space<vmem>>
      %dma_start3A_282 = tpu.memref_squeeze %dma_start3A_281 : memref<1x4x128xi32, #tpu.memory_space<vmem>> -> memref<4x128xi32, #tpu.memory_space<vmem>>
      %dma_start3A_283 = arith.constant 0 : i32
      %dma_start3A_284 = tpu.memref_slice %dma_start3A_282[%dma_start3A_275, %dma_start3A_283] : memref<4x128xi32, #tpu.memory_space<vmem>> -> memref<1x128xi32, #tpu.memory_space<vmem>>
      %dma_start3A_285 = tpu.memref_squeeze %dma_start3A_284 : memref<1x128xi32, #tpu.memory_space<vmem>> -> memref<128xi32, #tpu.memory_space<vmem>>
      %dma_start3A_286 = arith.constant 0 : i32
      %dma_start3A_287 = arith.constant 0 : i32
      %dma_start3A_288 = tpu.memref_slice %arg8[%dma_start3A_286, %dma_start3A_287] : memref<10240x128xf32, #tpu.memory_space<vmem_shared>> -> memref<10240x128xf32, #tpu.memory_space<vmem_shared>>
      tpu.enqueue_indirect_dma source(%dma_start3A_278 : memref<128x128xf32, #tpu.memory_space<vmem>>) target(%dma_start3A_288 : memref<10240x128xf32, #tpu.memory_space<vmem_shared>>) offsets(%dma_start3A_285 : memref<128xi32, #tpu.memory_space<vmem>>) semaphore(%arg10 : memref<!tpu.dma_semaphore, #tpu.memory_space<semaphore_mem>>) {add = true}
      %dma_wait3A_289 = arith.constant 1 : i32
      %dma_wait3A_290 = arith.constant 2 : i32
      %dma_wait3A_291 = arith.constant 0 : i32
      %dma_wait3A_292 = arith.constant 0 : i32
      %dma_wait3A_293 = tpu.memref_slice %arg7[%dma_wait3A_291, %dma_wait3A_292] : memref<256x128xf32, #tpu.memory_space<vmem>> -> memref<128x128xf32, #tpu.memory_space<vmem>>
      %dma_wait3A_294 = arith.constant 0 : i32
      %dma_wait3A_295 = arith.constant 0 : i32
      %dma_wait3A_296 = tpu.memref_slice %arg6[%dma_wait3A_289, %dma_wait3A_294, %dma_wait3A_295] : memref<2x4x128xi32, #tpu.memory_space<vmem>> -> memref<1x4x128xi32, #tpu.memory_space<vmem>>
      %dma_wait3A_297 = tpu.memref_squeeze %dma_wait3A_296 : memref<1x4x128xi32, #tpu.memory_space<vmem>> -> memref<4x128xi32, #tpu.memory_space<vmem>>
      %dma_wait3A_298 = arith.constant 0 : i32
      %dma_wait3A_299 = tpu.memref_slice %dma_wait3A_297[%dma_wait3A_290, %dma_wait3A_298] : memref<4x128xi32, #tpu.memory_space<vmem>> -> memref<1x128xi32, #tpu.memory_space<vmem>>
      %dma_wait3A_300 = tpu.memref_squeeze %dma_wait3A_299 : memref<1x128xi32, #tpu.memory_space<vmem>> -> memref<128xi32, #tpu.memory_space<vmem>>
      %dma_wait3A_301 = arith.constant 0 : i32
      %dma_wait3A_302 = arith.constant 0 : i32
      %dma_wait3A_303 = tpu.memref_slice %arg8[%dma_wait3A_301, %dma_wait3A_302] : memref<10240x128xf32, #tpu.memory_space<vmem_shared>> -> memref<10240x128xf32, #tpu.memory_space<vmem_shared>>
      tpu.wait_indirect_dma semaphore(%arg10 : memref<!tpu.dma_semaphore, #tpu.memory_space<semaphore_mem>>) src(%dma_wait3A_293 : memref<128x128xf32, #tpu.memory_space<vmem>>) dst(%dma_wait3A_303 : memref<10240x128xf32, #tpu.memory_space<vmem_shared>>)
      %dma_wait3A_304 = arith.constant 1 : i32
      %dma_wait3A_305 = arith.constant 3 : i32
      %dma_wait3A_306 = arith.constant 128 : i32
      %dma_wait3A_307 = arith.constant 0 : i32
      %dma_wait3A_308 = tpu.memref_slice %arg7[%dma_wait3A_306, %dma_wait3A_307] : memref<256x128xf32, #tpu.memory_space<vmem>> -> memref<128x128xf32, #tpu.memory_space<vmem>>
      %dma_wait3A_309 = arith.constant 0 : i32
      %dma_wait3A_310 = arith.constant 0 : i32
      %dma_wait3A_311 = tpu.memref_slice %arg6[%dma_wait3A_304, %dma_wait3A_309, %dma_wait3A_310] : memref<2x4x128xi32, #tpu.memory_space<vmem>> -> memref<1x4x128xi32, #tpu.memory_space<vmem>>
      %dma_wait3A_312 = tpu.memref_squeeze %dma_wait3A_311 : memref<1x4x128xi32, #tpu.memory_space<vmem>> -> memref<4x128xi32, #tpu.memory_space<vmem>>
      %dma_wait3A_313 = arith.constant 0 : i32
      %dma_wait3A_314 = tpu.memref_slice %dma_wait3A_312[%dma_wait3A_305, %dma_wait3A_313] : memref<4x128xi32, #tpu.memory_space<vmem>> -> memref<1x128xi32, #tpu.memory_space<vmem>>
      %dma_wait3A_315 = tpu.memref_squeeze %dma_wait3A_314 : memref<1x128xi32, #tpu.memory_space<vmem>> -> memref<128xi32, #tpu.memory_space<vmem>>
      %dma_wait3A_316 = arith.constant 0 : i32
      %dma_wait3A_317 = arith.constant 0 : i32
      %dma_wait3A_318 = tpu.memref_slice %arg8[%dma_wait3A_316, %dma_wait3A_317] : memref<10240x128xf32, #tpu.memory_space<vmem_shared>> -> memref<10240x128xf32, #tpu.memory_space<vmem_shared>>
      tpu.wait_indirect_dma semaphore(%arg10 : memref<!tpu.dma_semaphore, #tpu.memory_space<semaphore_mem>>) src(%dma_wait3A_308 : memref<128x128xf32, #tpu.memory_space<vmem>>) dst(%dma_wait3A_318 : memref<10240x128xf32, #tpu.memory_space<vmem_shared>>)
      %add3A_319 = arith.constant 1 : i32
      %add3A_320 = arith.addi %add3A_33, %add3A_319 : i32
      %add3A_321 = arith.constant 2 : i32
      %add3A_322 = arith.addi %add3A_320, %add3A_321 : i32
      %add3A_323 = arith.constant 40 : i32
      %add3A_324 = arith.addi %mul3A_2, %add3A_323 : i32
      %lt3A_325 = arith.cmpi slt, %add3A_322, %add3A_324 : i32
      %convert_element_type3A_326 = arith.extui %lt3A_325 : i1 to i32
      %cond3A_327 = arith.constant 0 : i32
      %cond3A_328 = arith.cmpi ne, %convert_element_type3A_326, %cond3A_327 : i32
      scf.if %cond3A_328 {
        %dma_start3A_337 = arith.constant 1 : i32
        %dma_start3A_338 = arith.constant 0 : i32
        %dma_start3A_339 = arith.constant 0 : i32
        %dma_start3A_340 = tpu.memref_slice %arg6[%dma_start3A_337, %dma_start3A_338, %dma_start3A_339] : memref<2x4x128xi32, #tpu.memory_space<vmem>> -> memref<1x4x128xi32, #tpu.memory_space<vmem>>
        %dma_start3A_341 = tpu.memref_squeeze %dma_start3A_340 : memref<1x4x128xi32, #tpu.memory_space<vmem>> -> memref<4x128xi32, #tpu.memory_space<vmem>>
        %dma_start3A_342 = arith.constant 0 : i32
        %dma_start3A_343 = arith.constant 0 : i32
        %dma_start3A_344 = tpu.memref_slice %arg3[%add3A_322, %dma_start3A_342, %dma_start3A_343] : memref<640x4x128xi32, #tpu.memory_space<hbm>> -> memref<1x4x128xi32, #tpu.memory_space<hbm>>
        %dma_start3A_345 = tpu.memref_squeeze %dma_start3A_344 : memref<1x4x128xi32, #tpu.memory_space<hbm>> -> memref<4x128xi32, #tpu.memory_space<hbm>>
        %dma_start3A_346 = arith.constant 0 : i32
        %dma_start3A_347 = arith.constant 0 : i32
        %dma_start3A_348 = tpu.memref_slice %arg6[%dma_start3A_337, %dma_start3A_346, %dma_start3A_347] : memref<2x4x128xi32, #tpu.memory_space<vmem>> -> memref<1x4x128xi32, #tpu.memory_space<vmem>>
        %dma_start3A_349 = tpu.memref_squeeze %dma_start3A_348 : memref<1x4x128xi32, #tpu.memory_space<vmem>> -> memref<4x128xi32, #tpu.memory_space<vmem>>
        %dma_start3A_350 = arith.constant 0 : i32
        %dma_start3A_351 = arith.constant 0 : i32
        %dma_start3A_352 = tpu.memref_slice %arg3[%add3A_322, %dma_start3A_350, %dma_start3A_351] : memref<640x4x128xi32, #tpu.memory_space<hbm>> -> memref<1x4x128xi32, #tpu.memory_space<hbm>>
        %dma_start3A_353 = tpu.memref_squeeze %dma_start3A_352 : memref<1x4x128xi32, #tpu.memory_space<hbm>> -> memref<4x128xi32, #tpu.memory_space<hbm>>
        tpu.enqueue_dma source(%dma_start3A_353 : memref<4x128xi32, #tpu.memory_space<hbm>>) target(%dma_start3A_349 : memref<4x128xi32, #tpu.memory_space<vmem>>) target_semaphore(%arg11 : memref<!tpu.dma_semaphore, #tpu.memory_space<semaphore_mem>>)
      } else {
      }
      %sub3A_329 = arith.constant 1 : i32
      %sub3A_330 = arith.subi %add3A_322, %sub3A_329 : i32
      %add3A_331 = arith.constant 40 : i32
      %add3A_332 = arith.addi %mul3A_2, %add3A_331 : i32
      %lt3A_333 = arith.cmpi slt, %sub3A_330, %add3A_332 : i32
      %convert_element_type3A_334 = arith.extui %lt3A_333 : i1 to i32
      %cond3A_335 = arith.constant 0 : i32
      %cond3A_336 = arith.cmpi ne, %convert_element_type3A_334, %cond3A_335 : i32
      scf.if %cond3A_336 {
        %sub3A_337 = arith.constant 1 : i32
        %sub3A_338 = arith.subi %add3A_322, %sub3A_337 : i32
        %dma_wait3A_339 = arith.constant 0 : i32
        %dma_wait3A_340 = arith.constant 0 : i32
        %dma_wait3A_341 = arith.constant 0 : i32
        %dma_wait3A_342 = tpu.memref_slice %arg6[%dma_wait3A_339, %dma_wait3A_340, %dma_wait3A_341] : memref<2x4x128xi32, #tpu.memory_space<vmem>> -> memref<1x4x128xi32, #tpu.memory_space<vmem>>
        %dma_wait3A_343 = tpu.memref_squeeze %dma_wait3A_342 : memref<1x4x128xi32, #tpu.memory_space<vmem>> -> memref<4x128xi32, #tpu.memory_space<vmem>>
        %dma_wait3A_344 = arith.constant 0 : i32
        %dma_wait3A_345 = arith.constant 0 : i32
        %dma_wait3A_346 = tpu.memref_slice %arg3[%sub3A_338, %dma_wait3A_344, %dma_wait3A_345] : memref<640x4x128xi32, #tpu.memory_space<hbm>> -> memref<1x4x128xi32, #tpu.memory_space<hbm>>
        %dma_wait3A_347 = tpu.memref_squeeze %dma_wait3A_346 : memref<1x4x128xi32, #tpu.memory_space<hbm>> -> memref<4x128xi32, #tpu.memory_space<hbm>>
        %dma_wait3A_348 = arith.constant 0 : i32
        %dma_wait3A_349 = arith.constant 0 : i32
        %dma_wait3A_350 = tpu.memref_slice %arg6[%dma_wait3A_339, %dma_wait3A_348, %dma_wait3A_349] : memref<2x4x128xi32, #tpu.memory_space<vmem>> -> memref<1x4x128xi32, #tpu.memory_space<vmem>>
        %dma_wait3A_351 = tpu.memref_squeeze %dma_wait3A_350 : memref<1x4x128xi32, #tpu.memory_space<vmem>> -> memref<4x128xi32, #tpu.memory_space<vmem>>
        %dma_wait3A_352 = arith.constant 0 : i32
        %dma_wait3A_353 = arith.constant 0 : i32
        %dma_wait3A_354 = tpu.memref_slice %arg3[%sub3A_338, %dma_wait3A_352, %dma_wait3A_353] : memref<640x4x128xi32, #tpu.memory_space<hbm>> -> memref<1x4x128xi32, #tpu.memory_space<hbm>>
        %dma_wait3A_355 = tpu.memref_squeeze %dma_wait3A_354 : memref<1x4x128xi32, #tpu.memory_space<hbm>> -> memref<4x128xi32, #tpu.memory_space<hbm>>
        tpu.wait_dma2 semaphore(%arg11 : memref<!tpu.dma_semaphore, #tpu.memory_space<semaphore_mem>>) src(%dma_wait3A_355 : memref<4x128xi32, #tpu.memory_space<hbm>>) dst(%dma_wait3A_351 : memref<4x128xi32, #tpu.memory_space<vmem>>)
      } else {
      }
    }
    %scan3A_24 = arith.constant 20 : i32
    %barrier3A_25 = arith.constant 0 : index
    tpu.barrier barrier_id(%barrier3A_25)
    %mul3A_26 = arith.constant 640 : i32
    %mul3A_27 = arith.muli %arg1, %mul3A_26 : i32
    %mul3A_28 = arith.constant 640 : i32
    %mul3A_29 = arith.muli %arg1, %mul3A_28 : i32
    "tpu.region"() ({
      %run_scoped3A_30 = tpu.sem_alloc : memref<!tpu.dma_semaphore, #tpu.memory_space<semaphore_mem>>
      %dma_start3A_31 = arith.constant 0 : i32
      %dma_start3A_32 = tpu.memref_slice %arg5[%arg0, %mul3A_29, %dma_start3A_31] : memref<2x10240x128xf32, #tpu.memory_space<hbm>> -> memref<1x640x128xf32, #tpu.memory_space<hbm>>
      %dma_start3A_33 = tpu.memref_squeeze %dma_start3A_32 : memref<1x640x128xf32, #tpu.memory_space<hbm>> -> memref<640x128xf32, #tpu.memory_space<hbm>>
      %dma_start3A_34 = arith.constant 0 : i32
      %dma_start3A_35 = tpu.memref_slice %arg8[%mul3A_27, %dma_start3A_34] : memref<10240x128xf32, #tpu.memory_space<vmem_shared>> -> memref<640x128xf32, #tpu.memory_space<vmem_shared>>
      tpu.enqueue_dma source(%dma_start3A_35 : memref<640x128xf32, #tpu.memory_space<vmem_shared>>) target(%dma_start3A_33 : memref<640x128xf32, #tpu.memory_space<hbm>>) target_semaphore(%run_scoped3A_30 : memref<!tpu.dma_semaphore, #tpu.memory_space<semaphore_mem>>)
      %dma_wait3A = arith.constant 0 : i32
      %dma_wait3A_36 = tpu.memref_slice %arg5[%arg0, %mul3A_29, %dma_wait3A] : memref<2x10240x128xf32, #tpu.memory_space<hbm>> -> memref<1x640x128xf32, #tpu.memory_space<hbm>>
      %dma_wait3A_37 = tpu.memref_squeeze %dma_wait3A_36 : memref<1x640x128xf32, #tpu.memory_space<hbm>> -> memref<640x128xf32, #tpu.memory_space<hbm>>
      %dma_wait3A_38 = arith.constant 0 : i32
      %dma_wait3A_39 = tpu.memref_slice %arg8[%mul3A_27, %dma_wait3A_38] : memref<10240x128xf32, #tpu.memory_space<vmem_shared>> -> memref<640x128xf32, #tpu.memory_space<vmem_shared>>
      tpu.wait_dma2 semaphore(%run_scoped3A_30 : memref<!tpu.dma_semaphore, #tpu.memory_space<semaphore_mem>>) src(%dma_wait3A_39 : memref<640x128xf32, #tpu.memory_space<vmem_shared>>) dst(%dma_wait3A_37 : memref<640x128xf32, #tpu.memory_space<hbm>>)
      tpu.yield
    }) : () -> ()
    return
  }
}

module attributes {stable_mosaic.version = 14 : i64} {
  func.func @_tc_head_body(%arg0: i32, %arg1: memref<1000x256xf32, #tpu.memory_space<vmem>>, %arg2: memref<256x256xf32, #tpu.memory_space<vmem>>, %arg3: memref<1000x1xf32, #tpu.memory_space<vmem>>, %arg4: memref<2x1000x128xf32, #tpu.memory_space<vmem>>) attributes {dimension_semantics = [#tpu.dimension_semantics<arbitrary>], iteration_bounds = array<i64: 10>, scalar_prefetch = 0 : i64, scratch_operands = 0 : i64, tpu.core_type = #tpu.core_type<tc>, window_params = [{transform_indices = @transform_0, window_bounds = array<i64: 1000, 256>}, {pipeline_mode = #tpu.pipeline_mode<synchronous>, transform_indices = @transform_1, window_bounds = array<i64: 256, 256>}, {transform_indices = @transform_2, window_bounds = array<i64: 1000, 1>}, {transform_indices = @transform_3, window_bounds = array<i64: 2, 1000, 128>}]} {
    %get3A = arith.constant 0 : index
    %get3A_0 = arith.constant 0 : index
    %get3A_1 = vector.load %arg3[%get3A, %get3A_0] : memref<1000x1xf32, #tpu.memory_space<vmem>>, vector<1000x1xf32>
    %rsqrt3A = math.rsqrt %get3A_1 : vector<1000x1xf32>
    %get3A_2 = arith.constant 0 : index
    %get3A_3 = arith.constant 0 : index
    %get3A_4 = vector.load %arg1[%get3A_2, %get3A_3] : memref<1000x256xf32, #tpu.memory_space<vmem>>, vector<1000x256xf32>
    %get3A_5 = arith.constant 0 : index
    %get3A_6 = arith.constant 0 : index
    %get3A_7 = vector.load %arg2[%get3A_5, %get3A_6] : memref<256x256xf32, #tpu.memory_space<vmem>>, vector<256x256xf32>
    %dot_general3A = arith.constant dense<0.000000e+00> : vector<1000x256xf32>
    %dot_general3A_8 = tpu.matmul %get3A_4, %get3A_7, %dot_general3A {dimension_numbers = #tpu.dot_dimension_numbers<[1], [0], [0], [1], [0, 0, 1, 1], [], []>, transpose_lhs_hint = false} : vector<1000x256xf32>, vector<256x256xf32>, vector<1000x256xf32> -> vector<1000x256xf32>
    %mul3A = vector.broadcast %rsqrt3A : vector<1000x1xf32> to vector<1000x256xf32>
    %mul3A_9 = arith.mulf %dot_general3A_8, %mul3A : vector<1000x256xf32>
    %slice3A = vector.extract_strided_slice %mul3A_9 {offsets = [0, 0], sizes = [1000, 128], strides = [1, 1]} : vector<1000x256xf32> to vector<1000x128xf32>
    %swap3A = arith.constant 0 : index
    %swap3A_10 = arith.constant 0 : index
    %swap3A_11 = arith.constant 0 : index
    %swap3A_12 = vector.load %arg4[%swap3A, %swap3A_10, %swap3A_11] : memref<2x1000x128xf32, #tpu.memory_space<vmem>>, vector<1x1000x128xf32>
    %swap3A_13 = vector.shape_cast %swap3A_12 : vector<1x1000x128xf32> to vector<1000x128xf32>
    %swap3A_14 = vector.shape_cast %slice3A : vector<1000x128xf32> to vector<1x1000x128xf32>
    tpu.vector_store %arg4[%swap3A, %swap3A_10, %swap3A_11], %swap3A_14 {strides = array<i32>} : memref<2x1000x128xf32, #tpu.memory_space<vmem>>, vector<1x1000x128xf32>,
    %slice3A_15 = vector.extract_strided_slice %mul3A_9 {offsets = [0, 128], sizes = [1000, 128], strides = [1, 1]} : vector<1000x256xf32> to vector<1000x128xf32>
    %swap3A_16 = arith.constant 1 : index
    %swap3A_17 = arith.constant 0 : index
    %swap3A_18 = arith.constant 0 : index
    %swap3A_19 = vector.load %arg4[%swap3A_16, %swap3A_17, %swap3A_18] : memref<2x1000x128xf32, #tpu.memory_space<vmem>>, vector<1x1000x128xf32>
    %swap3A_20 = vector.shape_cast %swap3A_19 : vector<1x1000x128xf32> to vector<1000x128xf32>
    %swap3A_21 = vector.shape_cast %slice3A_15 : vector<1000x128xf32> to vector<1x1000x128xf32>
    tpu.vector_store %arg4[%swap3A_16, %swap3A_17, %swap3A_18], %swap3A_21 {strides = array<i32>} : memref<2x1000x128xf32, #tpu.memory_space<vmem>>, vector<1x1000x128xf32>,
    return
  }
  func.func @transform_0(%arg0: i32) -> (i32, i32) {
    %c0_i32 = arith.constant 0 : i32
    %c0_i32_0 = arith.constant 0 : i32
    return %arg0, %c0_i32 : i32, i32
  }
  func.func @transform_1(%arg0: i32) -> (i32, i32) {
    %c0_i32 = arith.constant 0 : i32
    %c0_i32_0 = arith.constant 0 : i32
    %c0_i32_1 = arith.constant 0 : i32
    return %c0_i32, %c0_i32_0 : i32, i32
  }
  func.func @transform_2(%arg0: i32) -> (i32, i32) {
    %c0_i32 = arith.constant 0 : i32
    %c0_i32_0 = arith.constant 0 : i32
    return %arg0, %c0_i32 : i32, i32
  }
  func.func @transform_3(%arg0: i32) -> (i32, i32, i32) {
    %c0_i32 = arith.constant 0 : i32
    %c0_i32_0 = arith.constant 0 : i32
    %c0_i32_1 = arith.constant 0 : i32
    return %c0_i32, %arg0, %c0_i32_0 : i32, i32, i32
  }
}

module attributes {stable_mosaic.version = 14 : i64} {
  func.func @_tc_mid_body(%arg0: i32, %arg1: i32, %arg2: memref<2x1000x128xf32, #tpu.memory_space<vmem>>, %arg3: memref<2x1000x128xf32, #tpu.memory_space<vmem>>, %arg4: memref<1000x1xf32, #tpu.memory_space<vmem>>, %arg5: memref<1x256xf32, #tpu.memory_space<vmem>>, %arg6: memref<1x256xf32, #tpu.memory_space<vmem>>, %arg7: memref<1x256xf32, #tpu.memory_space<vmem>>, %arg8: memref<1x1xf32, #tpu.memory_space<vmem>>, %arg9: memref<256x256xf32, #tpu.memory_space<vmem>>, %arg10: memref<2x1000x128xf32, #tpu.memory_space<vmem>>, %arg11: memref<2x256xf32, #tpu.memory_space<vmem>>) attributes {dimension_semantics = [#tpu.dimension_semantics<arbitrary>, #tpu.dimension_semantics<arbitrary>], iteration_bounds = array<i64: 2, 10>, scalar_prefetch = 0 : i64, scratch_operands = 1 : i64, tpu.core_type = #tpu.core_type<tc>, window_params = [{transform_indices = @transform_0, window_bounds = array<i64: 2, 1000, 128>}, {transform_indices = @transform_1, window_bounds = array<i64: 2, 1000, 128>}, {transform_indices = @transform_2, window_bounds = array<i64: 1000, 1>}, {pipeline_mode = #tpu.pipeline_mode<synchronous>, transform_indices = @transform_3, window_bounds = array<i64: 1, 256>}, {pipeline_mode = #tpu.pipeline_mode<synchronous>, transform_indices = @transform_4, window_bounds = array<i64: 1, 256>}, {pipeline_mode = #tpu.pipeline_mode<synchronous>, transform_indices = @transform_5, window_bounds = array<i64: 1, 256>}, {pipeline_mode = #tpu.pipeline_mode<synchronous>, transform_indices = @transform_6, window_bounds = array<i64: 1, 1>}, {pipeline_mode = #tpu.pipeline_mode<synchronous>, transform_indices = @transform_7, window_bounds = array<i64: 256, 256>}, {transform_indices = @transform_8, window_bounds = array<i64: 2, 1000, 128>}]} {
    %get3A = arith.constant 0 : index
    %get3A_0 = arith.constant 0 : index
    %get3A_1 = vector.load %arg4[%get3A, %get3A_0] : memref<1000x1xf32, #tpu.memory_space<vmem>>, vector<1000x1xf32>
    %rsqrt3A = math.rsqrt %get3A_1 : vector<1000x1xf32>
    %get3A_2 = arith.constant 0 : index
    %get3A_3 = arith.constant 0 : index
    %get3A_4 = arith.constant 0 : index
    %get3A_5 = vector.load %arg2[%get3A_2, %get3A_3, %get3A_4] : memref<2x1000x128xf32, #tpu.memory_space<vmem>>, vector<1x1000x128xf32>
    %get3A_6 = vector.shape_cast %get3A_5 : vector<1x1000x128xf32> to vector<1000x128xf32>
    %get3A_7 = arith.constant 1 : index
    %get3A_8 = arith.constant 0 : index
    %get3A_9 = arith.constant 0 : index
    %get3A_10 = vector.load %arg2[%get3A_7, %get3A_8, %get3A_9] : memref<2x1000x128xf32, #tpu.memory_space<vmem>>, vector<1x1000x128xf32>
    %get3A_11 = vector.shape_cast %get3A_10 : vector<1x1000x128xf32> to vector<1000x128xf32>
    %concatenate3A = tpu.concatenate %get3A_6, %get3A_11 in 1 : vector<1000x128xf32>, vector<1000x128xf32> -> vector<1000x256xf32>
    %get3A_12 = arith.constant 0 : index
    %get3A_13 = arith.constant 0 : index
    %get3A_14 = arith.constant 0 : index
    %get3A_15 = vector.load %arg3[%get3A_12, %get3A_13, %get3A_14] : memref<2x1000x128xf32, #tpu.memory_space<vmem>>, vector<1x1000x128xf32>
    %get3A_16 = vector.shape_cast %get3A_15 : vector<1x1000x128xf32> to vector<1000x128xf32>
    %get3A_17 = arith.constant 1 : index
    %get3A_18 = arith.constant 0 : index
    %get3A_19 = arith.constant 0 : index
    %get3A_20 = vector.load %arg3[%get3A_17, %get3A_18, %get3A_19] : memref<2x1000x128xf32, #tpu.memory_space<vmem>>, vector<1x1000x128xf32>
    %get3A_21 = vector.shape_cast %get3A_20 : vector<1x1000x128xf32> to vector<1000x128xf32>
    %concatenate3A_22 = tpu.concatenate %get3A_16, %get3A_21 in 1 : vector<1000x128xf32>, vector<1000x128xf32> -> vector<1000x256xf32>
    %add3A = arith.addf %concatenate3A, %concatenate3A_22 : vector<1000x256xf32>
    %mul3A = vector.broadcast %rsqrt3A : vector<1000x1xf32> to vector<1000x256xf32>
    %mul3A_23 = arith.mulf %add3A, %mul3A : vector<1000x256xf32>
    %get3A_24 = arith.constant 0 : index
    %get3A_25 = arith.constant 0 : index
    %get3A_26 = vector.load %arg5[%get3A_24, %get3A_25] : memref<1x256xf32, #tpu.memory_space<vmem>>, vector<1x256xf32>
    %add3A_27 = vector.broadcast %get3A_26 : vector<1x256xf32> to vector<1000x256xf32>
    %add3A_28 = arith.addf %mul3A_23, %add3A_27 : vector<1000x256xf32>
    %eq3A = arith.constant 0 : i32
    %eq3A_29 = arith.cmpi eq, %arg0, %eq3A : i32
    %eq3A_30 = arith.constant 0 : i32
    %eq3A_31 = arith.cmpi eq, %arg1, %eq3A_30 : i32
    %and3A = arith.andi %eq3A_29, %eq3A_31 : i1
    %convert_element_type3A = arith.extui %and3A : i1 to i32
    %cond3A = arith.constant 0 : i32
    %cond3A_32 = arith.cmpi ne, %convert_element_type3A, %cond3A : i32
    scf.if %cond3A_32 {
      %broadcast_in_dim3A = arith.constant 0.000000e+00 : f32
      %broadcast_in_dim3A_43 = vector.broadcast %broadcast_in_dim3A : f32 to vector<2x256xf32>
      %swap3A = arith.constant 0 : index
      %swap3A_44 = arith.constant 0 : index
      %swap3A_45 = vector.load %arg11[%swap3A, %swap3A_44] : memref<2x256xf32, #tpu.memory_space<vmem>>, vector<2x256xf32>
      tpu.vector_store %arg11[%swap3A, %swap3A_44], %broadcast_in_dim3A_43 {strides = array<i32>} : memref<2x256xf32, #tpu.memory_space<vmem>>, vector<2x256xf32>,
    } else {
    }
    %eq3A_33 = arith.constant 0 : i32
    %eq3A_34 = arith.cmpi eq, %arg0, %eq3A_33 : i32
    %convert_element_type3A_35 = arith.extui %eq3A_34 : i1 to i32
    %cond3A_36 = arith.constant 0 : i32
    %cond3A_37 = arith.cmpi ne, %convert_element_type3A_35, %cond3A_36 : i32
    scf.if %cond3A_37 {
      %get3A_43 = arith.constant 0 : index
      %get3A_44 = arith.constant 0 : index
      %get3A_45 = vector.load %arg11[%get3A_43, %get3A_44] : memref<2x256xf32, #tpu.memory_space<vmem>>, vector<1x256xf32>
      %reduce_sum3A = arith.constant dense<0.000000e+00> : vector<256xf32>
      %reduce_sum3A_46 = vector.multi_reduction <add>, %add3A_28, %reduce_sum3A [0] : vector<1000x256xf32> to vector<256xf32>
      %broadcast_in_dim3A = vector.shape_cast %reduce_sum3A_46 : vector<256xf32> to vector<1x256xf32>
      %add3A_47 = arith.addf %get3A_45, %broadcast_in_dim3A : vector<1x256xf32>
      %swap3A = arith.constant 0 : index
      %swap3A_48 = arith.constant 0 : index
      %swap3A_49 = vector.load %arg11[%swap3A, %swap3A_48] : memref<2x256xf32, #tpu.memory_space<vmem>>, vector<1x256xf32>
      tpu.vector_store %arg11[%swap3A, %swap3A_48], %add3A_47 {strides = array<i32>} : memref<2x256xf32, #tpu.memory_space<vmem>>, vector<1x256xf32>,
      %get3A_50 = arith.constant 1 : index
      %get3A_51 = arith.constant 0 : index
      %get3A_52 = vector.load %arg11[%get3A_50, %get3A_51] : memref<2x256xf32, #tpu.memory_space<vmem>>, vector<1x256xf32>
      %mul3A_53 = arith.mulf %add3A_28, %add3A_28 : vector<1000x256xf32>
      %reduce_sum3A_54 = arith.constant dense<0.000000e+00> : vector<256xf32>
      %reduce_sum3A_55 = vector.multi_reduction <add>, %mul3A_53, %reduce_sum3A_54 [0] : vector<1000x256xf32> to vector<256xf32>
      %broadcast_in_dim3A_56 = vector.shape_cast %reduce_sum3A_55 : vector<256xf32> to vector<1x256xf32>
      %add3A_57 = arith.addf %get3A_52, %broadcast_in_dim3A_56 : vector<1x256xf32>
      %swap3A_58 = arith.constant 1 : index
      %swap3A_59 = arith.constant 0 : index
      %swap3A_60 = vector.load %arg11[%swap3A_58, %swap3A_59] : memref<2x256xf32, #tpu.memory_space<vmem>>, vector<1x256xf32>
      tpu.vector_store %arg11[%swap3A_58, %swap3A_59], %add3A_57 {strides = array<i32>} : memref<2x256xf32, #tpu.memory_space<vmem>>, vector<1x256xf32>,
      %slice3A = vector.extract_strided_slice %add3A_28 {offsets = [0, 0], sizes = [1000, 128], strides = [1, 1]} : vector<1000x256xf32> to vector<1000x128xf32>
      %swap3A_61 = arith.constant 0 : index
      %swap3A_62 = arith.constant 0 : index
      %swap3A_63 = arith.constant 0 : index
      %swap3A_64 = vector.load %arg10[%swap3A_61, %swap3A_62, %swap3A_63] : memref<2x1000x128xf32, #tpu.memory_space<vmem>>, vector<1x1000x128xf32>
      %swap3A_65 = vector.shape_cast %swap3A_64 : vector<1x1000x128xf32> to vector<1000x128xf32>
      %swap3A_66 = vector.shape_cast %slice3A : vector<1000x128xf32> to vector<1x1000x128xf32>
      tpu.vector_store %arg10[%swap3A_61, %swap3A_62, %swap3A_63], %swap3A_66 {strides = array<i32>} : memref<2x1000x128xf32, #tpu.memory_space<vmem>>, vector<1x1000x128xf32>,
      %slice3A_67 = vector.extract_strided_slice %add3A_28 {offsets = [0, 128], sizes = [1000, 128], strides = [1, 1]} : vector<1000x256xf32> to vector<1000x128xf32>
      %swap3A_68 = arith.constant 1 : index
      %swap3A_69 = arith.constant 0 : index
      %swap3A_70 = arith.constant 0 : index
      %swap3A_71 = vector.load %arg10[%swap3A_68, %swap3A_69, %swap3A_70] : memref<2x1000x128xf32, #tpu.memory_space<vmem>>, vector<1x1000x128xf32>
      %swap3A_72 = vector.shape_cast %swap3A_71 : vector<1x1000x128xf32> to vector<1000x128xf32>
      %swap3A_73 = vector.shape_cast %slice3A_67 : vector<1000x128xf32> to vector<1x1000x128xf32>
      tpu.vector_store %arg10[%swap3A_68, %swap3A_69, %swap3A_70], %swap3A_73 {strides = array<i32>} : memref<2x1000x128xf32, #tpu.memory_space<vmem>>, vector<1x1000x128xf32>,
    } else {
    }
    %eq3A_38 = arith.constant 1 : i32
    %eq3A_39 = arith.cmpi eq, %arg0, %eq3A_38 : i32
    %convert_element_type3A_40 = arith.extui %eq3A_39 : i1 to i32
    %cond3A_41 = arith.constant 0 : i32
    %cond3A_42 = arith.cmpi ne, %convert_element_type3A_40, %cond3A_41 : i32
    scf.if %cond3A_42 {
      %get3A_43 = arith.constant 0 : index
      %get3A_44 = arith.constant 0 : index
      %get3A_45 = vector.load %arg11[%get3A_43, %get3A_44] : memref<2x256xf32, #tpu.memory_space<vmem>>, vector<1x256xf32>
      %div3A = arith.constant 1.000000e+04 : f32
      %div3A_46 = vector.broadcast %div3A : f32 to vector<1x256xf32>
      %div3A_47 = arith.divf %get3A_45, %div3A_46 : vector<1x256xf32>
      %get3A_48 = arith.constant 1 : index
      %get3A_49 = arith.constant 0 : index
      %get3A_50 = vector.load %arg11[%get3A_48, %get3A_49] : memref<2x256xf32, #tpu.memory_space<vmem>>, vector<1x256xf32>
      %div3A_51 = arith.constant 1.000000e+04 : f32
      %div3A_52 = vector.broadcast %div3A_51 : f32 to vector<1x256xf32>
      %div3A_53 = arith.divf %get3A_50, %div3A_52 : vector<1x256xf32>
      %mul3A_54 = arith.mulf %div3A_47, %div3A_47 : vector<1x256xf32>
      %sub3A = arith.subf %div3A_53, %mul3A_54 : vector<1x256xf32>
      %max3A = arith.constant 0.000000e+00 : f32
      %max3A_55 = vector.broadcast %max3A : f32 to vector<1x256xf32>
      %max3A_56 = arith.maximumf %sub3A, %max3A_55 : vector<1x256xf32>
      %add3A_57 = arith.constant 9.99999974E-6 : f32
      %add3A_58 = vector.broadcast %add3A_57 : f32 to vector<1x256xf32>
      %add3A_59 = arith.addf %max3A_56, %add3A_58 : vector<1x256xf32>
      %rsqrt3A_60 = math.rsqrt %add3A_59 : vector<1x256xf32>
      %sub3A_61 = vector.broadcast %div3A_47 : vector<1x256xf32> to vector<1000x256xf32>
      %sub3A_62 = arith.subf %add3A_28, %sub3A_61 : vector<1000x256xf32>
      %mul3A_63 = vector.broadcast %rsqrt3A_60 : vector<1x256xf32> to vector<1000x256xf32>
      %mul3A_64 = arith.mulf %sub3A_62, %mul3A_63 : vector<1000x256xf32>
      %get3A_65 = arith.constant 0 : index
      %get3A_66 = arith.constant 0 : index
      %get3A_67 = vector.load %arg6[%get3A_65, %get3A_66] : memref<1x256xf32, #tpu.memory_space<vmem>>, vector<1x256xf32>
      %mul3A_68 = vector.broadcast %get3A_67 : vector<1x256xf32> to vector<1000x256xf32>
      %mul3A_69 = arith.mulf %mul3A_64, %mul3A_68 : vector<1000x256xf32>
      %get3A_70 = arith.constant 0 : index
      %get3A_71 = arith.constant 0 : index
      %get3A_72 = vector.load %arg7[%get3A_70, %get3A_71] : memref<1x256xf32, #tpu.memory_space<vmem>>, vector<1x256xf32>
      %add3A_73 = vector.broadcast %get3A_72 : vector<1x256xf32> to vector<1000x256xf32>
      %add3A_74 = arith.addf %mul3A_69, %add3A_73 : vector<1000x256xf32>
      %ge3A = arith.constant 0.000000e+00 : f32
      %ge3A_75 = vector.broadcast %ge3A : f32 to vector<1000x256xf32>
      %ge3A_76 = arith.cmpf oge, %add3A_74, %ge3A_75 : vector<1000x256xf32>
      %get3A_77 = arith.constant 0 : index
      %get3A_78 = arith.constant 0 : index
      %get3A_79 = vector.load %arg8[%get3A_77, %get3A_78] : memref<1x1xf32, #tpu.memory_space<vmem>>, vector<1x1xf32>
      %mul3A_80 = vector.broadcast %get3A_79 : vector<1x1xf32> to vector<1000x256xf32>
      %mul3A_81 = arith.mulf %add3A_74, %mul3A_80 : vector<1000x256xf32>
      %select_n3A = arith.select %ge3A_76, %add3A_74, %mul3A_81 : vector<1000x256xi1>, vector<1000x256xf32>
      %get3A_82 = arith.constant 0 : index
      %get3A_83 = arith.constant 0 : index
      %get3A_84 = vector.load %arg9[%get3A_82, %get3A_83] : memref<256x256xf32, #tpu.memory_space<vmem>>, vector<256x256xf32>
      %dot_general3A = arith.constant dense<0.000000e+00> : vector<1000x256xf32>
      %dot_general3A_85 = tpu.matmul %select_n3A, %get3A_84, %dot_general3A {dimension_numbers = #tpu.dot_dimension_numbers<[1], [0], [0], [1], [0, 0, 1, 1], [], []>, transpose_lhs_hint = false} : vector<1000x256xf32>, vector<256x256xf32>, vector<1000x256xf32> -> vector<1000x256xf32>
      %mul3A_86 = vector.broadcast %rsqrt3A : vector<1000x1xf32> to vector<1000x256xf32>
      %mul3A_87 = arith.mulf %dot_general3A_85, %mul3A_86 : vector<1000x256xf32>
      %slice3A = vector.extract_strided_slice %mul3A_87 {offsets = [0, 0], sizes = [1000, 128], strides = [1, 1]} : vector<1000x256xf32> to vector<1000x128xf32>
      %swap3A = arith.constant 0 : index
      %swap3A_88 = arith.constant 0 : index
      %swap3A_89 = arith.constant 0 : index
      %swap3A_90 = vector.load %arg10[%swap3A, %swap3A_88, %swap3A_89] : memref<2x1000x128xf32, #tpu.memory_space<vmem>>, vector<1x1000x128xf32>
      %swap3A_91 = vector.shape_cast %swap3A_90 : vector<1x1000x128xf32> to vector<1000x128xf32>
      %swap3A_92 = vector.shape_cast %slice3A : vector<1000x128xf32> to vector<1x1000x128xf32>
      tpu.vector_store %arg10[%swap3A, %swap3A_88, %swap3A_89], %swap3A_92 {strides = array<i32>} : memref<2x1000x128xf32, #tpu.memory_space<vmem>>, vector<1x1000x128xf32>,
      %slice3A_93 = vector.extract_strided_slice %mul3A_87 {offsets = [0, 128], sizes = [1000, 128], strides = [1, 1]} : vector<1000x256xf32> to vector<1000x128xf32>
      %swap3A_94 = arith.constant 1 : index
      %swap3A_95 = arith.constant 0 : index
      %swap3A_96 = arith.constant 0 : index
      %swap3A_97 = vector.load %arg10[%swap3A_94, %swap3A_95, %swap3A_96] : memref<2x1000x128xf32, #tpu.memory_space<vmem>>, vector<1x1000x128xf32>
      %swap3A_98 = vector.shape_cast %swap3A_97 : vector<1x1000x128xf32> to vector<1000x128xf32>
      %swap3A_99 = vector.shape_cast %slice3A_93 : vector<1000x128xf32> to vector<1x1000x128xf32>
      tpu.vector_store %arg10[%swap3A_94, %swap3A_95, %swap3A_96], %swap3A_99 {strides = array<i32>} : memref<2x1000x128xf32, #tpu.memory_space<vmem>>, vector<1x1000x128xf32>,
    } else {
    }
    return
  }
  func.func @transform_0(%arg0: i32, %arg1: i32) -> (i32, i32, i32) {
    %c0_i32 = arith.constant 0 : i32
    %c0_i32_0 = arith.constant 0 : i32
    %c0_i32_1 = arith.constant 0 : i32
    return %c0_i32, %arg1, %c0_i32_0 : i32, i32, i32
  }
  func.func @transform_1(%arg0: i32, %arg1: i32) -> (i32, i32, i32) {
    %c0_i32 = arith.constant 0 : i32
    %c0_i32_0 = arith.constant 0 : i32
    %c0_i32_1 = arith.constant 0 : i32
    return %c0_i32, %arg1, %c0_i32_0 : i32, i32, i32
  }
  func.func @transform_2(%arg0: i32, %arg1: i32) -> (i32, i32) {
    %c0_i32 = arith.constant 0 : i32
    %c0_i32_0 = arith.constant 0 : i32
    return %arg1, %c0_i32 : i32, i32
  }
  func.func @transform_3(%arg0: i32, %arg1: i32) -> (i32, i32) {
    %c0_i32 = arith.constant 0 : i32
    %c0_i32_0 = arith.constant 0 : i32
    %c0_i32_1 = arith.constant 0 : i32
    return %c0_i32, %c0_i32_0 : i32, i32
  }
  func.func @transform_4(%arg0: i32, %arg1: i32) -> (i32, i32) {
    %c0_i32 = arith.constant 0 : i32
    %c0_i32_0 = arith.constant 0 : i32
    %c0_i32_1 = arith.constant 0 : i32
    return %c0_i32, %c0_i32_0 : i32, i32
  }
  func.func @transform_5(%arg0: i32, %arg1: i32) -> (i32, i32) {
    %c0_i32 = arith.constant 0 : i32
    %c0_i32_0 = arith.constant 0 : i32
    %c0_i32_1 = arith.constant 0 : i32
    return %c0_i32, %c0_i32_0 : i32, i32
  }
  func.func @transform_6(%arg0: i32, %arg1: i32) -> (i32, i32) {
    %c0_i32 = arith.constant 0 : i32
    %c0_i32_0 = arith.constant 0 : i32
    %c0_i32_1 = arith.constant 0 : i32
    return %c0_i32, %c0_i32_0 : i32, i32
  }
  func.func @transform_7(%arg0: i32, %arg1: i32) -> (i32, i32) {
    %c0_i32 = arith.constant 0 : i32
    %c0_i32_0 = arith.constant 0 : i32
    %c0_i32_1 = arith.constant 0 : i32
    return %c0_i32, %c0_i32_0 : i32, i32
  }
  func.func @transform_8(%arg0: i32, %arg1: i32) -> (i32, i32, i32) {
    %c0_i32 = arith.constant 0 : i32
    %c0_i32_0 = arith.constant 0 : i32
    %c0_i32_1 = arith.constant 0 : i32
    return %c0_i32, %arg1, %c0_i32_0 : i32, i32, i32
  }
}

module attributes {stable_mosaic.version = 14 : i64} {
  func.func @_tc_tail_body(%arg0: i32, %arg1: i32, %arg2: memref<2x1000x128xf32, #tpu.memory_space<vmem>>, %arg3: memref<2x1000x128xf32, #tpu.memory_space<vmem>>, %arg4: memref<1000x1xf32, #tpu.memory_space<vmem>>, %arg5: memref<1x256xf32, #tpu.memory_space<vmem>>, %arg6: memref<1x256xf32, #tpu.memory_space<vmem>>, %arg7: memref<1x256xf32, #tpu.memory_space<vmem>>, %arg8: memref<1x1xf32, #tpu.memory_space<vmem>>, %arg9: memref<1000x256xf32, #tpu.memory_space<vmem>>, %arg10: memref<2x256xf32, #tpu.memory_space<vmem>>) attributes {dimension_semantics = [#tpu.dimension_semantics<arbitrary>, #tpu.dimension_semantics<arbitrary>], iteration_bounds = array<i64: 2, 10>, scalar_prefetch = 0 : i64, scratch_operands = 1 : i64, tpu.core_type = #tpu.core_type<tc>, window_params = [{transform_indices = @transform_0, window_bounds = array<i64: 2, 1000, 128>}, {transform_indices = @transform_1, window_bounds = array<i64: 2, 1000, 128>}, {transform_indices = @transform_2, window_bounds = array<i64: 1000, 1>}, {pipeline_mode = #tpu.pipeline_mode<synchronous>, transform_indices = @transform_3, window_bounds = array<i64: 1, 256>}, {pipeline_mode = #tpu.pipeline_mode<synchronous>, transform_indices = @transform_4, window_bounds = array<i64: 1, 256>}, {pipeline_mode = #tpu.pipeline_mode<synchronous>, transform_indices = @transform_5, window_bounds = array<i64: 1, 256>}, {pipeline_mode = #tpu.pipeline_mode<synchronous>, transform_indices = @transform_6, window_bounds = array<i64: 1, 1>}, {transform_indices = @transform_7, window_bounds = array<i64: 1000, 256>}]} {
    %get3A = arith.constant 0 : index
    %get3A_0 = arith.constant 0 : index
    %get3A_1 = vector.load %arg4[%get3A, %get3A_0] : memref<1000x1xf32, #tpu.memory_space<vmem>>, vector<1000x1xf32>
    %rsqrt3A = math.rsqrt %get3A_1 : vector<1000x1xf32>
    %get3A_2 = arith.constant 0 : index
    %get3A_3 = arith.constant 0 : index
    %get3A_4 = arith.constant 0 : index
    %get3A_5 = vector.load %arg2[%get3A_2, %get3A_3, %get3A_4] : memref<2x1000x128xf32, #tpu.memory_space<vmem>>, vector<1x1000x128xf32>
    %get3A_6 = vector.shape_cast %get3A_5 : vector<1x1000x128xf32> to vector<1000x128xf32>
    %get3A_7 = arith.constant 1 : index
    %get3A_8 = arith.constant 0 : index
    %get3A_9 = arith.constant 0 : index
    %get3A_10 = vector.load %arg2[%get3A_7, %get3A_8, %get3A_9] : memref<2x1000x128xf32, #tpu.memory_space<vmem>>, vector<1x1000x128xf32>
    %get3A_11 = vector.shape_cast %get3A_10 : vector<1x1000x128xf32> to vector<1000x128xf32>
    %concatenate3A = tpu.concatenate %get3A_6, %get3A_11 in 1 : vector<1000x128xf32>, vector<1000x128xf32> -> vector<1000x256xf32>
    %get3A_12 = arith.constant 0 : index
    %get3A_13 = arith.constant 0 : index
    %get3A_14 = arith.constant 0 : index
    %get3A_15 = vector.load %arg3[%get3A_12, %get3A_13, %get3A_14] : memref<2x1000x128xf32, #tpu.memory_space<vmem>>, vector<1x1000x128xf32>
    %get3A_16 = vector.shape_cast %get3A_15 : vector<1x1000x128xf32> to vector<1000x128xf32>
    %get3A_17 = arith.constant 1 : index
    %get3A_18 = arith.constant 0 : index
    %get3A_19 = arith.constant 0 : index
    %get3A_20 = vector.load %arg3[%get3A_17, %get3A_18, %get3A_19] : memref<2x1000x128xf32, #tpu.memory_space<vmem>>, vector<1x1000x128xf32>
    %get3A_21 = vector.shape_cast %get3A_20 : vector<1x1000x128xf32> to vector<1000x128xf32>
    %concatenate3A_22 = tpu.concatenate %get3A_16, %get3A_21 in 1 : vector<1000x128xf32>, vector<1000x128xf32> -> vector<1000x256xf32>
    %add3A = arith.addf %concatenate3A, %concatenate3A_22 : vector<1000x256xf32>
    %mul3A = vector.broadcast %rsqrt3A : vector<1000x1xf32> to vector<1000x256xf32>
    %mul3A_23 = arith.mulf %add3A, %mul3A : vector<1000x256xf32>
    %get3A_24 = arith.constant 0 : index
    %get3A_25 = arith.constant 0 : index
    %get3A_26 = vector.load %arg5[%get3A_24, %get3A_25] : memref<1x256xf32, #tpu.memory_space<vmem>>, vector<1x256xf32>
    %add3A_27 = vector.broadcast %get3A_26 : vector<1x256xf32> to vector<1000x256xf32>
    %add3A_28 = arith.addf %mul3A_23, %add3A_27 : vector<1000x256xf32>
    %eq3A = arith.constant 0 : i32
    %eq3A_29 = arith.cmpi eq, %arg0, %eq3A : i32
    %eq3A_30 = arith.constant 0 : i32
    %eq3A_31 = arith.cmpi eq, %arg1, %eq3A_30 : i32
    %and3A = arith.andi %eq3A_29, %eq3A_31 : i1
    %convert_element_type3A = arith.extui %and3A : i1 to i32
    %cond3A = arith.constant 0 : i32
    %cond3A_32 = arith.cmpi ne, %convert_element_type3A, %cond3A : i32
    scf.if %cond3A_32 {
      %broadcast_in_dim3A = arith.constant 0.000000e+00 : f32
      %broadcast_in_dim3A_43 = vector.broadcast %broadcast_in_dim3A : f32 to vector<2x256xf32>
      %swap3A = arith.constant 0 : index
      %swap3A_44 = arith.constant 0 : index
      %swap3A_45 = vector.load %arg10[%swap3A, %swap3A_44] : memref<2x256xf32, #tpu.memory_space<vmem>>, vector<2x256xf32>
      tpu.vector_store %arg10[%swap3A, %swap3A_44], %broadcast_in_dim3A_43 {strides = array<i32>} : memref<2x256xf32, #tpu.memory_space<vmem>>, vector<2x256xf32>,
    } else {
    }
    %eq3A_33 = arith.constant 0 : i32
    %eq3A_34 = arith.cmpi eq, %arg0, %eq3A_33 : i32
    %convert_element_type3A_35 = arith.extui %eq3A_34 : i1 to i32
    %cond3A_36 = arith.constant 0 : i32
    %cond3A_37 = arith.cmpi ne, %convert_element_type3A_35, %cond3A_36 : i32
    scf.if %cond3A_37 {
      %get3A_43 = arith.constant 0 : index
      %get3A_44 = arith.constant 0 : index
      %get3A_45 = vector.load %arg10[%get3A_43, %get3A_44] : memref<2x256xf32, #tpu.memory_space<vmem>>, vector<1x256xf32>
      %reduce_sum3A = arith.constant dense<0.000000e+00> : vector<256xf32>
      %reduce_sum3A_46 = vector.multi_reduction <add>, %add3A_28, %reduce_sum3A [0] : vector<1000x256xf32> to vector<256xf32>
      %broadcast_in_dim3A = vector.shape_cast %reduce_sum3A_46 : vector<256xf32> to vector<1x256xf32>
      %add3A_47 = arith.addf %get3A_45, %broadcast_in_dim3A : vector<1x256xf32>
      %swap3A = arith.constant 0 : index
      %swap3A_48 = arith.constant 0 : index
      %swap3A_49 = vector.load %arg10[%swap3A, %swap3A_48] : memref<2x256xf32, #tpu.memory_space<vmem>>, vector<1x256xf32>
      tpu.vector_store %arg10[%swap3A, %swap3A_48], %add3A_47 {strides = array<i32>} : memref<2x256xf32, #tpu.memory_space<vmem>>, vector<1x256xf32>,
      %get3A_50 = arith.constant 1 : index
      %get3A_51 = arith.constant 0 : index
      %get3A_52 = vector.load %arg10[%get3A_50, %get3A_51] : memref<2x256xf32, #tpu.memory_space<vmem>>, vector<1x256xf32>
      %mul3A_53 = arith.mulf %add3A_28, %add3A_28 : vector<1000x256xf32>
      %reduce_sum3A_54 = arith.constant dense<0.000000e+00> : vector<256xf32>
      %reduce_sum3A_55 = vector.multi_reduction <add>, %mul3A_53, %reduce_sum3A_54 [0] : vector<1000x256xf32> to vector<256xf32>
      %broadcast_in_dim3A_56 = vector.shape_cast %reduce_sum3A_55 : vector<256xf32> to vector<1x256xf32>
      %add3A_57 = arith.addf %get3A_52, %broadcast_in_dim3A_56 : vector<1x256xf32>
      %swap3A_58 = arith.constant 1 : index
      %swap3A_59 = arith.constant 0 : index
      %swap3A_60 = vector.load %arg10[%swap3A_58, %swap3A_59] : memref<2x256xf32, #tpu.memory_space<vmem>>, vector<1x256xf32>
      tpu.vector_store %arg10[%swap3A_58, %swap3A_59], %add3A_57 {strides = array<i32>} : memref<2x256xf32, #tpu.memory_space<vmem>>, vector<1x256xf32>,
      %swap3A_61 = arith.constant 0 : index
      %swap3A_62 = arith.constant 0 : index
      %swap3A_63 = vector.load %arg9[%swap3A_61, %swap3A_62] : memref<1000x256xf32, #tpu.memory_space<vmem>>, vector<1000x256xf32>
      tpu.vector_store %arg9[%swap3A_61, %swap3A_62], %add3A_28 {strides = array<i32>} : memref<1000x256xf32, #tpu.memory_space<vmem>>, vector<1000x256xf32>,
    } else {
    }
    %eq3A_38 = arith.constant 1 : i32
    %eq3A_39 = arith.cmpi eq, %arg0, %eq3A_38 : i32
    %convert_element_type3A_40 = arith.extui %eq3A_39 : i1 to i32
    %cond3A_41 = arith.constant 0 : i32
    %cond3A_42 = arith.cmpi ne, %convert_element_type3A_40, %cond3A_41 : i32
    scf.if %cond3A_42 {
      %get3A_43 = arith.constant 0 : index
      %get3A_44 = arith.constant 0 : index
      %get3A_45 = vector.load %arg10[%get3A_43, %get3A_44] : memref<2x256xf32, #tpu.memory_space<vmem>>, vector<1x256xf32>
      %div3A = arith.constant 1.000000e+04 : f32
      %div3A_46 = vector.broadcast %div3A : f32 to vector<1x256xf32>
      %div3A_47 = arith.divf %get3A_45, %div3A_46 : vector<1x256xf32>
      %get3A_48 = arith.constant 1 : index
      %get3A_49 = arith.constant 0 : index
      %get3A_50 = vector.load %arg10[%get3A_48, %get3A_49] : memref<2x256xf32, #tpu.memory_space<vmem>>, vector<1x256xf32>
      %div3A_51 = arith.constant 1.000000e+04 : f32
      %div3A_52 = vector.broadcast %div3A_51 : f32 to vector<1x256xf32>
      %div3A_53 = arith.divf %get3A_50, %div3A_52 : vector<1x256xf32>
      %mul3A_54 = arith.mulf %div3A_47, %div3A_47 : vector<1x256xf32>
      %sub3A = arith.subf %div3A_53, %mul3A_54 : vector<1x256xf32>
      %max3A = arith.constant 0.000000e+00 : f32
      %max3A_55 = vector.broadcast %max3A : f32 to vector<1x256xf32>
      %max3A_56 = arith.maximumf %sub3A, %max3A_55 : vector<1x256xf32>
      %add3A_57 = arith.constant 9.99999974E-6 : f32
      %add3A_58 = vector.broadcast %add3A_57 : f32 to vector<1x256xf32>
      %add3A_59 = arith.addf %max3A_56, %add3A_58 : vector<1x256xf32>
      %rsqrt3A_60 = math.rsqrt %add3A_59 : vector<1x256xf32>
      %sub3A_61 = vector.broadcast %div3A_47 : vector<1x256xf32> to vector<1000x256xf32>
      %sub3A_62 = arith.subf %add3A_28, %sub3A_61 : vector<1000x256xf32>
      %mul3A_63 = vector.broadcast %rsqrt3A_60 : vector<1x256xf32> to vector<1000x256xf32>
      %mul3A_64 = arith.mulf %sub3A_62, %mul3A_63 : vector<1000x256xf32>
      %get3A_65 = arith.constant 0 : index
      %get3A_66 = arith.constant 0 : index
      %get3A_67 = vector.load %arg6[%get3A_65, %get3A_66] : memref<1x256xf32, #tpu.memory_space<vmem>>, vector<1x256xf32>
      %mul3A_68 = vector.broadcast %get3A_67 : vector<1x256xf32> to vector<1000x256xf32>
      %mul3A_69 = arith.mulf %mul3A_64, %mul3A_68 : vector<1000x256xf32>
      %get3A_70 = arith.constant 0 : index
      %get3A_71 = arith.constant 0 : index
      %get3A_72 = vector.load %arg7[%get3A_70, %get3A_71] : memref<1x256xf32, #tpu.memory_space<vmem>>, vector<1x256xf32>
      %add3A_73 = vector.broadcast %get3A_72 : vector<1x256xf32> to vector<1000x256xf32>
      %add3A_74 = arith.addf %mul3A_69, %add3A_73 : vector<1000x256xf32>
      %ge3A = arith.constant 0.000000e+00 : f32
      %ge3A_75 = vector.broadcast %ge3A : f32 to vector<1000x256xf32>
      %ge3A_76 = arith.cmpf oge, %add3A_74, %ge3A_75 : vector<1000x256xf32>
      %get3A_77 = arith.constant 0 : index
      %get3A_78 = arith.constant 0 : index
      %get3A_79 = vector.load %arg8[%get3A_77, %get3A_78] : memref<1x1xf32, #tpu.memory_space<vmem>>, vector<1x1xf32>
      %mul3A_80 = vector.broadcast %get3A_79 : vector<1x1xf32> to vector<1000x256xf32>
      %mul3A_81 = arith.mulf %add3A_74, %mul3A_80 : vector<1000x256xf32>
      %select_n3A = arith.select %ge3A_76, %add3A_74, %mul3A_81 : vector<1000x256xi1>, vector<1000x256xf32>
      %swap3A = arith.constant 0 : index
      %swap3A_82 = arith.constant 0 : index
      %swap3A_83 = vector.load %arg9[%swap3A, %swap3A_82] : memref<1000x256xf32, #tpu.memory_space<vmem>>, vector<1000x256xf32>
      tpu.vector_store %arg9[%swap3A, %swap3A_82], %select_n3A {strides = array<i32>} : memref<1000x256xf32, #tpu.memory_space<vmem>>, vector<1000x256xf32>,
    } else {
    }
    return
  }
  func.func @transform_0(%arg0: i32, %arg1: i32) -> (i32, i32, i32) {
    %c0_i32 = arith.constant 0 : i32
    %c0_i32_0 = arith.constant 0 : i32
    %c0_i32_1 = arith.constant 0 : i32
    return %c0_i32, %arg1, %c0_i32_0 : i32, i32, i32
  }
  func.func @transform_1(%arg0: i32, %arg1: i32) -> (i32, i32, i32) {
    %c0_i32 = arith.constant 0 : i32
    %c0_i32_0 = arith.constant 0 : i32
    %c0_i32_1 = arith.constant 0 : i32
    return %c0_i32, %arg1, %c0_i32_0 : i32, i32, i32
  }
  func.func @transform_2(%arg0: i32, %arg1: i32) -> (i32, i32) {
    %c0_i32 = arith.constant 0 : i32
    %c0_i32_0 = arith.constant 0 : i32
    return %arg1, %c0_i32 : i32, i32
  }
  func.func @transform_3(%arg0: i32, %arg1: i32) -> (i32, i32) {
    %c0_i32 = arith.constant 0 : i32
    %c0_i32_0 = arith.constant 0 : i32
    %c0_i32_1 = arith.constant 0 : i32
    return %c0_i32, %c0_i32_0 : i32, i32
  }
  func.func @transform_4(%arg0: i32, %arg1: i32) -> (i32, i32) {
    %c0_i32 = arith.constant 0 : i32
    %c0_i32_0 = arith.constant 0 : i32
    %c0_i32_1 = arith.constant 0 : i32
    return %c0_i32, %c0_i32_0 : i32, i32
  }
  func.func @transform_5(%arg0: i32, %arg1: i32) -> (i32, i32) {
    %c0_i32 = arith.constant 0 : i32
    %c0_i32_0 = arith.constant 0 : i32
    %c0_i32_1 = arith.constant 0 : i32
    return %c0_i32, %c0_i32_0 : i32, i32
  }
  func.func @transform_6(%arg0: i32, %arg1: i32) -> (i32, i32) {
    %c0_i32 = arith.constant 0 : i32
    %c0_i32_0 = arith.constant 0 : i32
    %c0_i32_1 = arith.constant 0 : i32
    return %c0_i32, %c0_i32_0 : i32, i32
  }
  func.func @transform_7(%arg0: i32, %arg1: i32) -> (i32, i32) {
    %c0_i32 = arith.constant 0 : i32
    %c0_i32_0 = arith.constant 0 : i32
    return %arg1, %c0_i32 : i32, i32
  }
}

</mosaic_0001>

<sc_bundles>
// kernel: kernel.11.cloned.1.call-start
scs
__scs_entry_jumppad:
0x0: {  	(pc) =	sbr.rel $0x88, $3  }
0x1: {  	(tag) =	ssettag $0x0;
	lr =	simm.s32 $0x1  }
0x2: {  	[smem:$0x3F95] =	sst lr;
	_ =	strace $0xD0000000  }
0x3: {  	_ = 	snop  }
0x4: {  	_ = 	snop  }
0x5: {  	_ = 	snop  }
0x6: {  	_ = 	snop  }
0x7: {  	_ = 	snop  }
__scs_overlays_trampoline_lowered:
0x8: {  	[smem:$0x3FA4] =	sst s0  }
0x9: {  	[smem:$0x3FA5] =	sst s1  }
0xa: {  	[smem:$0x3FA6] =	sst s2  }
0xb: {  	[smem:$0x3FA7] =	sst s3  }
0xc: {  	[smem:$0x3FA8] =	sst s4  }
0xd: {  	[smem:$0x3FA9] =	sst s5  }
0xe: {  	[smem:$0x3FAA] =	sst s6  }
0xf: {  	[smem:$0x3FAB] =	sst s7  }
0x10: {  	[smem:$0x3FAC] =	sst s8  }
0x11: {  	[smem:$0x3FAD] =	sst s9;
	s0 =	simm.s32 @!p0 $0x0  }
0x12: {  	s1 =	sld [smem:$0x3F93];
	s0 =	simm.s32 @p0 $0x1  }
0x13: {  	[smem:$0x3FAE] =	sst s0;
	s0 =	simm.s32 @!p1 $0x0  }
0x14: {  	s2 =	sld [smem:$0x3F92];
	s0 =	simm.s32 @p1 $0x1  }
0x15: {  	[smem:$0x3FAF] =	sst s0;
	s0 =	simm.s32 @!p2 $0x0  }
0x16: {  	s3 =	sld [smem:$0x3FDB];
	s0 =	simm.s32 @p2 $0x1  }
0x17: {  	s4 =	simm.s32 $0x1BF5;
	[smem:$0x3FB1] =	sst s0  }
0x18: {  	s0 =	sld [smem:$0x3F94];
	_ =	swait.ge [sflag:s4], $0x0  }
0x19: {  	s7 =	sld [smem:$0x3F95]  }
0x1a: {  	s8 =	sadd.s32 $0xFFFFE003, lr  }
0x1b: {  	s9 =	sadd.s32 $0xFFFFFEF7, lr;
	s5 =	simm.s32 $0xFFFFFFFF;
	p2 =	slt.u32 s8, $0xFFFFF086  }
0x1c: {  	p1 =	slt.u32 s9, $0xF7A;
	s5 =	simm.s32 @!p2 $0x0  }
0x1d: {  	s5 =	simm.s32 @p1 $0x1;
	p0 =	seq.s32 s7, s2  }
0x1e: {  	s7 =	smul.u32 @!p0 $0xF7A, s2;
	p2 =	seq.s32 @!p0 s5, $0x0  }
0x1f: {  	s9 =	smul.u32 $0xF7A, s1;
	s8 =	simm.s32 @!p0 $0x1BF5;
	p2 =	por !p2, p0  }
0x20: {  	[sflag:s8] =	ssyncset.s32 @!p0 $0xFFFFF086;
	s6 =	sadd.s32 @!p0 s3, s7;
	s7 =	simm.s32 @!p0 $0x108  }
0x21: {  	s3 =	sadd.s32 s3, s9;
	s6 =	sadd.s32 @!p0 $0x88, s6;
	s7 =	simm.s32 @p2 $0x1082  }
0x22: {  	[simem:s7], [sflag:s8] =	dma.local @!p0 [hbm:s6], $0xF7A  }
0x23: {  	s9 =	sor.u32 $0xD0000000, s2;
	s6 =	simm.s32 $0x108;
	_ =	swait.ge @!p0 [sflag:s8], $0x0  }
0x24: {  	s3 =	sadd.s32 $0x88, s3;
	s6 =	simm.s32 @!p1 $0x1082;
	[sflag:s4] =	ssyncset.s32 $0xFFFFF086  }
0x25: {  	[simem:s6], [sflag:s4] =	dma.local [hbm:s3], $0xF7A  }
0x26: {  	[smem:$0x3F95] =	sst s1;
	(tag) =	ssettag s2;
	_ =	strace s9  }
0x27: {  	s1 =	sld [smem:$0x3FA5]  }
0x28: {  	s2 =	sld [smem:$0x3FA6]  }
0x29: {  	s4 =	sld [smem:$0x3FA8]  }
0x2a: {  	p0 =	seq.s32 s5, $0x0;
	s5 =	sld [smem:$0x3FA9]  }
0x2b: {  	s6 =	sld [smem:$0x3FAA]  }
0x2c: {  	s7 =	sld [smem:$0x3FAB]  }
0x2d: {  	s3 =	simm.s32 $0x108;
	s8 =	sld [smem:$0x3FAC]  }
0x2e: {  	s3 =	simm.s32 @!p0 $0x1082;
	s9 =	sld [smem:$0x3FAD]  }
0x2f: {  	lr =	sadd.s32 s0, s3;
	s0 =	sld [smem:$0x3FA4]  }
0x30: {  	s3 =	sld [smem:$0x3FA7]  }
0x31: {  	[smem:$0x3FB0] =	sst s10  }
0x32: {  	s10 =	sld [smem:$0x3FAE];
	_ =	sdelay $0x3  }
0x33: {  	p0 =	seq.s32 s10, $0x1;
	s10 =	sld [smem:$0x3FB0];
	_ =	sdelay $0x3  }
0x34: {  	[smem:$0x3FB0] =	sst s10  }
0x35: {  	s10 =	sld [smem:$0x3FAF];
	_ =	sdelay $0x3  }
0x36: {  	p1 =	seq.s32 s10, $0x1;
	s10 =	sld [smem:$0x3FB0];
	_ =	sdelay $0x3  }
0x37: {  	[smem:$0x3FB0] =	sst s10  }
0x38: {  	s10 =	sld [smem:$0x3FB1]  }
0x39: {  	_ = 	snop;
	(pc) =	sbr.ind lr, $3  }
0x3a: {  	_ = 	snop  }
0x3b: {  	_ = 	snop  }
0x3c: {  	p2 =	seq.s32 s10, $0x1;
	s10 =	sld [smem:$0x3FB0]  }
0x3d: {  	_ =	shalt  }
0x3e: {  	_ =	shalt  }
0x3f: {  	_ =	shalt  }
0x40: {  	_ =	shalt  }
0x41: {  	_ =	shalt  }
0x42: {  	_ =	shalt  }
0x43: {  	_ =	shalt  }
0x44: {  	_ =	shalt  }
0x45: {  	_ =	shalt  }
0x46: {  	_ =	shalt  }
0x47: {  	_ =	shalt  }
0x48: {  	_ =	shalt  }
0x49: {  	_ =	shalt  }
0x4a: {  	_ =	shalt  }
0x4b: {  	_ =	shalt  }
0x4c: {  	_ =	shalt  }
0x4d: {  	_ =	shalt  }
0x4e: {  	_ =	shalt  }
0x4f: {  	_ =	shalt  }
0x50: {  	_ =	shalt  }
0x51: {  	_ =	shalt  }
0x52: {  	_ =	shalt  }
0x53: {  	_ =	shalt  }
0x54: {  	_ =	shalt  }
0x55: {  	_ =	shalt  }
0x56: {  	_ =	shalt  }
0x57: {  	_ =	shalt  }
0x58: {  	_ =	shalt  }
0x59: {  	_ =	shalt  }
0x5a: {  	_ =	shalt  }
0x5b: {  	_ =	shalt  }
0x5c: {  	_ =	shalt  }
0x5d: {  	_ =	shalt  }
0x5e: {  	_ =	shalt  }
0x5f: {  	_ =	shalt  }
0x60: {  	_ =	shalt  }
0x61: {  	_ =	shalt  }
0x62: {  	_ =	shalt  }
0x63: {  	_ =	shalt  }
0x64: {  	_ =	shalt  }
0x65: {  	_ =	shalt  }
0x66: {  	_ =	shalt  }
0x67: {  	_ =	shalt  }
0x68: {  	_ =	shalt  }
0x69: {  	_ =	shalt  }
0x6a: {  	_ =	shalt  }
0x6b: {  	_ =	shalt  }
0x6c: {  	_ =	shalt  }
0x6d: {  	_ =	shalt  }
0x6e: {  	_ =	shalt  }
0x6f: {  	_ =	shalt  }
0x70: {  	_ =	shalt  }
0x71: {  	_ =	shalt  }
0x72: {  	_ =	shalt  }
0x73: {  	_ =	shalt  }
0x74: {  	_ =	shalt  }
0x75: {  	_ =	shalt  }
0x76: {  	_ =	shalt  }
0x77: {  	_ =	shalt  }
0x78: {  	_ =	shalt  }
0x79: {  	_ =	shalt  }
0x7a: {  	_ =	shalt  }
0x7b: {  	_ =	shalt  }
0x7c: {  	_ =	shalt  }
0x7d: {  	_ =	shalt  }
0x7e: {  	_ =	shalt  }
0x7f: {  	_ =	shalt  }
0x80: {  	_ =	shalt  }
0x81: {  	_ =	shalt  }
0x82: {  	_ =	shalt  }
0x83: {  	_ =	shalt  }
0x84: {  	_ =	shalt  }
0x85: {  	_ =	shalt  }
0x86: {  	_ =	shalt  }
0x87: {  	_ =	shalt  }
.Lfunc_end0:
.L_simem_size_0:
called_computation.1_lowered:
.L_overlay_start_0:
0x88: {  	s2 =	sld [smem:$0x3FD9]  }
0x89: {  	s3 =	sld [smem:$0x3FFE];
	_ =	sdelay $0x1  }
0x8a: {  	s1 =	srdreg.scid  }
0x8b: {  	s0 =	sand.u32 $0x1, s1  }
0x8c: {  	s17 =	sshll.u32 s0, $0xA;
	s2 =	sadd.s32 s3, s2  }
0x8d: {  	s2 =	sadd.s32 s2, s17  }
0x8e: {  	[smem:$0x3FBC] =	sst s2  }
0x8f: {  	_ = 	snop  }
0x90: {  	s2 =	sld [smem:$0x3FD0];
	(tm) =	ssettm $0x1  }
0x91: {  	s18 =	sld [smem:$0x3FFB];
	_ =	sdelay $0x3  }
0x92: {  	_ =	strace s18  }
0x93: {  	s3 =	sld [smem:$0x3FFC];
	_ =	sdelay $0x3  }
0x94: {  	_ =	strace s3  }
0x95: {  	s3 =	sld [smem:$0x3FFD];
	_ =	sdelay $0x3  }
0x96: {  	_ =	strace s3  }
0x97: {  	_ =	strace $0x8FFFFFFF  }
0x98: {  	s19 =	sld [smem:$0x3FDB];
	_ =	sdelay $0x1  }
0x99: {  	s4 =	simm.s32 $_scs_section_size  }
0x9a: {  	s5 =	simm.s32 $_size__tile_overlayer_lowered;
	s6 =	simm.s32 $_tile_overlayer_lowered  }
0x9b: {  	s22 =	simm.s32 $0x1BFF;
	s21 =	sshll.u32 s6, $0x1;
	s3 =	sadd.s32 s4, s19  }
0x9c: {  	s7 =	simm.s32 $0x0;
	s20 =	sshll.u32 s5, $0x1;
	s5 =	sadd.s32 s21, s3  }
0x9d: {  	[timem:s7], [sflag:s22] =	dma.local [hbm:s5], s20  }
0x9e: {  	_ =	swait.ge [sflag:s22], s20  }
0x9f: {  	s4 =	ssub.s32 $0x0, s20;
	[sflag:s22] =	ssyncset.done $0x0  }
0xa0: {  	[sflag:s22] =	ssyncadd.s32 s4;
	_ =	sdelay $0x1  }
0xa1: {  	s23 =	simm.s32 $0x1B8B  }
0xa2: {  	_ =	swait.ge [sflag:s23], $0x1  }
0xa3: {  	[sflag:s23] =	ssyncset.done $0x0  }
0xa4: {  	s25 =	simm.s32 $0x1B8E;
	s24 =	sld [smem:$0x3FFE];
	[sflag:s23] =	ssyncadd.s32 $0xFFFFFFFF  }
0xa5: {  	s26 =	simm.s32 $execute0_lowered;
	[smem:$0x3FD2] =	sst s25  }
0xa6: {  	s5 =	sshll.u32 s26, $0x1;
	_ =	strace $0x80000049;
	[dreg:$0x1] =	wrdreg $0xFFFFFFFF  }
0xa7: {  	s28 =	simm.s32 $_size_execute0_lowered;
	s3 =	sadd.s32 s3, s5;
	[dreg:$0x0] =	wrdreg $0x0  }
0xa8: {  	s5 =	sshll.u32 s28, $0x1;
	[dreg:$0x2] =	wrdreg s3  }
0xa9: {  	[dreg:$0x3] =	wrdreg s5  }
0xaa: {  	[dreg:$0x4] =	wrdreg $0xC0  }
0xab: {  	_ =	task [dreg:s7], $0x5FFFF  }
0xac: {  	[dreg:$0x1] =	wrdreg $0xFFFFFFFF  }
0xad: {  	[dreg:$0x0] =	wrdreg $0x60  }
0xae: {  	[dreg:$0x2] =	wrdreg s2  }
0xaf: {  	[dreg:$0x3] =	wrdreg s24  }
0xb0: {  	[dreg:$0x4] =	wrdreg $0x84000  }
0xb1: {  	[dreg:$0x5] =	wrdreg $0x9  }
0xb2: {  	_ =	task.clear_ibuf [dreg:s7], $0x6FFFF;
	_ =	strace $0x90000049  }
0xb3: {  	s29 =	simm.s32 $0x9;
	_ =	strace $0x8000004B  }
0xb4: {  	_ =	swait.ge [sflag:s29], $0x1  }
0xb5: {  	[sflag:s29] =	ssyncadd.s32 $0xFFFFFFFF  }
0xb6: {  	_ =	strace $0x9000004B  }
0xb7: {  	_ =	sfence  }
0xb8: {  	s30 =	sld [smem:$0x0];
	_ =	sdelay $0x2  }
0xb9: {  	s31 =	sshll.u32 s1, $0xD;
	s1 =	sshrl.u32 s1, $0x2  }
0xba: {  	s3 =	sand.u32 $0x4000, s31;
	s1 =	sadd.s32 s1, s30  }
0xbb: {  	s0 =	sor.u32 s3, s0;
	s1 =	sshll.u32 s1, $0x11  }
0xbc: {  	s0 =	sor.u32 s1, s0  }
0xbd: {  	s0 =	sadd.s32 $0x8F2B, s0  }
0xbe: {  	[sflag:s0] =	ssyncadd.remote.s32 $0x1  }
0xbf: {  	_ =	sfence.sel $0xFFFF  }
0xc0: {  	[dreg:$0x0] =	wrdreg $0xFFFFFFFF;
	(pc) =	sbr.abs _section_cstart, $3  }
0xc1: {  	[dreg:$0x1] =	wrdreg $0xFFFFFFFF  }
0xc2: {  	_ =	task.clear_ibuf [dreg:s7], $0x2FFFF;
	_ =	strace $0x9FFFFFFF  }
0xc3: {  	(tm) =	ssettm $0x7FFFFFFF  }
tec
execute0_lowered:
.L_overlay_start_1:
0x0: {  	(tag) =	ssettag $0x1  }
0x1: {  	s1 =	rddreg [dreg:$0x0]  }
0x2: {  	s5 =	rddreg [dreg:$0x1];
	s0 =	stileid.u32  }
0x3: {  	s3 =	srdreg.scid;
	s2 =	rddreg [dreg:$0x2]  }
0x4: {  	s16 =	simm.s32 $0x80;
	s17 =	simm.s32 $0x400;
	s18 =	simm.s32 $0x4400  }
0x5: {  	s19 =	simm.s32 $0x1;
	s20 =	simm.s32 $0x100;
	s21 =	simm.s32 $0x180  }
0x6: {  	s22 =	simm.s32 $0x2;
	s23 =	simm.s32 $0x3;
	s4 =	smul.u32 $0xA00, s0  }
0x7: {  	s24 =	simm.s32 $0x280;
	s28 =	simm.s32 $0x0;
	s8 =	smul.u32 $0x14000, s0  }
0x8: {  	s6 =	sand.u32 $0x1, s3;
	s3 =	simm.s32 $0x0;
	s11 =	smul.u32 $0x50000, s0  }
0x9: {  	s25 =	sadd.s32 $0xC800, s5;
	s14 =	smul.u32 $0x28, s0;
	s30 =	sshll.u32 s0, $0x6  }
0xa: {  	s7 =	smul.u32 $0x140000, s6;
	[smem:$0x7FF] =	sst s3;
	s26 =	ssub.s32 $0x2, s6  }
0xb: {  	s31 =	smul.u32 $0x27100, s6;
	_ =	strace $0x8000004A;
	s9 =	sadd.s32 s4, s5  }
0xc: {  	[dreg:$0x4] =	wrdreg s25;
	s10 =	sshrl.u32 s26, $0x1;
	s29 =	sshrl.u32 s11, $0x2  }
0xd: {  	s25 =	simm.s32 $0x300;
	s7 =	sadd.s32 s8, s7;
	s13 =	ssub.s32 s26, s10  }
0xe: {  	s15 =	sadd.s32 s29, s2;
	s6 =	sadd.s32 $0x2800, s9;
	s8 =	sadd.s32 s1, s31  }
0xf: {  	s26 =	simm.s32 $0x380;
	s7 =	sshrl.u32 s7, $0x3;
	s11 =	smax.u32 s13, $0x1  }
0x10: {  	s13 =	sshrl.u32 s15, $0x3;
	s15 =	simm.s32 $0x200;
	s12 =	sadd.s32 s7, s5  }
0x11: {  	s5 =	sor.u32 $0x1C04, s30;
	s7 =	sadd.s32 $0x2840, s9;
	s9 =	sadd.s32 $0x28, s14  }
0x12: {  	s10 =	sadd.s32 $0xF000, s12;
	s12 =	sor.u32 $0x3, s14;
	s14 =	simm.s32 $0x4  }
.LBB2_1:
0x13: {  	s0 =	rddreg [dreg:$0x4]  }
0x14: {  	[spmem:s13], [sflag:s5] =	dma.local [hbm:s0], $0x2800  }
0x15: {  	_ =	swait.ge [sflag:s14], $0x2800  }
0x16: {  	[sflag:s14] =	ssyncset.done $0x0  }
0x17: {  	[sflag:s14] =	ssyncadd.s32 $0xFFFFD800  }
0x18: {  	[bflag:$0x0] =	sbarrier.arrive $0xFFFF  }
0x19: {  	[tilespmem:s3], [sflag:$0x4] =	stream.linear.gather [hbm4b:s6+s3], $0x200, $0x38;
	[tilespmem:$0x1C400] =	vst v63  }
0x1a: {  	_ =	swait.ge [sflag:s14], $0x200  }
0x1b: {  	[sflag:s14] =	ssyncset.done $0x0  }
0x1c: {  	[sflag:s14] =	ssyncadd.s32 $0xFFFFFE00  }
0x1d: {  	[tilespmem:s15], [sflag:$0x3] =	stream.linear.gather [hbm4b:s7+s3], $0x200, $0x38;
	[tilespmem:$0x1C400] =	vst v63  }
0x1e: {  	_ = 	snop  }
0x1f: {  	[tilespmem:s17], [sflag:$0x1] =	stream.indirect.gather [hbm4b:s8+s16], $0x80, s3, s16, $0xb8;
	[tilespmem:$0x1C400] =	vst v63  }
0x20: {  	_ = 	snop  }
0x21: {  	[tilespmem:s18], [sflag:$0x1] =	stream.indirect.gather [hbm4b:s8+s16], $0x80, s16, s16, $0xb8;
	[tilespmem:$0x1C400] =	vst v63  }
0x22: {  	_ =	swait.ge [sflag:s19], $0x4000  }
0x23: {  	[sflag:s19] =	ssyncset.done $0x0  }
0x24: {  	[sflag:s19] =	ssyncadd.s32 $0xFFFFC000  }
0x25: {  	[spmem:s2] =	stream.indirect.scatter.add.f32 [tilespmem:s17], [sflag:$0x2], $0x80, s20, s16, $0xb8;
	[tilespmem:$0x1C400] =	vst v63  }
0x26: {  	_ =	swait.ge [sflag:s19], $0x4000  }
0x27: {  	[sflag:s19] =	ssyncset.done $0x0  }
0x28: {  	[sflag:s19] =	ssyncadd.s32 $0xFFFFC000  }
0x29: {  	[spmem:s2] =	stream.indirect.scatter.add.f32 [tilespmem:s18], [sflag:$0x2], $0x80, s21, s16, $0xb8;
	[tilespmem:$0x1C400] =	vst v63  }
0x2a: {  	_ =	swait.ge [sflag:s22], $0x4000  }
0x2b: {  	[sflag:s22] =	ssyncset.done $0x0  }
0x2c: {  	s1 =	sadd.s32 $0xFFFFFFFF, s12;
	[sflag:s22] =	ssyncadd.s32 $0xFFFFC000  }
0x2d: {  	p0 =	sge.u32 s1, s9;
	_ =	swait.ge [sflag:s22], $0x4000  }
0x2e: {  	s1 =	sadd.s32 @!p0 $0xFFFFF680, s6;
	[sflag:s22] =	ssyncset.done $0x0  }
0x2f: {  	s29 =	simm.s32 @!p0 $0x0;
	s1 =	sadd.s32 @!p0 $0xA00, s1;
	[sflag:s22] =	ssyncadd.s32 $0xFFFFC000  }
0x30: {  	[tilespmem:s29], [sflag:$0x3] =	stream.linear.gather @!p0 [hbm4b:s1+s29], $0x200, $0x38;
	[tilespmem:$0x1C400] =	vst v63  }
0x31: {  	_ =	swait.ge [sflag:s23], $0x200  }
0x32: {  	[sflag:s23] =	ssyncset.done $0x0  }
0x33: {  	[sflag:s23] =	ssyncadd.s32 $0xFFFFFE00  }
0x34: {  	[tilespmem:s17], [sflag:$0x1] =	stream.indirect.gather [hbm4b:s8+s16], $0x80, s15, s16, $0xb8;
	[tilespmem:$0x1C400] =	vst v63  }
0x35: {  	_ = 	snop  }
0x36: {  	[tilespmem:s18], [sflag:$0x1] =	stream.indirect.gather [hbm4b:s8+s16], $0x80, s24, s16, $0xb8;
	[tilespmem:$0x1C400] =	vst v63  }
0x37: {  	_ =	swait.ge [sflag:s19], $0x4000  }
0x38: {  	[sflag:s19] =	ssyncset.done $0x0  }
0x39: {  	[sflag:s19] =	ssyncadd.s32 $0xFFFFC000  }
0x3a: {  	[spmem:s2] =	stream.indirect.scatter.add.f32 [tilespmem:s17], [sflag:$0x2], $0x80, s25, s16, $0xb8;
	[tilespmem:$0x1C400] =	vst v63  }
0x3b: {  	_ =	swait.ge [sflag:s19], $0x4000  }
0x3c: {  	[sflag:s19] =	ssyncset.done $0x0  }
0x3d: {  	[sflag:s19] =	ssyncadd.s32 $0xFFFFC000  }
0x3e: {  	[spmem:s2] =	stream.indirect.scatter.add.f32 [tilespmem:s18], [sflag:$0x2], $0x80, s26, s16, $0xb8;
	[tilespmem:$0x1C400] =	vst v63  }
0x3f: {  	_ =	swait.ge [sflag:s22], $0x4000  }
0x40: {  	[sflag:s22] =	ssyncset.done $0x0  }
0x41: {  	[sflag:s22] =	ssyncadd.s32 $0xFFFFC000  }
0x42: {  	p1 =	sge.u32 s12, s9;
	_ =	swait.ge [sflag:s22], $0x4000  }
0x43: {  	s30 =	simm.s32 @!p1 $0x200;
	s1 =	sadd.s32 @!p1 $0xFFFFF680, s6;
	[sflag:s22] =	ssyncset.done $0x0  }
0x44: {  	s29 =	simm.s32 @!p1 $0x0;
	s1 =	sadd.s32 @!p1 $0xA40, s1;
	[sflag:s22] =	ssyncadd.s32 $0xFFFFC000  }
0x45: {  	[tilespmem:s30], [sflag:$0x3] =	stream.linear.gather @!p1 [hbm4b:s1+s29], $0x200, $0x38;
	[tilespmem:$0x1C400] =	vst v63  }
0x46: {  	s1 =	simm.s32 @!p0 $0x3  }
0x47: {  	s29 =	simm.s32 $0xFFFFF700;
	s30 =	smov.u32 s12;
	_ =	swait.ge @!p0 [sflag:s1], $0x200  }
.LBB2_2:
0x48: {  	[sflag:s1] =	ssyncset.done @!p0 $0x0  }
0x49: {  	s30 =	sadd.s32 $0x2, s30;
	s31 =	smov.u32 s29;
	s29 =	sadd.s32 $0x80, s29  }
0x4a: {  	p1 =	sne.s32 s29, $0x0;
	[sflag:s1] =	ssyncadd.s32 @!p0 $0xFFFFFE00  }
0x4b: {  	[tilespmem:s17], [sflag:$0x1] =	stream.indirect.gather [hbm4b:s8+s16], $0x80, s3, s16, $0xb8;
	[tilespmem:$0x1C400] =	vst v63  }
0x4c: {  	_ = 	snop  }
0x4d: {  	[tilespmem:s18], [sflag:$0x1] =	stream.indirect.gather [hbm4b:s8+s16], $0x80, s16, s16, $0xb8;
	[tilespmem:$0x1C400] =	vst v63  }
0x4e: {  	_ =	swait.ge [sflag:s19], $0x4000  }
0x4f: {  	[sflag:s19] =	ssyncset.done $0x0  }
0x50: {  	[sflag:s19] =	ssyncadd.s32 $0xFFFFC000  }
0x51: {  	[spmem:s2] =	stream.indirect.scatter.add.f32 [tilespmem:s17], [sflag:$0x2], $0x80, s20, s16, $0xb8;
	[tilespmem:$0x1C400] =	vst v63  }
0x52: {  	_ =	swait.ge [sflag:s19], $0x4000  }
0x53: {  	[sflag:s19] =	ssyncset.done $0x0  }
0x54: {  	[sflag:s19] =	ssyncadd.s32 $0xFFFFC000  }
0x55: {  	[spmem:s2] =	stream.indirect.scatter.add.f32 [tilespmem:s18], [sflag:$0x2], $0x80, s21, s16, $0xb8;
	[tilespmem:$0x1C400] =	vst v63  }
0x56: {  	_ =	swait.ge [sflag:s22], $0x4000  }
0x57: {  	[sflag:s22] =	ssyncset.done $0x0  }
0x58: {  	s1 =	sadd.s32 $0xFFFFFFFF, s30;
	[sflag:s22] =	ssyncadd.s32 $0xFFFFC000  }
0x59: {  	p0 =	sge.u32 s1, s9;
	_ =	swait.ge [sflag:s22], $0x4000  }
0x5a: {  	s1 =	sadd.s32 @!p0 s31, s6;
	[sflag:s22] =	ssyncset.done $0x0  }
0x5b: {  	s0 =	simm.s32 @!p0 $0x0;
	s1 =	sadd.s32 @!p0 $0xA00, s1;
	[sflag:s22] =	ssyncadd.s32 $0xFFFFC000  }
0x5c: {  	[tilespmem:s0], [sflag:$0x3] =	stream.linear.gather @!p0 [hbm4b:s1+s0], $0x200, $0x38;
	[tilespmem:$0x1C400] =	vst v63  }
0x5d: {  	_ =	swait.ge [sflag:s23], $0x200  }
0x5e: {  	[sflag:s23] =	ssyncset.done $0x0  }
0x5f: {  	[sflag:s23] =	ssyncadd.s32 $0xFFFFFE00  }
0x60: {  	[tilespmem:s17], [sflag:$0x1] =	stream.indirect.gather [hbm4b:s8+s16], $0x80, s15, s16, $0xb8;
	[tilespmem:$0x1C400] =	vst v63  }
0x61: {  	_ = 	snop  }
0x62: {  	[tilespmem:s18], [sflag:$0x1] =	stream.indirect.gather [hbm4b:s8+s16], $0x80, s24, s16, $0xb8;
	[tilespmem:$0x1C400] =	vst v63  }
0x63: {  	_ =	swait.ge [sflag:s19], $0x4000  }
0x64: {  	[sflag:s19] =	ssyncset.done $0x0  }
0x65: {  	[sflag:s19] =	ssyncadd.s32 $0xFFFFC000  }
0x66: {  	[spmem:s2] =	stream.indirect.scatter.add.f32 [tilespmem:s17], [sflag:$0x2], $0x80, s25, s16, $0xb8;
	[tilespmem:$0x1C400] =	vst v63  }
0x67: {  	_ =	swait.ge [sflag:s19], $0x4000  }
0x68: {  	[sflag:s19] =	ssyncset.done $0x0  }
0x69: {  	[sflag:s19] =	ssyncadd.s32 $0xFFFFC000  }
0x6a: {  	[spmem:s2] =	stream.indirect.scatter.add.f32 [tilespmem:s18], [sflag:$0x2], $0x80, s26, s16, $0xb8;
	[tilespmem:$0x1C400] =	vst v63  }
0x6b: {  	_ =	swait.ge [sflag:s22], $0x4000  }
0x6c: {  	[sflag:s22] =	ssyncset.done $0x0  }
0x6d: {  	p2 =	sge.u32 s30, s9;
	[sflag:s22] =	ssyncadd.s32 $0xFFFFC000  }
0x6e: {  	s0 =	sadd.s32 @!p2 s31, s6;
	_ =	swait.ge [sflag:s22], $0x4000  }
.Ltmp0:
0x6f: {  	s31 =	simm.s32 @!p2 $0x0;
	[sflag:s22] =	ssyncset.done $0x0;
	(pc) =	sbr.rel @p1 .LBB2_2-.Ltmp0, $4  }
0x70: {  	s1 =	simm.s32 @!p0 $0x3;
	s0 =	sadd.s32 @!p2 $0xA40, s0;
	[sflag:s22] =	ssyncadd.s32 $0xFFFFC000  }
0x71: {  	s4 =	simm.s32 @!p2 $0x200  }
0x72: {  	[tilespmem:s4], [sflag:$0x3] =	stream.linear.gather @!p2 [hbm4b:s0+s31], $0x200, $0x38;
	[tilespmem:$0x1C400] =	vst v63  }
0x73: {  	_ =	swait.ge @!p0 [sflag:s1], $0x200  }
0x74: {  	[sflag:s1] =	ssyncset.done @!p0 $0x0  }
0x75: {  	[sflag:s1] =	ssyncadd.s32 @!p0 $0xFFFFFE00  }
0x76: {  	[tilespmem:s17], [sflag:$0x1] =	stream.indirect.gather [hbm4b:s8+s16], $0x80, s3, s16, $0xb8;
	[tilespmem:$0x1C400] =	vst v63  }
0x77: {  	_ = 	snop  }
0x78: {  	[tilespmem:s18], [sflag:$0x1] =	stream.indirect.gather [hbm4b:s8+s16], $0x80, s16, s16, $0xb8;
	[tilespmem:$0x1C400] =	vst v63  }
0x79: {  	_ =	swait.ge [sflag:s19], $0x4000  }
0x7a: {  	[sflag:s19] =	ssyncset.done $0x0  }
0x7b: {  	[sflag:s19] =	ssyncadd.s32 $0xFFFFC000  }
0x7c: {  	[spmem:s2] =	stream.indirect.scatter.add.f32 [tilespmem:s17], [sflag:$0x2], $0x80, s20, s16, $0xb8;
	[tilespmem:$0x1C400] =	vst v63  }
0x7d: {  	_ =	swait.ge [sflag:s19], $0x4000  }
0x7e: {  	[sflag:s19] =	ssyncset.done $0x0  }
0x7f: {  	[sflag:s19] =	ssyncadd.s32 $0xFFFFC000  }
0x80: {  	[spmem:s2] =	stream.indirect.scatter.add.f32 [tilespmem:s18], [sflag:$0x2], $0x80, s21, s16, $0xb8;
	[tilespmem:$0x1C400] =	vst v63  }
0x81: {  	_ =	swait.ge [sflag:s22], $0x4000  }
0x82: {  	[sflag:s22] =	ssyncset.done $0x0  }
0x83: {  	[sflag:s22] =	ssyncadd.s32 $0xFFFFC000  }
0x84: {  	_ =	swait.ge [sflag:s22], $0x4000  }
0x85: {  	[sflag:s22] =	ssyncset.done $0x0  }
0x86: {  	[sflag:s22] =	ssyncadd.s32 $0xFFFFC000  }
0x87: {  	_ =	swait.ge [sflag:s23], $0x200  }
0x88: {  	[sflag:s23] =	ssyncset.done $0x0  }
0x89: {  	[sflag:s23] =	ssyncadd.s32 $0xFFFFFE00  }
0x8a: {  	[tilespmem:s17], [sflag:$0x1] =	stream.indirect.gather [hbm4b:s8+s16], $0x80, s15, s16, $0xb8;
	[tilespmem:$0x1C400] =	vst v63  }
0x8b: {  	_ = 	snop  }
0x8c: {  	[tilespmem:s18], [sflag:$0x1] =	stream.indirect.gather [hbm4b:s8+s16], $0x80, s24, s16, $0xb8;
	[tilespmem:$0x1C400] =	vst v63  }
0x8d: {  	_ =	swait.ge [sflag:s19], $0x4000  }
0x8e: {  	[sflag:s19] =	ssyncset.done $0x0  }
0x8f: {  	[sflag:s19] =	ssyncadd.s32 $0xFFFFC000  }
0x90: {  	[spmem:s2] =	stream.indirect.scatter.add.f32 [tilespmem:s17], [sflag:$0x2], $0x80, s25, s16, $0xb8;
	[tilespmem:$0x1C400] =	vst v63  }
0x91: {  	_ =	swait.ge [sflag:s19], $0x4000  }
0x92: {  	[sflag:s19] =	ssyncset.done $0x0  }
0x93: {  	[sflag:s19] =	ssyncadd.s32 $0xFFFFC000  }
0x94: {  	[spmem:s2] =	stream.indirect.scatter.add.f32 [tilespmem:s18], [sflag:$0x2], $0x80, s26, s16, $0xb8;
	[tilespmem:$0x1C400] =	vst v63  }
0x95: {  	_ =	swait.ge [sflag:s22], $0x4000  }
0x96: {  	[sflag:s22] =	ssyncset.done $0x0  }
0x97: {  	[sflag:s22] =	ssyncadd.s32 $0xFFFFC000  }
0x98: {  	_ =	swait.ge [sflag:s22], $0x4000  }
0x99: {  	s28 =	sadd.s32 $0x1, s28;
	[sflag:s22] =	ssyncset.done $0x0  }
0x9a: {  	p0 =	sne.s32 s28, s11;
	[sflag:s22] =	ssyncadd.s32 $0xFFFFC000  }
.Ltmp1:
0x9b: {  	[bflag:$0x0] =	sbarrier.arrive $0xFFFF;
	(pc) =	sbr.rel @p0 .LBB2_1-.Ltmp1, $4  }
0x9c: {  	[hbm:s10], [sflag:s5] =	dma.local [spmem:s13], $0x2800  }
0x9d: {  	_ =	swait.ge [sflag:s14], $0x2800  }
0x9e: {  	[sflag:s14] =	ssyncset.done $0x0  }
0x9f: {  	[sflag:s14] =	ssyncadd.s32 $0xFFFFD800  }
0xa0: {  	_ =	sfence.sel $0x180000  }
0xa1: {  	[bflag:$0x0] =	sbarrier.arrive $0xFFFF  }
0xa2: {  	_ =	strace $0x9000004A  }
0xa3: {  	s0 =	stileid.u32;
	[bflag:$0x2] =	sbarrier.arrive $0xFFFF  }
0xa4: {  	p0 =	sne.s32 s0, $0x0;
	s0 =	rddreg [dreg:$0x3]  }
0xa5: {  	s0 =	sadd.s32 @!p0 $0x100000, s0  }
0xa6: {  	[sflag:s0] =	ssyncadd.tile.s32 @!p0 $0x1;
	_ =	shalt  }
.Lfunc_end2:
_tile_overlayer_lowered:
.L_overlay_start_2:
0xa7: {  	(tag) =	ssettag $0x2  }
0xa8: {  	s0 =	rddreg [dreg:$0x0];
	s2 =	stileid.u32  }
0xa9: {  	s1 =	rddreg [dreg:$0x1];
	p0 =	sne.s32 s2, $0x0  }
0xaa: {  	s3 =	rddreg [dreg:$0x2];
	[bflag:$0x3] =	sbarrier.arrive $0xFFFF;
	s2 =	simm.s32 @!p0 $0x1C04  }
0xab: {  	[timem:s3], [sflag:s2] =	dma.local @!p0 [hbm:s0], s1  }
0xac: {  	s0 =	simm.s32 @!p0 $0x4  }
0xad: {  	_ =	swait.ge @!p0 [sflag:s0], s1  }
0xae: {  	s1 =	ssub.s32 @!p0 $0x0, s1;
	[sflag:s0] =	ssyncset.done @!p0 $0x0  }
0xaf: {  	[sflag:s0] =	ssyncadd.s32 @!p0 s1  }
0xb0: {  	[bflag:$0x3] =	sbarrier.arrive $0xFFFF  }
0xb1: {  	_ =	shalt  }

// kernel: kernel.14.cloned.1.call-start
scs
__scs_entry_jumppad:
0x0: {  	(pc) =	sbr.rel $0x88, $3  }
0x1: {  	(tag) =	ssettag $0x0;
	lr =	simm.s32 $0x1  }
0x2: {  	[smem:$0x3F95] =	sst lr;
	_ =	strace $0xD0000000  }
0x3: {  	_ = 	snop  }
0x4: {  	_ = 	snop  }
0x5: {  	_ = 	snop  }
0x6: {  	_ = 	snop  }
0x7: {  	_ = 	snop  }
__scs_overlays_trampoline_lowered:
0x8: {  	[smem:$0x3FA4] =	sst s0  }
0x9: {  	[smem:$0x3FA5] =	sst s1  }
0xa: {  	[smem:$0x3FA6] =	sst s2  }
0xb: {  	[smem:$0x3FA7] =	sst s3  }
0xc: {  	[smem:$0x3FA8] =	sst s4  }
0xd: {  	[smem:$0x3FA9] =	sst s5  }
0xe: {  	[smem:$0x3FAA] =	sst s6  }
0xf: {  	[smem:$0x3FAB] =	sst s7  }
0x10: {  	[smem:$0x3FAC] =	sst s8  }
0x11: {  	[smem:$0x3FAD] =	sst s9;
	s0 =	simm.s32 @!p0 $0x0  }
0x12: {  	s1 =	sld [smem:$0x3F93];
	s0 =	simm.s32 @p0 $0x1  }
0x13: {  	[smem:$0x3FAE] =	sst s0;
	s0 =	simm.s32 @!p1 $0x0  }
0x14: {  	s2 =	sld [smem:$0x3F92];
	s0 =	simm.s32 @p1 $0x1  }
0x15: {  	[smem:$0x3FAF] =	sst s0;
	s0 =	simm.s32 @!p2 $0x0  }
0x16: {  	s3 =	sld [smem:$0x3FDB];
	s0 =	simm.s32 @p2 $0x1  }
0x17: {  	s4 =	simm.s32 $0x1BF5;
	[smem:$0x3FB1] =	sst s0  }
0x18: {  	s0 =	sld [smem:$0x3F94];
	_ =	swait.ge [sflag:s4], $0x0  }
0x19: {  	s7 =	sld [smem:$0x3F95]  }
0x1a: {  	s8 =	sadd.s32 $0xFFFFE003, lr  }
0x1b: {  	s9 =	sadd.s32 $0xFFFFFEF7, lr;
	s5 =	simm.s32 $0xFFFFFFFF;
	p2 =	slt.u32 s8, $0xFFFFF086  }
0x1c: {  	p1 =	slt.u32 s9, $0xF7A;
	s5 =	simm.s32 @!p2 $0x0  }
0x1d: {  	s5 =	simm.s32 @p1 $0x1;
	p0 =	seq.s32 s7, s2  }
0x1e: {  	s7 =	smul.u32 @!p0 $0xF7A, s2;
	p2 =	seq.s32 @!p0 s5, $0x0  }
0x1f: {  	s9 =	smul.u32 $0xF7A, s1;
	s8 =	simm.s32 @!p0 $0x1BF5;
	p2 =	por !p2, p0  }
0x20: {  	[sflag:s8] =	ssyncset.s32 @!p0 $0xFFFFF086;
	s6 =	sadd.s32 @!p0 s3, s7;
	s7 =	simm.s32 @!p0 $0x108  }
0x21: {  	s3 =	sadd.s32 s3, s9;
	s6 =	sadd.s32 @!p0 $0x88, s6;
	s7 =	simm.s32 @p2 $0x1082  }
0x22: {  	[simem:s7], [sflag:s8] =	dma.local @!p0 [hbm:s6], $0xF7A  }
0x23: {  	s9 =	sor.u32 $0xD0000000, s2;
	s6 =	simm.s32 $0x108;
	_ =	swait.ge @!p0 [sflag:s8], $0x0  }
0x24: {  	s3 =	sadd.s32 $0x88, s3;
	s6 =	simm.s32 @!p1 $0x1082;
	[sflag:s4] =	ssyncset.s32 $0xFFFFF086  }
0x25: {  	[simem:s6], [sflag:s4] =	dma.local [hbm:s3], $0xF7A  }
0x26: {  	[smem:$0x3F95] =	sst s1;
	(tag) =	ssettag s2;
	_ =	strace s9  }
0x27: {  	s1 =	sld [smem:$0x3FA5]  }
0x28: {  	s2 =	sld [smem:$0x3FA6]  }
0x29: {  	s4 =	sld [smem:$0x3FA8]  }
0x2a: {  	p0 =	seq.s32 s5, $0x0;
	s5 =	sld [smem:$0x3FA9]  }
0x2b: {  	s6 =	sld [smem:$0x3FAA]  }
0x2c: {  	s7 =	sld [smem:$0x3FAB]  }
0x2d: {  	s3 =	simm.s32 $0x108;
	s8 =	sld [smem:$0x3FAC]  }
0x2e: {  	s3 =	simm.s32 @!p0 $0x1082;
	s9 =	sld [smem:$0x3FAD]  }
0x2f: {  	lr =	sadd.s32 s0, s3;
	s0 =	sld [smem:$0x3FA4]  }
0x30: {  	s3 =	sld [smem:$0x3FA7]  }
0x31: {  	[smem:$0x3FB0] =	sst s10  }
0x32: {  	s10 =	sld [smem:$0x3FAE];
	_ =	sdelay $0x3  }
0x33: {  	p0 =	seq.s32 s10, $0x1;
	s10 =	sld [smem:$0x3FB0];
	_ =	sdelay $0x3  }
0x34: {  	[smem:$0x3FB0] =	sst s10  }
0x35: {  	s10 =	sld [smem:$0x3FAF];
	_ =	sdelay $0x3  }
0x36: {  	p1 =	seq.s32 s10, $0x1;
	s10 =	sld [smem:$0x3FB0];
	_ =	sdelay $0x3  }
0x37: {  	[smem:$0x3FB0] =	sst s10  }
0x38: {  	s10 =	sld [smem:$0x3FB1]  }
0x39: {  	_ = 	snop;
	(pc) =	sbr.ind lr, $3  }
0x3a: {  	_ = 	snop  }
0x3b: {  	_ = 	snop  }
0x3c: {  	p2 =	seq.s32 s10, $0x1;
	s10 =	sld [smem:$0x3FB0]  }
0x3d: {  	_ =	shalt  }
0x3e: {  	_ =	shalt  }
0x3f: {  	_ =	shalt  }
0x40: {  	_ =	shalt  }
0x41: {  	_ =	shalt  }
0x42: {  	_ =	shalt  }
0x43: {  	_ =	shalt  }
0x44: {  	_ =	shalt  }
0x45: {  	_ =	shalt  }
0x46: {  	_ =	shalt  }
0x47: {  	_ =	shalt  }
0x48: {  	_ =	shalt  }
0x49: {  	_ =	shalt  }
0x4a: {  	_ =	shalt  }
0x4b: {  	_ =	shalt  }
0x4c: {  	_ =	shalt  }
0x4d: {  	_ =	shalt  }
0x4e: {  	_ =	shalt  }
0x4f: {  	_ =	shalt  }
0x50: {  	_ =	shalt  }
0x51: {  	_ =	shalt  }
0x52: {  	_ =	shalt  }
0x53: {  	_ =	shalt  }
0x54: {  	_ =	shalt  }
0x55: {  	_ =	shalt  }
0x56: {  	_ =	shalt  }
0x57: {  	_ =	shalt  }
0x58: {  	_ =	shalt  }
0x59: {  	_ =	shalt  }
0x5a: {  	_ =	shalt  }
0x5b: {  	_ =	shalt  }
0x5c: {  	_ =	shalt  }
0x5d: {  	_ =	shalt  }
0x5e: {  	_ =	shalt  }
0x5f: {  	_ =	shalt  }
0x60: {  	_ =	shalt  }
0x61: {  	_ =	shalt  }
0x62: {  	_ =	shalt  }
0x63: {  	_ =	shalt  }
0x64: {  	_ =	shalt  }
0x65: {  	_ =	shalt  }
0x66: {  	_ =	shalt  }
0x67: {  	_ =	shalt  }
0x68: {  	_ =	shalt  }
0x69: {  	_ =	shalt  }
0x6a: {  	_ =	shalt  }
0x6b: {  	_ =	shalt  }
0x6c: {  	_ =	shalt  }
0x6d: {  	_ =	shalt  }
0x6e: {  	_ =	shalt  }
0x6f: {  	_ =	shalt  }
0x70: {  	_ =	shalt  }
0x71: {  	_ =	shalt  }
0x72: {  	_ =	shalt  }
0x73: {  	_ =	shalt  }
0x74: {  	_ =	shalt  }
0x75: {  	_ =	shalt  }
0x76: {  	_ =	shalt  }
0x77: {  	_ =	shalt  }
0x78: {  	_ =	shalt  }
0x79: {  	_ =	shalt  }
0x7a: {  	_ =	shalt  }
0x7b: {  	_ =	shalt  }
0x7c: {  	_ =	shalt  }
0x7d: {  	_ =	shalt  }
0x7e: {  	_ =	shalt  }
0x7f: {  	_ =	shalt  }
0x80: {  	_ =	shalt  }
0x81: {  	_ =	shalt  }
0x82: {  	_ =	shalt  }
0x83: {  	_ =	shalt  }
0x84: {  	_ =	shalt  }
0x85: {  	_ =	shalt  }
0x86: {  	_ =	shalt  }
0x87: {  	_ =	shalt  }
.Lfunc_end0:
.L_simem_size_0:
called_computation.2_lowered:
.L_overlay_start_0:
0x88: {  	s2 =	sld [smem:$0x3FD9]  }
0x89: {  	s3 =	sld [smem:$0x3FFE];
	_ =	sdelay $0x1  }
0x8a: {  	s1 =	srdreg.scid  }
0x8b: {  	s0 =	sand.u32 $0x1, s1  }
0x8c: {  	s17 =	sshll.u32 s0, $0xA;
	s2 =	sadd.s32 s3, s2  }
0x8d: {  	s2 =	sadd.s32 s2, s17  }
0x8e: {  	[smem:$0x3FBC] =	sst s2  }
0x8f: {  	_ = 	snop  }
0x90: {  	s2 =	sld [smem:$0x3FD0];
	(tm) =	ssettm $0x1  }
0x91: {  	s18 =	sld [smem:$0x3FFB];
	_ =	sdelay $0x3  }
0x92: {  	_ =	strace s18  }
0x93: {  	s3 =	sld [smem:$0x3FFC];
	_ =	sdelay $0x3  }
0x94: {  	_ =	strace s3  }
0x95: {  	s3 =	sld [smem:$0x3FFD];
	_ =	sdelay $0x3  }
0x96: {  	_ =	strace s3  }
0x97: {  	_ =	strace $0x8FFFFFFF  }
0x98: {  	s19 =	sld [smem:$0x3FDB];
	_ =	sdelay $0x1  }
0x99: {  	s4 =	simm.s32 $_scs_section_size  }
0x9a: {  	s5 =	simm.s32 $_size__tile_overlayer_lowered;
	s6 =	simm.s32 $_tile_overlayer_lowered  }
0x9b: {  	s22 =	simm.s32 $0x1BFF;
	s21 =	sshll.u32 s6, $0x1;
	s3 =	sadd.s32 s4, s19  }
0x9c: {  	s7 =	simm.s32 $0x0;
	s20 =	sshll.u32 s5, $0x1;
	s5 =	sadd.s32 s21, s3  }
0x9d: {  	[timem:s7], [sflag:s22] =	dma.local [hbm:s5], s20  }
0x9e: {  	_ =	swait.ge [sflag:s22], s20  }
0x9f: {  	s4 =	ssub.s32 $0x0, s20;
	[sflag:s22] =	ssyncset.done $0x0  }
0xa0: {  	[sflag:s22] =	ssyncadd.s32 s4;
	_ =	sdelay $0x1  }
0xa1: {  	s23 =	simm.s32 $0x1B8B  }
0xa2: {  	_ =	swait.ge [sflag:s23], $0x1  }
0xa3: {  	[sflag:s23] =	ssyncset.done $0x0  }
0xa4: {  	s25 =	simm.s32 $0x1B8E;
	s24 =	sld [smem:$0x3FFE];
	[sflag:s23] =	ssyncadd.s32 $0xFFFFFFFF  }
0xa5: {  	s26 =	simm.s32 $execute0_lowered;
	[smem:$0x3FD2] =	sst s25  }
0xa6: {  	s5 =	sshll.u32 s26, $0x1;
	_ =	strace $0x8000004C;
	[dreg:$0x1] =	wrdreg $0xFFFFFFFF  }
0xa7: {  	s28 =	simm.s32 $_size_execute0_lowered;
	s3 =	sadd.s32 s3, s5;
	[dreg:$0x0] =	wrdreg $0x0  }
0xa8: {  	s5 =	sshll.u32 s28, $0x1;
	[dreg:$0x2] =	wrdreg s3  }
0xa9: {  	[dreg:$0x3] =	wrdreg s5  }
0xaa: {  	[dreg:$0x4] =	wrdreg $0xC0  }
0xab: {  	_ =	task [dreg:s7], $0x5FFFF  }
0xac: {  	[dreg:$0x1] =	wrdreg $0xFFFFFFFF  }
0xad: {  	[dreg:$0x0] =	wrdreg $0x60  }
0xae: {  	[dreg:$0x2] =	wrdreg s2  }
0xaf: {  	[dreg:$0x3] =	wrdreg s24  }
0xb0: {  	[dreg:$0x4] =	wrdreg $0x84000  }
0xb1: {  	[dreg:$0x5] =	wrdreg $0x9  }
0xb2: {  	_ =	task.clear_ibuf [dreg:s7], $0x6FFFF;
	_ =	strace $0x9000004C  }
0xb3: {  	s29 =	simm.s32 $0x9;
	_ =	strace $0x8000004E  }
0xb4: {  	_ =	swait.ge [sflag:s29], $0x1  }
0xb5: {  	[sflag:s29] =	ssyncadd.s32 $0xFFFFFFFF  }
0xb6: {  	_ =	strace $0x9000004E  }
0xb7: {  	_ =	sfence  }
0xb8: {  	s30 =	sld [smem:$0x0];
	_ =	sdelay $0x2  }
0xb9: {  	s31 =	sshll.u32 s1, $0xD;
	s1 =	sshrl.u32 s1, $0x2  }
0xba: {  	s3 =	sand.u32 $0x4000, s31;
	s1 =	sadd.s32 s1, s30  }
0xbb: {  	s0 =	sor.u32 s3, s0;
	s1 =	sshll.u32 s1, $0x11  }
0xbc: {  	s0 =	sor.u32 s1, s0  }
0xbd: {  	s0 =	sadd.s32 $0x8F2B, s0  }
0xbe: {  	[sflag:s0] =	ssyncadd.remote.s32 $0x1  }
0xbf: {  	_ =	sfence.sel $0xFFFF  }
0xc0: {  	[dreg:$0x0] =	wrdreg $0xFFFFFFFF;
	(pc) =	sbr.abs _section_cstart, $3  }
0xc1: {  	[dreg:$0x1] =	wrdreg $0xFFFFFFFF  }
0xc2: {  	_ =	task.clear_ibuf [dreg:s7], $0x2FFFF;
	_ =	strace $0x9FFFFFFF  }
0xc3: {  	(tm) =	ssettm $0x7FFFFFFF  }
tec
execute0_lowered:
.L_overlay_start_1:
0x0: {  	(tag) =	ssettag $0x1  }
0x1: {  	s1 =	rddreg [dreg:$0x0]  }
0x2: {  	s5 =	rddreg [dreg:$0x1];
	s0 =	stileid.u32  }
0x3: {  	s3 =	srdreg.scid;
	s2 =	rddreg [dreg:$0x2]  }
0x4: {  	s16 =	simm.s32 $0x80;
	s17 =	simm.s32 $0x400;
	s18 =	simm.s32 $0x4400  }
0x5: {  	s19 =	simm.s32 $0x1;
	s20 =	simm.s32 $0x100;
	s21 =	simm.s32 $0x180  }
0x6: {  	s22 =	simm.s32 $0x2;
	s23 =	simm.s32 $0x3;
	s4 =	smul.u32 $0xA00, s0  }
0x7: {  	s24 =	simm.s32 $0x280;
	s28 =	simm.s32 $0x0;
	s8 =	smul.u32 $0x14000, s0  }
0x8: {  	s6 =	sand.u32 $0x1, s3;
	s3 =	simm.s32 $0x0;
	s11 =	smul.u32 $0x50000, s0  }
0x9: {  	s25 =	sadd.s32 $0xC800, s5;
	s14 =	smul.u32 $0x28, s0;
	s30 =	sshll.u32 s0, $0x6  }
0xa: {  	s7 =	smul.u32 $0x140000, s6;
	[smem:$0x7FF] =	sst s3;
	s26 =	ssub.s32 $0x2, s6  }
0xb: {  	s31 =	smul.u32 $0x27100, s6;
	_ =	strace $0x8000004D;
	s9 =	sadd.s32 s4, s5  }
0xc: {  	[dreg:$0x4] =	wrdreg s25;
	s10 =	sshrl.u32 s26, $0x1;
	s29 =	sshrl.u32 s11, $0x2  }
0xd: {  	s25 =	simm.s32 $0x300;
	s7 =	sadd.s32 s8, s7;
	s13 =	ssub.s32 s26, s10  }
0xe: {  	s15 =	sadd.s32 s29, s2;
	s6 =	sadd.s32 $0x2800, s9;
	s8 =	sadd.s32 s1, s31  }
0xf: {  	s26 =	simm.s32 $0x380;
	s7 =	sshrl.u32 s7, $0x3;
	s11 =	smax.u32 s13, $0x1  }
0x10: {  	s13 =	sshrl.u32 s15, $0x3;
	s15 =	simm.s32 $0x200;
	s12 =	sadd.s32 s7, s5  }
0x11: {  	s5 =	sor.u32 $0x1C04, s30;
	s7 =	sadd.s32 $0x2840, s9;
	s9 =	sadd.s32 $0x28, s14  }
0x12: {  	s10 =	sadd.s32 $0xF000, s12;
	s12 =	sor.u32 $0x3, s14;
	s14 =	simm.s32 $0x4  }
.LBB2_1:
0x13: {  	s0 =	rddreg [dreg:$0x4]  }
0x14: {  	[spmem:s13], [sflag:s5] =	dma.local [hbm:s0], $0x2800  }
0x15: {  	_ =	swait.ge [sflag:s14], $0x2800  }
0x16: {  	[sflag:s14] =	ssyncset.done $0x0  }
0x17: {  	[sflag:s14] =	ssyncadd.s32 $0xFFFFD800  }
0x18: {  	[bflag:$0x0] =	sbarrier.arrive $0xFFFF  }
0x19: {  	[tilespmem:s3], [sflag:$0x4] =	stream.linear.gather [hbm4b:s6+s3], $0x200, $0x38;
	[tilespmem:$0x1C400] =	vst v63  }
0x1a: {  	_ =	swait.ge [sflag:s14], $0x200  }
0x1b: {  	[sflag:s14] =	ssyncset.done $0x0  }
0x1c: {  	[sflag:s14] =	ssyncadd.s32 $0xFFFFFE00  }
0x1d: {  	[tilespmem:s15], [sflag:$0x3] =	stream.linear.gather [hbm4b:s7+s3], $0x200, $0x38;
	[tilespmem:$0x1C400] =	vst v63  }
0x1e: {  	_ = 	snop  }
0x1f: {  	[tilespmem:s17], [sflag:$0x1] =	stream.indirect.gather [hbm4b:s8+s16], $0x80, s3, s16, $0xb8;
	[tilespmem:$0x1C400] =	vst v63  }
0x20: {  	_ = 	snop  }
0x21: {  	[tilespmem:s18], [sflag:$0x1] =	stream.indirect.gather [hbm4b:s8+s16], $0x80, s16, s16, $0xb8;
	[tilespmem:$0x1C400] =	vst v63  }
0x22: {  	_ =	swait.ge [sflag:s19], $0x4000  }
0x23: {  	[sflag:s19] =	ssyncset.done $0x0  }
0x24: {  	[sflag:s19] =	ssyncadd.s32 $0xFFFFC000  }
0x25: {  	[spmem:s2] =	stream.indirect.scatter.add.f32 [tilespmem:s17], [sflag:$0x2], $0x80, s20, s16, $0xb8;
	[tilespmem:$0x1C400] =	vst v63  }
0x26: {  	_ =	swait.ge [sflag:s19], $0x4000  }
0x27: {  	[sflag:s19] =	ssyncset.done $0x0  }
0x28: {  	[sflag:s19] =	ssyncadd.s32 $0xFFFFC000  }
0x29: {  	[spmem:s2] =	stream.indirect.scatter.add.f32 [tilespmem:s18], [sflag:$0x2], $0x80, s21, s16, $0xb8;
	[tilespmem:$0x1C400] =	vst v63  }
0x2a: {  	_ =	swait.ge [sflag:s22], $0x4000  }
0x2b: {  	[sflag:s22] =	ssyncset.done $0x0  }
0x2c: {  	s1 =	sadd.s32 $0xFFFFFFFF, s12;
	[sflag:s22] =	ssyncadd.s32 $0xFFFFC000  }
0x2d: {  	p0 =	sge.u32 s1, s9;
	_ =	swait.ge [sflag:s22], $0x4000  }
0x2e: {  	s1 =	sadd.s32 @!p0 $0xFFFFF680, s6;
	[sflag:s22] =	ssyncset.done $0x0  }
0x2f: {  	s29 =	simm.s32 @!p0 $0x0;
	s1 =	sadd.s32 @!p0 $0xA00, s1;
	[sflag:s22] =	ssyncadd.s32 $0xFFFFC000  }
0x30: {  	[tilespmem:s29], [sflag:$0x3] =	stream.linear.gather @!p0 [hbm4b:s1+s29], $0x200, $0x38;
	[tilespmem:$0x1C400] =	vst v63  }
0x31: {  	_ =	swait.ge [sflag:s23], $0x200  }
0x32: {  	[sflag:s23] =	ssyncset.done $0x0  }
0x33: {  	[sflag:s23] =	ssyncadd.s32 $0xFFFFFE00  }
0x34: {  	[tilespmem:s17], [sflag:$0x1] =	stream.indirect.gather [hbm4b:s8+s16], $0x80, s15, s16, $0xb8;
	[tilespmem:$0x1C400] =	vst v63  }
0x35: {  	_ = 	snop  }
0x36: {  	[tilespmem:s18], [sflag:$0x1] =	stream.indirect.gather [hbm4b:s8+s16], $0x80, s24, s16, $0xb8;
	[tilespmem:$0x1C400] =	vst v63  }
0x37: {  	_ =	swait.ge [sflag:s19], $0x4000  }
0x38: {  	[sflag:s19] =	ssyncset.done $0x0  }
0x39: {  	[sflag:s19] =	ssyncadd.s32 $0xFFFFC000  }
0x3a: {  	[spmem:s2] =	stream.indirect.scatter.add.f32 [tilespmem:s17], [sflag:$0x2], $0x80, s25, s16, $0xb8;
	[tilespmem:$0x1C400] =	vst v63  }
0x3b: {  	_ =	swait.ge [sflag:s19], $0x4000  }
0x3c: {  	[sflag:s19] =	ssyncset.done $0x0  }
0x3d: {  	[sflag:s19] =	ssyncadd.s32 $0xFFFFC000  }
0x3e: {  	[spmem:s2] =	stream.indirect.scatter.add.f32 [tilespmem:s18], [sflag:$0x2], $0x80, s26, s16, $0xb8;
	[tilespmem:$0x1C400] =	vst v63  }
0x3f: {  	_ =	swait.ge [sflag:s22], $0x4000  }
0x40: {  	[sflag:s22] =	ssyncset.done $0x0  }
0x41: {  	[sflag:s22] =	ssyncadd.s32 $0xFFFFC000  }
0x42: {  	p1 =	sge.u32 s12, s9;
	_ =	swait.ge [sflag:s22], $0x4000  }
0x43: {  	s30 =	simm.s32 @!p1 $0x200;
	s1 =	sadd.s32 @!p1 $0xFFFFF680, s6;
	[sflag:s22] =	ssyncset.done $0x0  }
0x44: {  	s29 =	simm.s32 @!p1 $0x0;
	s1 =	sadd.s32 @!p1 $0xA40, s1;
	[sflag:s22] =	ssyncadd.s32 $0xFFFFC000  }
0x45: {  	[tilespmem:s30], [sflag:$0x3] =	stream.linear.gather @!p1 [hbm4b:s1+s29], $0x200, $0x38;
	[tilespmem:$0x1C400] =	vst v63  }
0x46: {  	s1 =	simm.s32 @!p0 $0x3  }
0x47: {  	s29 =	simm.s32 $0xFFFFF700;
	s30 =	smov.u32 s12;
	_ =	swait.ge @!p0 [sflag:s1], $0x200  }
.LBB2_2:
0x48: {  	[sflag:s1] =	ssyncset.done @!p0 $0x0  }
0x49: {  	s30 =	sadd.s32 $0x2, s30;
	s31 =	smov.u32 s29;
	s29 =	sadd.s32 $0x80, s29  }
0x4a: {  	p1 =	sne.s32 s29, $0x0;
	[sflag:s1] =	ssyncadd.s32 @!p0 $0xFFFFFE00  }
0x4b: {  	[tilespmem:s17], [sflag:$0x1] =	stream.indirect.gather [hbm4b:s8+s16], $0x80, s3, s16, $0xb8;
	[tilespmem:$0x1C400] =	vst v63  }
0x4c: {  	_ = 	snop  }
0x4d: {  	[tilespmem:s18], [sflag:$0x1] =	stream.indirect.gather [hbm4b:s8+s16], $0x80, s16, s16, $0xb8;
	[tilespmem:$0x1C400] =	vst v63  }
0x4e: {  	_ =	swait.ge [sflag:s19], $0x4000  }
0x4f: {  	[sflag:s19] =	ssyncset.done $0x0  }
0x50: {  	[sflag:s19] =	ssyncadd.s32 $0xFFFFC000  }
0x51: {  	[spmem:s2] =	stream.indirect.scatter.add.f32 [tilespmem:s17], [sflag:$0x2], $0x80, s20, s16, $0xb8;
	[tilespmem:$0x1C400] =	vst v63  }
0x52: {  	_ =	swait.ge [sflag:s19], $0x4000  }
0x53: {  	[sflag:s19] =	ssyncset.done $0x0  }
0x54: {  	[sflag:s19] =	ssyncadd.s32 $0xFFFFC000  }
0x55: {  	[spmem:s2] =	stream.indirect.scatter.add.f32 [tilespmem:s18], [sflag:$0x2], $0x80, s21, s16, $0xb8;
	[tilespmem:$0x1C400] =	vst v63  }
0x56: {  	_ =	swait.ge [sflag:s22], $0x4000  }
0x57: {  	[sflag:s22] =	ssyncset.done $0x0  }
0x58: {  	s1 =	sadd.s32 $0xFFFFFFFF, s30;
	[sflag:s22] =	ssyncadd.s32 $0xFFFFC000  }
0x59: {  	p0 =	sge.u32 s1, s9;
	_ =	swait.ge [sflag:s22], $0x4000  }
0x5a: {  	s1 =	sadd.s32 @!p0 s31, s6;
	[sflag:s22] =	ssyncset.done $0x0  }
0x5b: {  	s0 =	simm.s32 @!p0 $0x0;
	s1 =	sadd.s32 @!p0 $0xA00, s1;
	[sflag:s22] =	ssyncadd.s32 $0xFFFFC000  }
0x5c: {  	[tilespmem:s0], [sflag:$0x3] =	stream.linear.gather @!p0 [hbm4b:s1+s0], $0x200, $0x38;
	[tilespmem:$0x1C400] =	vst v63  }
0x5d: {  	_ =	swait.ge [sflag:s23], $0x200  }
0x5e: {  	[sflag:s23] =	ssyncset.done $0x0  }
0x5f: {  	[sflag:s23] =	ssyncadd.s32 $0xFFFFFE00  }
0x60: {  	[tilespmem:s17], [sflag:$0x1] =	stream.indirect.gather [hbm4b:s8+s16], $0x80, s15, s16, $0xb8;
	[tilespmem:$0x1C400] =	vst v63  }
0x61: {  	_ = 	snop  }
0x62: {  	[tilespmem:s18], [sflag:$0x1] =	stream.indirect.gather [hbm4b:s8+s16], $0x80, s24, s16, $0xb8;
	[tilespmem:$0x1C400] =	vst v63  }
0x63: {  	_ =	swait.ge [sflag:s19], $0x4000  }
0x64: {  	[sflag:s19] =	ssyncset.done $0x0  }
0x65: {  	[sflag:s19] =	ssyncadd.s32 $0xFFFFC000  }
0x66: {  	[spmem:s2] =	stream.indirect.scatter.add.f32 [tilespmem:s17], [sflag:$0x2], $0x80, s25, s16, $0xb8;
	[tilespmem:$0x1C400] =	vst v63  }
0x67: {  	_ =	swait.ge [sflag:s19], $0x4000  }
0x68: {  	[sflag:s19] =	ssyncset.done $0x0  }
0x69: {  	[sflag:s19] =	ssyncadd.s32 $0xFFFFC000  }
0x6a: {  	[spmem:s2] =	stream.indirect.scatter.add.f32 [tilespmem:s18], [sflag:$0x2], $0x80, s26, s16, $0xb8;
	[tilespmem:$0x1C400] =	vst v63  }
0x6b: {  	_ =	swait.ge [sflag:s22], $0x4000  }
0x6c: {  	[sflag:s22] =	ssyncset.done $0x0  }
0x6d: {  	p2 =	sge.u32 s30, s9;
	[sflag:s22] =	ssyncadd.s32 $0xFFFFC000  }
0x6e: {  	s0 =	sadd.s32 @!p2 s31, s6;
	_ =	swait.ge [sflag:s22], $0x4000  }
.Ltmp0:
0x6f: {  	s31 =	simm.s32 @!p2 $0x0;
	[sflag:s22] =	ssyncset.done $0x0;
	(pc) =	sbr.rel @p1 .LBB2_2-.Ltmp0, $4  }
0x70: {  	s1 =	simm.s32 @!p0 $0x3;
	s0 =	sadd.s32 @!p2 $0xA40, s0;
	[sflag:s22] =	ssyncadd.s32 $0xFFFFC000  }
0x71: {  	s4 =	simm.s32 @!p2 $0x200  }
0x72: {  	[tilespmem:s4], [sflag:$0x3] =	stream.linear.gather @!p2 [hbm4b:s0+s31], $0x200, $0x38;
	[tilespmem:$0x1C400] =	vst v63  }
0x73: {  	_ =	swait.ge @!p0 [sflag:s1], $0x200  }
0x74: {  	[sflag:s1] =	ssyncset.done @!p0 $0x0  }
0x75: {  	[sflag:s1] =	ssyncadd.s32 @!p0 $0xFFFFFE00  }
0x76: {  	[tilespmem:s17], [sflag:$0x1] =	stream.indirect.gather [hbm4b:s8+s16], $0x80, s3, s16, $0xb8;
	[tilespmem:$0x1C400] =	vst v63  }
0x77: {  	_ = 	snop  }
0x78: {  	[tilespmem:s18], [sflag:$0x1] =	stream.indirect.gather [hbm4b:s8+s16], $0x80, s16, s16, $0xb8;
	[tilespmem:$0x1C400] =	vst v63  }
0x79: {  	_ =	swait.ge [sflag:s19], $0x4000  }
0x7a: {  	[sflag:s19] =	ssyncset.done $0x0  }
0x7b: {  	[sflag:s19] =	ssyncadd.s32 $0xFFFFC000  }
0x7c: {  	[spmem:s2] =	stream.indirect.scatter.add.f32 [tilespmem:s17], [sflag:$0x2], $0x80, s20, s16, $0xb8;
	[tilespmem:$0x1C400] =	vst v63  }
0x7d: {  	_ =	swait.ge [sflag:s19], $0x4000  }
0x7e: {  	[sflag:s19] =	ssyncset.done $0x0  }
0x7f: {  	[sflag:s19] =	ssyncadd.s32 $0xFFFFC000  }
0x80: {  	[spmem:s2] =	stream.indirect.scatter.add.f32 [tilespmem:s18], [sflag:$0x2], $0x80, s21, s16, $0xb8;
	[tilespmem:$0x1C400] =	vst v63  }
0x81: {  	_ =	swait.ge [sflag:s22], $0x4000  }
0x82: {  	[sflag:s22] =	ssyncset.done $0x0  }
0x83: {  	[sflag:s22] =	ssyncadd.s32 $0xFFFFC000  }
0x84: {  	_ =	swait.ge [sflag:s22], $0x4000  }
0x85: {  	[sflag:s22] =	ssyncset.done $0x0  }
0x86: {  	[sflag:s22] =	ssyncadd.s32 $0xFFFFC000  }
0x87: {  	_ =	swait.ge [sflag:s23], $0x200  }
0x88: {  	[sflag:s23] =	ssyncset.done $0x0  }
0x89: {  	[sflag:s23] =	ssyncadd.s32 $0xFFFFFE00  }
0x8a: {  	[tilespmem:s17], [sflag:$0x1] =	stream.indirect.gather [hbm4b:s8+s16], $0x80, s15, s16, $0xb8;
	[tilespmem:$0x1C400] =	vst v63  }
0x8b: {  	_ = 	snop  }
0x8c: {  	[tilespmem:s18], [sflag:$0x1] =	stream.indirect.gather [hbm4b:s8+s16], $0x80, s24, s16, $0xb8;
	[tilespmem:$0x1C400] =	vst v63  }
0x8d: {  	_ =	swait.ge [sflag:s19], $0x4000  }
0x8e: {  	[sflag:s19] =	ssyncset.done $0x0  }
0x8f: {  	[sflag:s19] =	ssyncadd.s32 $0xFFFFC000  }
0x90: {  	[spmem:s2] =	stream.indirect.scatter.add.f32 [tilespmem:s17], [sflag:$0x2], $0x80, s25, s16, $0xb8;
	[tilespmem:$0x1C400] =	vst v63  }
0x91: {  	_ =	swait.ge [sflag:s19], $0x4000  }
0x92: {  	[sflag:s19] =	ssyncset.done $0x0  }
0x93: {  	[sflag:s19] =	ssyncadd.s32 $0xFFFFC000  }
0x94: {  	[spmem:s2] =	stream.indirect.scatter.add.f32 [tilespmem:s18], [sflag:$0x2], $0x80, s26, s16, $0xb8;
	[tilespmem:$0x1C400] =	vst v63  }
0x95: {  	_ =	swait.ge [sflag:s22], $0x4000  }
0x96: {  	[sflag:s22] =	ssyncset.done $0x0  }
0x97: {  	[sflag:s22] =	ssyncadd.s32 $0xFFFFC000  }
0x98: {  	_ =	swait.ge [sflag:s22], $0x4000  }
0x99: {  	s28 =	sadd.s32 $0x1, s28;
	[sflag:s22] =	ssyncset.done $0x0  }
0x9a: {  	p0 =	sne.s32 s28, s11;
	[sflag:s22] =	ssyncadd.s32 $0xFFFFC000  }
.Ltmp1:
0x9b: {  	[bflag:$0x0] =	sbarrier.arrive $0xFFFF;
	(pc) =	sbr.rel @p0 .LBB2_1-.Ltmp1, $4  }
0x9c: {  	[hbm:s10], [sflag:s5] =	dma.local [spmem:s13], $0x2800  }
0x9d: {  	_ =	swait.ge [sflag:s14], $0x2800  }
0x9e: {  	[sflag:s14] =	ssyncset.done $0x0  }
0x9f: {  	[sflag:s14] =	ssyncadd.s32 $0xFFFFD800  }
0xa0: {  	_ =	sfence.sel $0x180000  }
0xa1: {  	[bflag:$0x0] =	sbarrier.arrive $0xFFFF  }
0xa2: {  	_ =	strace $0x9000004D  }
0xa3: {  	s0 =	stileid.u32;
	[bflag:$0x2] =	sbarrier.arrive $0xFFFF  }
0xa4: {  	p0 =	sne.s32 s0, $0x0;
	s0 =	rddreg [dreg:$0x3]  }
0xa5: {  	s0 =	sadd.s32 @!p0 $0x100000, s0  }
0xa6: {  	[sflag:s0] =	ssyncadd.tile.s32 @!p0 $0x1;
	_ =	shalt  }
.Lfunc_end2:
_tile_overlayer_lowered:
.L_overlay_start_2:
0xa7: {  	(tag) =	ssettag $0x2  }
0xa8: {  	s0 =	rddreg [dreg:$0x0];
	s2 =	stileid.u32  }
0xa9: {  	s1 =	rddreg [dreg:$0x1];
	p0 =	sne.s32 s2, $0x0  }
0xaa: {  	s3 =	rddreg [dreg:$0x2];
	[bflag:$0x3] =	sbarrier.arrive $0xFFFF;
	s2 =	simm.s32 @!p0 $0x1C04  }
0xab: {  	[timem:s3], [sflag:s2] =	dma.local @!p0 [hbm:s0], s1  }
0xac: {  	s0 =	simm.s32 @!p0 $0x4  }
0xad: {  	_ =	swait.ge @!p0 [sflag:s0], s1  }
0xae: {  	s1 =	ssub.s32 @!p0 $0x0, s1;
	[sflag:s0] =	ssyncset.done @!p0 $0x0  }
0xaf: {  	[sflag:s0] =	ssyncadd.s32 @!p0 s1  }
0xb0: {  	[bflag:$0x3] =	sbarrier.arrive $0xFFFF  }
0xb1: {  	_ =	shalt  }

// kernel: kernel.8.cloned.1.call-start
scs
__scs_entry_jumppad:
0x0: {  	(pc) =	sbr.rel $0x88, $3  }
0x1: {  	(tag) =	ssettag $0x0;
	lr =	simm.s32 $0x1  }
0x2: {  	[smem:$0x3F95] =	sst lr;
	_ =	strace $0xD0000000  }
0x3: {  	_ = 	snop  }
0x4: {  	_ = 	snop  }
0x5: {  	_ = 	snop  }
0x6: {  	_ = 	snop  }
0x7: {  	_ = 	snop  }
__scs_overlays_trampoline_lowered:
0x8: {  	[smem:$0x3FA4] =	sst s0  }
0x9: {  	[smem:$0x3FA5] =	sst s1  }
0xa: {  	[smem:$0x3FA6] =	sst s2  }
0xb: {  	[smem:$0x3FA7] =	sst s3  }
0xc: {  	[smem:$0x3FA8] =	sst s4  }
0xd: {  	[smem:$0x3FA9] =	sst s5  }
0xe: {  	[smem:$0x3FAA] =	sst s6  }
0xf: {  	[smem:$0x3FAB] =	sst s7  }
0x10: {  	[smem:$0x3FAC] =	sst s8  }
0x11: {  	[smem:$0x3FAD] =	sst s9;
	s0 =	simm.s32 @!p0 $0x0  }
0x12: {  	s1 =	sld [smem:$0x3F93];
	s0 =	simm.s32 @p0 $0x1  }
0x13: {  	[smem:$0x3FAE] =	sst s0;
	s0 =	simm.s32 @!p1 $0x0  }
0x14: {  	s2 =	sld [smem:$0x3F92];
	s0 =	simm.s32 @p1 $0x1  }
0x15: {  	[smem:$0x3FAF] =	sst s0;
	s0 =	simm.s32 @!p2 $0x0  }
0x16: {  	s3 =	sld [smem:$0x3FDB];
	s0 =	simm.s32 @p2 $0x1  }
0x17: {  	s4 =	simm.s32 $0x1BF5;
	[smem:$0x3FB1] =	sst s0  }
0x18: {  	s0 =	sld [smem:$0x3F94];
	_ =	swait.ge [sflag:s4], $0x0  }
0x19: {  	s7 =	sld [smem:$0x3F95]  }
0x1a: {  	s8 =	sadd.s32 $0xFFFFE003, lr  }
0x1b: {  	s9 =	sadd.s32 $0xFFFFFEF7, lr;
	s5 =	simm.s32 $0xFFFFFFFF;
	p2 =	slt.u32 s8, $0xFFFFF086  }
0x1c: {  	p1 =	slt.u32 s9, $0xF7A;
	s5 =	simm.s32 @!p2 $0x0  }
0x1d: {  	s5 =	simm.s32 @p1 $0x1;
	p0 =	seq.s32 s7, s2  }
0x1e: {  	s7 =	smul.u32 @!p0 $0xF7A, s2;
	p2 =	seq.s32 @!p0 s5, $0x0  }
0x1f: {  	s9 =	smul.u32 $0xF7A, s1;
	s8 =	simm.s32 @!p0 $0x1BF5;
	p2 =	por !p2, p0  }
0x20: {  	[sflag:s8] =	ssyncset.s32 @!p0 $0xFFFFF086;
	s6 =	sadd.s32 @!p0 s3, s7;
	s7 =	simm.s32 @!p0 $0x108  }
0x21: {  	s3 =	sadd.s32 s3, s9;
	s6 =	sadd.s32 @!p0 $0x88, s6;
	s7 =	simm.s32 @p2 $0x1082  }
0x22: {  	[simem:s7], [sflag:s8] =	dma.local @!p0 [hbm:s6], $0xF7A  }
0x23: {  	s9 =	sor.u32 $0xD0000000, s2;
	s6 =	simm.s32 $0x108;
	_ =	swait.ge @!p0 [sflag:s8], $0x0  }
0x24: {  	s3 =	sadd.s32 $0x88, s3;
	s6 =	simm.s32 @!p1 $0x1082;
	[sflag:s4] =	ssyncset.s32 $0xFFFFF086  }
0x25: {  	[simem:s6], [sflag:s4] =	dma.local [hbm:s3], $0xF7A  }
0x26: {  	[smem:$0x3F95] =	sst s1;
	(tag) =	ssettag s2;
	_ =	strace s9  }
0x27: {  	s1 =	sld [smem:$0x3FA5]  }
0x28: {  	s2 =	sld [smem:$0x3FA6]  }
0x29: {  	s4 =	sld [smem:$0x3FA8]  }
0x2a: {  	p0 =	seq.s32 s5, $0x0;
	s5 =	sld [smem:$0x3FA9]  }
0x2b: {  	s6 =	sld [smem:$0x3FAA]  }
0x2c: {  	s7 =	sld [smem:$0x3FAB]  }
0x2d: {  	s3 =	simm.s32 $0x108;
	s8 =	sld [smem:$0x3FAC]  }
0x2e: {  	s3 =	simm.s32 @!p0 $0x1082;
	s9 =	sld [smem:$0x3FAD]  }
0x2f: {  	lr =	sadd.s32 s0, s3;
	s0 =	sld [smem:$0x3FA4]  }
0x30: {  	s3 =	sld [smem:$0x3FA7]  }
0x31: {  	[smem:$0x3FB0] =	sst s10  }
0x32: {  	s10 =	sld [smem:$0x3FAE];
	_ =	sdelay $0x3  }
0x33: {  	p0 =	seq.s32 s10, $0x1;
	s10 =	sld [smem:$0x3FB0];
	_ =	sdelay $0x3  }
0x34: {  	[smem:$0x3FB0] =	sst s10  }
0x35: {  	s10 =	sld [smem:$0x3FAF];
	_ =	sdelay $0x3  }
0x36: {  	p1 =	seq.s32 s10, $0x1;
	s10 =	sld [smem:$0x3FB0];
	_ =	sdelay $0x3  }
0x37: {  	[smem:$0x3FB0] =	sst s10  }
0x38: {  	s10 =	sld [smem:$0x3FB1]  }
0x39: {  	_ = 	snop;
	(pc) =	sbr.ind lr, $3  }
0x3a: {  	_ = 	snop  }
0x3b: {  	_ = 	snop  }
0x3c: {  	p2 =	seq.s32 s10, $0x1;
	s10 =	sld [smem:$0x3FB0]  }
0x3d: {  	_ =	shalt  }
0x3e: {  	_ =	shalt  }
0x3f: {  	_ =	shalt  }
0x40: {  	_ =	shalt  }
0x41: {  	_ =	shalt  }
0x42: {  	_ =	shalt  }
0x43: {  	_ =	shalt  }
0x44: {  	_ =	shalt  }
0x45: {  	_ =	shalt  }
0x46: {  	_ =	shalt  }
0x47: {  	_ =	shalt  }
0x48: {  	_ =	shalt  }
0x49: {  	_ =	shalt  }
0x4a: {  	_ =	shalt  }
0x4b: {  	_ =	shalt  }
0x4c: {  	_ =	shalt  }
0x4d: {  	_ =	shalt  }
0x4e: {  	_ =	shalt  }
0x4f: {  	_ =	shalt  }
0x50: {  	_ =	shalt  }
0x51: {  	_ =	shalt  }
0x52: {  	_ =	shalt  }
0x53: {  	_ =	shalt  }
0x54: {  	_ =	shalt  }
0x55: {  	_ =	shalt  }
0x56: {  	_ =	shalt  }
0x57: {  	_ =	shalt  }
0x58: {  	_ =	shalt  }
0x59: {  	_ =	shalt  }
0x5a: {  	_ =	shalt  }
0x5b: {  	_ =	shalt  }
0x5c: {  	_ =	shalt  }
0x5d: {  	_ =	shalt  }
0x5e: {  	_ =	shalt  }
0x5f: {  	_ =	shalt  }
0x60: {  	_ =	shalt  }
0x61: {  	_ =	shalt  }
0x62: {  	_ =	shalt  }
0x63: {  	_ =	shalt  }
0x64: {  	_ =	shalt  }
0x65: {  	_ =	shalt  }
0x66: {  	_ =	shalt  }
0x67: {  	_ =	shalt  }
0x68: {  	_ =	shalt  }
0x69: {  	_ =	shalt  }
0x6a: {  	_ =	shalt  }
0x6b: {  	_ =	shalt  }
0x6c: {  	_ =	shalt  }
0x6d: {  	_ =	shalt  }
0x6e: {  	_ =	shalt  }
0x6f: {  	_ =	shalt  }
0x70: {  	_ =	shalt  }
0x71: {  	_ =	shalt  }
0x72: {  	_ =	shalt  }
0x73: {  	_ =	shalt  }
0x74: {  	_ =	shalt  }
0x75: {  	_ =	shalt  }
0x76: {  	_ =	shalt  }
0x77: {  	_ =	shalt  }
0x78: {  	_ =	shalt  }
0x79: {  	_ =	shalt  }
0x7a: {  	_ =	shalt  }
0x7b: {  	_ =	shalt  }
0x7c: {  	_ =	shalt  }
0x7d: {  	_ =	shalt  }
0x7e: {  	_ =	shalt  }
0x7f: {  	_ =	shalt  }
0x80: {  	_ =	shalt  }
0x81: {  	_ =	shalt  }
0x82: {  	_ =	shalt  }
0x83: {  	_ =	shalt  }
0x84: {  	_ =	shalt  }
0x85: {  	_ =	shalt  }
0x86: {  	_ =	shalt  }
0x87: {  	_ =	shalt  }
.Lfunc_end0:
.L_simem_size_0:
called_computation_lowered:
.L_overlay_start_0:
0x88: {  	s2 =	sld [smem:$0x3FD9]  }
0x89: {  	s3 =	sld [smem:$0x3FFE];
	_ =	sdelay $0x1  }
0x8a: {  	s1 =	srdreg.scid  }
0x8b: {  	s0 =	sand.u32 $0x1, s1  }
0x8c: {  	s17 =	sshll.u32 s0, $0xA;
	s2 =	sadd.s32 s3, s2  }
0x8d: {  	s2 =	sadd.s32 s2, s17  }
0x8e: {  	[smem:$0x3FBC] =	sst s2  }
0x8f: {  	_ = 	snop  }
0x90: {  	s2 =	sld [smem:$0x3FD0];
	(tm) =	ssettm $0x1  }
0x91: {  	s18 =	sld [smem:$0x3FFB];
	_ =	sdelay $0x3  }
0x92: {  	_ =	strace s18  }
0x93: {  	s3 =	sld [smem:$0x3FFC];
	_ =	sdelay $0x3  }
0x94: {  	_ =	strace s3  }
0x95: {  	s3 =	sld [smem:$0x3FFD];
	_ =	sdelay $0x3  }
0x96: {  	_ =	strace s3  }
0x97: {  	_ =	strace $0x8FFFFFFF  }
0x98: {  	s19 =	sld [smem:$0x3FDB];
	_ =	sdelay $0x1  }
0x99: {  	s4 =	simm.s32 $_scs_section_size  }
0x9a: {  	s5 =	simm.s32 $_size__tile_overlayer_lowered;
	s6 =	simm.s32 $_tile_overlayer_lowered  }
0x9b: {  	s22 =	simm.s32 $0x1BFF;
	s21 =	sshll.u32 s6, $0x1;
	s3 =	sadd.s32 s4, s19  }
0x9c: {  	s7 =	simm.s32 $0x0;
	s20 =	sshll.u32 s5, $0x1;
	s5 =	sadd.s32 s21, s3  }
0x9d: {  	[timem:s7], [sflag:s22] =	dma.local [hbm:s5], s20  }
0x9e: {  	_ =	swait.ge [sflag:s22], s20  }
0x9f: {  	s4 =	ssub.s32 $0x0, s20;
	[sflag:s22] =	ssyncset.done $0x0  }
0xa0: {  	[sflag:s22] =	ssyncadd.s32 s4;
	_ =	sdelay $0x1  }
0xa1: {  	s23 =	simm.s32 $0x1B8B  }
0xa2: {  	_ =	swait.ge [sflag:s23], $0x1  }
0xa3: {  	[sflag:s23] =	ssyncset.done $0x0  }
0xa4: {  	s25 =	simm.s32 $0x1B8E;
	s24 =	sld [smem:$0x3FFE];
	[sflag:s23] =	ssyncadd.s32 $0xFFFFFFFF  }
0xa5: {  	s26 =	simm.s32 $execute0_lowered;
	[smem:$0x3FD2] =	sst s25  }
0xa6: {  	s5 =	sshll.u32 s26, $0x1;
	_ =	strace $0x80000046;
	[dreg:$0x1] =	wrdreg $0xFFFFFFFF  }
0xa7: {  	s28 =	simm.s32 $_size_execute0_lowered;
	s3 =	sadd.s32 s3, s5;
	[dreg:$0x0] =	wrdreg $0x0  }
0xa8: {  	s5 =	sshll.u32 s28, $0x1;
	[dreg:$0x2] =	wrdreg s3  }
0xa9: {  	[dreg:$0x3] =	wrdreg s5  }
0xaa: {  	[dreg:$0x4] =	wrdreg $0xC0  }
0xab: {  	_ =	task [dreg:s7], $0x5FFFF  }
0xac: {  	[dreg:$0x1] =	wrdreg $0xFFFFFFFF  }
0xad: {  	[dreg:$0x0] =	wrdreg $0x60  }
0xae: {  	[dreg:$0x2] =	wrdreg s2  }
0xaf: {  	[dreg:$0x3] =	wrdreg s24  }
0xb0: {  	[dreg:$0x4] =	wrdreg $0x1000  }
0xb1: {  	[dreg:$0x5] =	wrdreg $0x9  }
0xb2: {  	_ =	task.clear_ibuf [dreg:s7], $0x6FFFF;
	_ =	strace $0x90000046  }
0xb3: {  	s29 =	simm.s32 $0x9;
	_ =	strace $0x80000048  }
0xb4: {  	_ =	swait.ge [sflag:s29], $0x1  }
0xb5: {  	[sflag:s29] =	ssyncadd.s32 $0xFFFFFFFF  }
0xb6: {  	_ =	strace $0x90000048  }
0xb7: {  	_ =	sfence  }
0xb8: {  	s30 =	sld [smem:$0x0];
	_ =	sdelay $0x2  }
0xb9: {  	s31 =	sshll.u32 s1, $0xD;
	s1 =	sshrl.u32 s1, $0x2  }
0xba: {  	s3 =	sand.u32 $0x4000, s31;
	s1 =	sadd.s32 s1, s30  }
0xbb: {  	s0 =	sor.u32 s3, s0;
	s1 =	sshll.u32 s1, $0x11  }
0xbc: {  	s0 =	sor.u32 s1, s0  }
0xbd: {  	s0 =	sadd.s32 $0x8F2B, s0  }
0xbe: {  	[sflag:s0] =	ssyncadd.remote.s32 $0x1  }
0xbf: {  	_ =	sfence.sel $0xFFFF  }
0xc0: {  	[dreg:$0x0] =	wrdreg $0xFFFFFFFF;
	(pc) =	sbr.abs _section_cstart, $3  }
0xc1: {  	[dreg:$0x1] =	wrdreg $0xFFFFFFFF  }
0xc2: {  	_ =	task.clear_ibuf [dreg:s7], $0x2FFFF;
	_ =	strace $0x9FFFFFFF  }
0xc3: {  	(tm) =	ssettm $0x7FFFFFFF  }
tec
execute0_lowered:
.L_overlay_start_1:
0x0: {  	(tag) =	ssettag $0x1  }
0x1: {  	s8 =	rddreg [dreg:$0x0]  }
0x2: {  	s6 =	rddreg [dreg:$0x1]  }
0x3: {  	s2 =	rddreg [dreg:$0x2]  }
0x4: {  	s0 =	rddreg [dreg:$0x3]  }
0x5: {  	s4 =	srdreg.scid;
	s1 =	stileid.u32  }
0x6: {  	s3 =	simm.s32 $0x0;
	s13 =	simm.s32 $0x0;
	s5 =	sand.u32 $0x1, s4  }
0x7: {  	s7 =	smul.u32 $0x280, s1;
	[smem:$0x7FF] =	sst s3;
	s4 =	sadd.s32 $0x1C00, s6  }
0x8: {  	s31 =	sshll.u32 s1, $0x6;
	s9 =	smul.u32 $0x2800, s5;
	s10 =	ssub.s32 $0x2, s5  }
0x9: {  	_ =	strace $0x80000047;
	s5 =	sadd.s32 $0x1A00, s6;
	s12 =	sshrl.u32 s10, $0x1  }
0xa: {  	s30 =	sadd.s32 s7, s2;
	s9 =	sadd.s32 s7, s9;
	s10 =	ssub.s32 s10, s12  }
0xb: {  	s12 =	sshrl.u32 s30, $0x3;
	s11 =	sshrl.u32 s9, $0x3;
	s7 =	smax.u32 s10, $0x1  }
0xc: {  	s8 =	sadd.s32 s8, s9;
	s9 =	simm.s32 $0x80;
	s6 =	sadd.s32 s11, s6  }
0xd: {  	s10 =	simm.s32 $0x1;
	s11 =	sor.u32 $0x1C01, s31;
	s6 =	sadd.s32 $0x1E00, s6  }
.LBB2_1:
0xe: {  	[tilespmem:s9], [sflag:$0x1] =	stream.linear.gather [hbm4b:s4+s3], $0x80, $0x38;
	[tilespmem:$0x380] =	vst v63  }
0xf: {  	_ =	swait.ge [sflag:s10], $0x80  }
0x10: {  	[sflag:s10] =	ssyncset.done $0x0  }
0x11: {  	[sflag:s10] =	ssyncadd.s32 $0xFFFFFF80  }
0x12: {  	[spmem:s12], [sflag:s11] =	dma.local [hbm:s5], $0x50  }
0x13: {  	_ =	swait.ge [sflag:s10], $0x50  }
0x14: {  	[sflag:s10] =	ssyncset.done $0x0  }
0x15: {  	[sflag:s10] =	ssyncadd.s32 $0xFFFFFFB0  }
0x16: {  	s14 =	sadd.s32 $0x0, s8;
	[bflag:$0x0] =	sbarrier.arrive $0xFFFF  }
0x17: {  	[tilespmem:s3], [sflag:$0x1] =	stream.linear.gather [hbm4b:s14+s3], $0x80, $0x38;
	[tilespmem:$0x380] =	vst v63  }
0x18: {  	_ =	swait.ge [sflag:s10], $0x80  }
0x19: {  	[sflag:s10] =	ssyncset.done $0x0  }
0x1a: {  	[sflag:s10] =	ssyncadd.s32 $0xFFFFFF80  }
0x1b: {  	[spmem:s2] =	stream.indirect.scatter.add.f32 [tilespmem:s9], [sflag:$0x1], $0x1, s3, s9, $0xb8;
	[tilespmem:$0x380] =	vst v63  }
0x1c: {  	_ =	swait.ge [sflag:s10], $0x80  }
0x1d: {  	s15 =	simm.s32 $0x20;
	s14 =	simm.s32 $0x10;
	[sflag:s10] =	ssyncset.done $0x0  }
.LBB2_2:
0x1e: {  	s16 =	sadd.s32 s14, s8  }
0x1f: {  	[sflag:s10] =	ssyncadd.s32 $0xFFFFFF80;
	s14 =	smov.u32 s15;
	s17 =	sadd.s32 $0x10, s15  }
0x20: {  	[tilespmem:s3], [sflag:$0x1] =	stream.linear.gather [hbm4b:s16+s3], $0x80, $0x38;
	[tilespmem:$0x380] =	vst v63  }
0x21: {  	p0 =	sne.s32 s15, $0x270;
	_ =	swait.ge [sflag:s10], $0x80  }
.Ltmp0:
0x22: {  	[sflag:s10] =	ssyncset.done $0x0;
	(pc) =	sbr.rel @p0 .LBB2_2-.Ltmp0, $4  }
0x23: {  	[sflag:s10] =	ssyncadd.s32 $0xFFFFFF80  }
0x24: {  	[spmem:s2] =	stream.indirect.scatter.add.f32 [tilespmem:s9], [sflag:$0x1], $0x1, s3, s9, $0xb8;
	[tilespmem:$0x380] =	vst v63  }
0x25: {  	_ =	swait.ge [sflag:s10], $0x80  }
0x26: {  	s15 =	smov.u32 s17;
	[sflag:s10] =	ssyncset.done $0x0  }
0x27: {  	s14 =	sadd.s32 s14, s8;
	[sflag:s10] =	ssyncadd.s32 $0xFFFFFF80  }
0x28: {  	[tilespmem:s3], [sflag:$0x1] =	stream.linear.gather [hbm4b:s14+s3], $0x80, $0x38;
	[tilespmem:$0x380] =	vst v63  }
0x29: {  	_ =	swait.ge [sflag:s10], $0x80  }
0x2a: {  	[sflag:s10] =	ssyncset.done $0x0  }
0x2b: {  	[sflag:s10] =	ssyncadd.s32 $0xFFFFFF80  }
0x2c: {  	[spmem:s2] =	stream.indirect.scatter.add.f32 [tilespmem:s9], [sflag:$0x1], $0x1, s3, s9, $0xb8;
	[tilespmem:$0x380] =	vst v63  }
0x2d: {  	_ =	swait.ge [sflag:s10], $0x80  }
0x2e: {  	s13 =	sadd.s32 $0x1, s13;
	[sflag:s10] =	ssyncset.done $0x0  }
0x2f: {  	p0 =	sne.s32 s13, s7;
	[sflag:s10] =	ssyncadd.s32 $0xFFFFFF80  }
.Ltmp1:
0x30: {  	[bflag:$0x0] =	sbarrier.arrive $0xFFFF;
	(pc) =	sbr.rel @p0 .LBB2_1-.Ltmp1, $4  }
0x31: {  	[hbm:s6], [sflag:s11] =	dma.local [spmem:s12], $0x50  }
0x32: {  	_ =	swait.ge [sflag:s10], $0x50  }
0x33: {  	[sflag:s10] =	ssyncset.done $0x0  }
0x34: {  	[sflag:s10] =	ssyncadd.s32 $0xFFFFFFB0  }
0x35: {  	_ =	sfence.sel $0x180000  }
0x36: {  	[bflag:$0x0] =	sbarrier.arrive $0xFFFF  }
0x37: {  	p0 =	sne.s32 s1, $0x0;
	_ =	strace $0x90000047  }
0x38: {  	s0 =	sadd.s32 @!p0 $0x100000, s0;
	[bflag:$0x2] =	sbarrier.arrive $0xFFFF  }
0x39: {  	[sflag:s0] =	ssyncadd.tile.s32 @!p0 $0x1;
	_ =	shalt  }
.Lfunc_end2:
_tile_overlayer_lowered:
.L_overlay_start_2:
0x3a: {  	(tag) =	ssettag $0x2  }
0x3b: {  	s0 =	rddreg [dreg:$0x0];
	s2 =	stileid.u32  }
0x3c: {  	s1 =	rddreg [dreg:$0x1];
	p0 =	sne.s32 s2, $0x0  }
0x3d: {  	s3 =	rddreg [dreg:$0x2];
	[bflag:$0x3] =	sbarrier.arrive $0xFFFF;
	s2 =	simm.s32 @!p0 $0x1C01  }
0x3e: {  	[timem:s3], [sflag:s2] =	dma.local @!p0 [hbm:s0], s1  }
0x3f: {  	s0 =	simm.s32 @!p0 $0x1  }
0x40: {  	_ =	swait.ge @!p0 [sflag:s0], s1  }
0x41: {  	s1 =	ssub.s32 @!p0 $0x0, s1;
	[sflag:s0] =	ssyncset.done @!p0 $0x0  }
0x42: {  	[sflag:s0] =	ssyncadd.s32 @!p0 s1  }
0x43: {  	[bflag:$0x3] =	sbarrier.arrive $0xFFFF  }
0x44: {  	_ =	shalt  }

</sc_bundles>
